<compile_context>
chip_gen: v7x
topology: tpu7x:2x2x1
jax: 0.10.2.dev20260603
libtpu: 0.0.44.dev20260713+nightly
codegen_flags: <defaults>
</compile_context>

<pallas_src>
import functools

import jax
import jax.numpy as jnp
from jax import lax
from jax.experimental import pallas as pl
from jax.experimental.pallas import tpu as pltpu
from jax.experimental.pallas import tpu_sc as plsc

_N = 10000
_D = 128
_E = 320000
_DE = 16
_P = 128

_NC = 2
_NS = 16
_NW = _NC * _NS
_B = 128
_BT = (-(-_E // (_NW * _B)) + 7) // 8 * 8
_EPAD = _NW * _BT * _B
_ACC = 10240
_CPT = _ACC // _NS // _B
_R0 = _ACC // _NS

_mesh = plsc.VectorSubcoreMesh(
    core_axis_name="c", subcore_axis_name="s", num_cores=_NC, num_subcores=_NS)


_K = 2
_HB = _BT // 2


def _make_segsum(width):
    ch = width // 16

    def body(table_hbm, src_hbm, dst_hbm, out_hbm, src_v, dst_v, rows_v, acc, sem):
        cid = lax.axis_index("c")
        sid = lax.axis_index("s")
        wid = sid * _NC + cid

        def zrow(i, c):
            rows_v[i // ch, pl.ds((i % ch) * 16, 16)] = jnp.zeros((16,), jnp.float32)
            return c
        lax.fori_loop(0, _B * ch, zrow, 0)

        row0 = sid * _R0

        def zacc(k, c):
            pltpu.sync_copy(rows_v.at[pl.ds(0, _B)], acc.at[pl.ds(row0 + k * _B, _B)])
            return c
        lax.fori_loop(0, _CPT, zacc, 0)
        plsc.subcore_barrier()

        def half_loop(hf, c):
            pltpu.sync_copy(src_hbm.at[wid, pl.ds(hf * _HB, _HB)], src_v)
            pltpu.sync_copy(dst_hbm.at[wid, pl.ds(hf * _HB, _HB)], dst_v)

            def edge_group(g, c2):
                handles = []
                for i in range(_K):
                    handles.append(pltpu.async_copy(
                        table_hbm.at[src_v.at[g * _K + i]],
                        rows_v.at[pl.ds(i * _B, _B)], sem))
                for i in range(_K):
                    handles[i].wait()
                    pltpu.sync_copy(rows_v.at[pl.ds(i * _B, _B)],
                                    acc.at[dst_v.at[g * _K + i]], add=True)
                return c2
            lax.fori_loop(0, _HB // _K, edge_group, 0)
            return c
        lax.fori_loop(0, 2, half_loop, 0)
        plsc.subcore_barrier()

        def copyout(k, c):
            pltpu.sync_copy(acc.at[pl.ds(row0 + k * _B, _B)], rows_v.at[pl.ds(0, _B)])
            pltpu.sync_copy(rows_v.at[pl.ds(0, _B)],
                            out_hbm.at[cid, pl.ds(row0 + k * _B, _B)])
            return c
        lax.fori_loop(0, _CPT, copyout, 0)

    return functools.partial(
        pl.kernel,
        out_type=jax.ShapeDtypeStruct((_NC, _ACC, width), jnp.float32),
        mesh=_mesh,
        scratch_types=[
            pltpu.VMEM((_HB, _B), jnp.int32),
            pltpu.VMEM((_HB, _B), jnp.int32),
            pltpu.VMEM((_K * _B, width), jnp.float32),
            pltpu.VMEM_SHARED((_ACC, width), jnp.float32),
            pltpu.SemaphoreType.DMA,
        ],
    )(body)


_sc_seg_d = _make_segsum(_D)
_sc_seg_p = _sc_seg_d


_TCR = 1000


def _tc_layer_body(p_ref, pk_ref, wh_ref, u_ref, o_ref):
    p = p_ref[0] + p_ref[1]
    pk = pk_ref[0] + pk_ref[1]
    cnt = pk[:, _DE:_DE + 1]
    invc = 1.0 / jnp.maximum(cnt, 1.0)
    h = jnp.dot(p * invc, wh_ref[...], preferred_element_type=jnp.float32)
    h = h + jnp.dot(pk * invc, u_ref[...], preferred_element_type=jnp.float32)
    o_ref[...] = jnp.maximum(h, 0.0)


_tc_layer = pl.pallas_call(
    _tc_layer_body,
    grid=(_N // _TCR,),
    in_specs=[
        pl.BlockSpec((_NC, _TCR, _D), lambda m: (0, m, 0)),
        pl.BlockSpec((_NC, _TCR, _P), lambda m: (0, m, 0)),
        pl.BlockSpec((_D, _D), lambda m: (0, 0)),
        pl.BlockSpec((_P, _D), lambda m: (0, 0)),
    ],
    out_specs=pl.BlockSpec((_TCR, _D), lambda m: (m, 0)),
    out_shape=jax.ShapeDtypeStruct((_N, _D), jnp.float32),
)


def kernel(x, edge_index, origin_edge_features, W_ef, b_ef, W1, b1, W2, b2, W3, b3):
    src = edge_index[0].astype(jnp.int32)
    dst = edge_index[1].astype(jnp.int32)
    pad = _EPAD - _E
    src_p = jnp.concatenate(
        [src, jnp.zeros((pad,), jnp.int32)]).reshape(_NW, _BT, _B)
    dst_p = jnp.concatenate(
        [dst, jnp.full((pad,), _N, jnp.int32)]).reshape(_NW, _BT, _B)

    packed = jnp.concatenate(
        [origin_edge_features,
         jnp.ones((_E, 1), jnp.float32),
         jnp.zeros((_E, _P - _DE - 1), jnp.float32)], axis=1)
    packed = jnp.concatenate([packed, jnp.zeros((pad, _P), jnp.float32)], axis=0)
    lin = jnp.arange(_EPAD, dtype=jnp.int32).reshape(_NW, _BT, _B)

    pk = _sc_seg_p(packed, lin, dst_p)

    h = x
    for W, b in ((W1, b1), (W2, b2), (W3, b3)):
        Wh, We = W[:_D], W[_D:]
        U = jnp.concatenate(
            [W_ef @ We,
             (b_ef @ We + b).reshape(1, _D),
             jnp.zeros((_P - _DE - 1, _D), jnp.float32)], axis=0)
        p = _sc_seg_d(h, src_p, dst_p)
        h = _tc_layer(p, pk, Wh, U)
    return h

# --- scband reference (transcript-rebuilt; emitter-appended) ---
"""Pipeline reference for scband-tmatching-88227218195147 (READ-ONLY COPY).

The authoritative reference and input builder live on the scoring server;
editing this copy changes nothing except your own understanding.
"""

import jax, jax.numpy as jnp
import numpy as np

N = 10000
E = 320000
D_IN = 128          # initial node feature dim (== FLAGS.MAX_SUM_LEAFS)
D_EDGE_IN = 16      # edge_feature_input_dim
D_EMB = 16          # edge_feature_embedding_dim
D_NODE = 128        # node_embedding_dim


def setup_inputs(seed: int = 0) -> dict:
    key = jax.random.key(seed)
    ks = jax.random.split(key, 12)
    x = jax.random.normal(ks[0], (N, D_IN), dtype=jnp.float32)
    edge_index = jax.random.randint(ks[1], (2, E), 0, N)
    origin_edge_features = jax.random.normal(ks[2], (E, D_EDGE_IN), dtype=jnp.float32)
    # edge_feature_mlp: Linear(D_EDGE_IN -> D_EMB)
    W_ef = jax.random.normal(ks[3], (D_EDGE_IN, D_EMB), dtype=jnp.float32) / np.sqrt(D_EDGE_IN)
    b_ef = jnp.zeros((D_EMB,), dtype=jnp.float32)
    # TEGConv 1: Linear(D_IN + D_EMB -> D_NODE)
    W1 = jax.random.normal(ks[4], (D_IN + D_EMB, D_NODE), dtype=jnp.float32) / np.sqrt(D_IN + D_EMB)
    b1 = jnp.zeros((D_NODE,), dtype=jnp.float32)
    # TEGConv 2 & 3: Linear(D_NODE + D_EMB -> D_NODE)
    W2 = jax.random.normal(ks[5], (D_NODE + D_EMB, D_NODE), dtype=jnp.float32) / np.sqrt(D_NODE + D_EMB)
    b2 = jnp.zeros((D_NODE,), dtype=jnp.float32)
    W3 = jax.random.normal(ks[6], (D_NODE + D_EMB, D_NODE), dtype=jnp.float32) / np.sqrt(D_NODE + D_EMB)
    b3 = jnp.zeros((D_NODE,), dtype=jnp.float32)
    return {"x": x, "edge_index": edge_index, "origin_edge_features": origin_edge_features,
            "W_ef": W_ef, "b_ef": b_ef, "W1": W1, "b1": b1, "W2": W2, "b2": b2, "W3": W3, "b3": b3}


def _scatter_mean(vals, idx, num_segments):
    s = jax.ops.segment_sum(vals, idx, num_segments=num_segments)
    cnt = jax.ops.segment_sum(jnp.ones((vals.shape[0],), vals.dtype), idx, num_segments=num_segments)
    return s / jnp.maximum(cnt, 1.0)[:, None]


def reference(x, edge_index, origin_edge_features, W_ef, b_ef, W1, b1, W2, b2, W3, b3):
    src = edge_index[0, :]
    dst = edge_index[1, :]
    ef = origin_edge_features @ W_ef + b_ef  # edge_feature_mlp, shared across layers

    def teg_conv(h, W, b):
        g = h[src]                                   # gather source node features
        h2 = jnp.concatenate([g, ef], axis=1) @ W + b  # edge_mlp
        return _scatter_mean(h2, dst, N)              # scatter_mean over dst

    h = jax.nn.relu(teg_conv(x, W1, b1))
    h = jax.nn.relu(teg_conv(h, W2, b2))
    h = jax.nn.relu(teg_conv(h, W3, b3))
    return h

if __name__ == "__main__":
    import jax
    _d = setup_inputs()
    print(jax.jit(kernel)(*tuple(_d.values())))

</pallas_src>

<mosaic_0001>
#map = affine_map<(d0, d1) -> (0, 0)>
#map1 = affine_map<(d0, d1) -> (0, 0, 0)>
module attributes {stable_mosaic.version = 14 : i64} {
  func.func @body(%arg0: i32, %arg1: i32, %arg2: memref<10000x128xf32, #tpu.memory_space<hbm>>, %arg3: memref<32x80x128xi32, #tpu.memory_space<hbm>>, %arg4: memref<32x80x128xi32, #tpu.memory_space<hbm>>, %arg5: memref<2x10240x128xf32, #tpu.memory_space<hbm>>, %arg6: memref<40x128xi32, #tpu.memory_space<vmem>>, %arg7: memref<40x128xi32, #tpu.memory_space<vmem>>, %arg8: memref<256x128xf32, #tpu.memory_space<vmem>>, %arg9: memref<10240x128xf32, #tpu.memory_space<vmem_shared>>, %arg10: memref<!tpu.dma_semaphore, #tpu.memory_space<semaphore_mem>>) attributes {dimension_semantics = [#tpu.dimension_semantics<core_parallel>, #tpu.dimension_semantics<subcore_parallel>], iteration_bounds = array<i64: 2, 16>, scalar_prefetch = 0 : i64, scratch_operands = 5 : i64, tpu.core_type = #tpu.core_type<sc_vector_subcore>, window_params = [{transform_indices = #map}, {transform_indices = #map1}, {transform_indices = #map1}, {transform_indices = #map1}]} {
    %mul3A = arith.constant 2 : i32
    %mul3A_0 = arith.muli %arg1, %mul3A : i32
    %add3A = arith.addi %mul3A_0, %arg0 : i32
    %scan3A = arith.constant 0 : i32
    %scan3A_1 = arith.constant 0 : i32
    %scan3A_2 = arith.constant 1024 : i32
    %scan3A_3 = arith.addi %scan3A_1, %scan3A_2 : i32
    %scan3A_4 = arith.constant 1 : i32
    scf.for %scan3A_27 = %scan3A_1 to %scan3A_3 step %scan3A_4  : i32 {
      %broadcast_in_dim3A = arith.constant 0.000000e+00 : f32
      %broadcast_in_dim3A_28 = vector.broadcast %broadcast_in_dim3A : f32 to vector<16xf32>
      %jit3A = arith.constant 8 : i32
      %div3A = arith.divsi %scan3A_27, %jit3A : i32
      %sign3A = arith.constant 0 : i32
      %sign3A_29 = arith.cmpi sgt, %scan3A_27, %sign3A : i32
      %sign3A_30 = arith.extui %sign3A_29 : i1 to i32
      %sign3A_31 = arith.constant 0 : i32
      %sign3A_32 = arith.cmpi slt, %scan3A_27, %sign3A_31 : i32
      %sign3A_33 = arith.extui %sign3A_32 : i1 to i32
      %sign3A_34 = arith.subi %sign3A_30, %sign3A_33 : i32
      %sign3A_35 = arith.constant 0 : i32
      %sign3A_36 = arith.cmpi sgt, %jit3A, %sign3A_35 : i32
      %sign3A_37 = arith.extui %sign3A_36 : i1 to i32
      %sign3A_38 = arith.constant 0 : i32
      %sign3A_39 = arith.cmpi slt, %jit3A, %sign3A_38 : i32
      %sign3A_40 = arith.extui %sign3A_39 : i1 to i32
      %sign3A_41 = arith.subi %sign3A_37, %sign3A_40 : i32
      %ne3A = arith.cmpi ne, %sign3A_34, %sign3A_41 : i32
      %rem3A = arith.remsi %scan3A_27, %jit3A : i32
      %ne3A_42 = arith.constant 0 : i32
      %ne3A_43 = arith.cmpi ne, %rem3A, %ne3A_42 : i32
      %and3A = arith.andi %ne3A, %ne3A_43 : i1
      %sub3A = arith.constant 1 : i32
      %sub3A_44 = arith.subi %div3A, %sub3A : i32
      %select_n3A = arith.select %and3A, %sub3A_44, %div3A : i32
      %jit3A_45 = arith.constant 8 : i32
      %eq3A = arith.constant 0 : i32
      %eq3A_46 = arith.cmpi eq, %jit3A_45, %eq3A : i32
      %jit3A_47 = arith.constant 1 : i32
      %select_n3A_48 = arith.select %eq3A_46, %jit3A_47, %jit3A_45 : i32
      %rem3A_49 = arith.remsi %scan3A_27, %select_n3A_48 : i32
      %ne3A_50 = arith.constant 0 : i32
      %ne3A_51 = arith.cmpi ne, %rem3A_49, %ne3A_50 : i32
      %lt3A = arith.constant 0 : i32
      %lt3A_52 = arith.cmpi slt, %rem3A_49, %lt3A : i32
      %lt3A_53 = arith.constant 0 : i32
      %lt3A_54 = arith.cmpi slt, %select_n3A_48, %lt3A_53 : i32
      %ne3A_55 = arith.xori %lt3A_52, %lt3A_54 : i1
      %and3A_56 = arith.andi %ne3A_55, %ne3A_51 : i1
      %add3A_57 = arith.addi %rem3A_49, %select_n3A_48 : i32
      %select_n3A_58 = arith.select %and3A_56, %add3A_57, %rem3A_49 : i32
      %mul3A_59 = arith.constant 16 : i32
      %mul3A_60 = arith.muli %select_n3A_58, %mul3A_59 : i32
      %swap3A = arith.index_cast %select_n3A : i32 to index
      %swap3A_61 = arith.index_cast %mul3A_60 : i32 to index
      %swap3A_62 = tpu.vector_load %arg8[%swap3A, %swap3A_61] {strides = array<i32>} : memref<256x128xf32, #tpu.memory_space<vmem>>, vector<1x16xf32>,
      %swap3A_63 = vector.shape_cast %swap3A_62 : vector<1x16xf32> to vector<16xf32>
      %swap3A_64 = vector.shape_cast %broadcast_in_dim3A_28 : vector<16xf32> to vector<1x16xf32>
      tpu.vector_store %arg8[%swap3A, %swap3A_61], %swap3A_64 {strides = array<i32>} : memref<256x128xf32, #tpu.memory_space<vmem>>, vector<1x16xf32>,
    }
    %scan3A_5 = arith.constant 1024 : i32
    %mul3A_6 = arith.constant 640 : i32
    %mul3A_7 = arith.muli %arg1, %mul3A_6 : i32
    %scan3A_8 = arith.constant 0 : i32
    %scan3A_9 = arith.constant 0 : i32
    %scan3A_10 = arith.constant 5 : i32
    %scan3A_11 = arith.addi %scan3A_9, %scan3A_10 : i32
    %scan3A_12 = arith.constant 1 : i32
    scf.for %scan3A_27 = %scan3A_9 to %scan3A_11 step %scan3A_12  : i32 {
      %mul3A_28 = arith.constant 128 : i32
      %mul3A_29 = arith.muli %scan3A_27, %mul3A_28 : i32
      %add3A_30 = arith.addi %mul3A_7, %mul3A_29 : i32
      "tpu.region"() ({
        %run_scoped3A = tpu.sem_alloc : memref<!tpu.dma_semaphore, #tpu.memory_space<semaphore_mem>>
        %dma_start3A = arith.constant 0 : i32
        %dma_start3A_31 = arith.constant 0 : i32
        %dma_start3A_32 = tpu.memref_slice %arg8[%dma_start3A, %dma_start3A_31] : memref<256x128xf32, #tpu.memory_space<vmem>> -> memref<128x128xf32, #tpu.memory_space<vmem>>
        %dma_start3A_33 = arith.constant 0 : i32
        %dma_start3A_34 = tpu.memref_slice %arg9[%add3A_30, %dma_start3A_33] : memref<10240x128xf32, #tpu.memory_space<vmem_shared>> -> memref<128x128xf32, #tpu.memory_space<vmem_shared>>
        %dma_start3A_35 = arith.constant 0 : i32
        %dma_start3A_36 = tpu.memref_slice %arg9[%add3A_30, %dma_start3A_35] : memref<10240x128xf32, #tpu.memory_space<vmem_shared>> -> memref<128x128xf32, #tpu.memory_space<vmem_shared>>
        %dma_start3A_37 = arith.constant 0 : i32
        %dma_start3A_38 = arith.constant 0 : i32
        %dma_start3A_39 = tpu.memref_slice %arg8[%dma_start3A_37, %dma_start3A_38] : memref<256x128xf32, #tpu.memory_space<vmem>> -> memref<128x128xf32, #tpu.memory_space<vmem>>
        tpu.enqueue_dma source(%dma_start3A_39 : memref<128x128xf32, #tpu.memory_space<vmem>>) target(%dma_start3A_36 : memref<128x128xf32, #tpu.memory_space<vmem_shared>>) target_semaphore(%run_scoped3A : memref<!tpu.dma_semaphore, #tpu.memory_space<semaphore_mem>>)
        %dma_wait3A = arith.constant 0 : i32
        %dma_wait3A_40 = arith.constant 0 : i32
        %dma_wait3A_41 = tpu.memref_slice %arg8[%dma_wait3A, %dma_wait3A_40] : memref<256x128xf32, #tpu.memory_space<vmem>> -> memref<128x128xf32, #tpu.memory_space<vmem>>
        %dma_wait3A_42 = arith.constant 0 : i32
        %dma_wait3A_43 = tpu.memref_slice %arg9[%add3A_30, %dma_wait3A_42] : memref<10240x128xf32, #tpu.memory_space<vmem_shared>> -> memref<128x128xf32, #tpu.memory_space<vmem_shared>>
        %dma_wait3A_44 = arith.constant 0 : i32
        %dma_wait3A_45 = tpu.memref_slice %arg9[%add3A_30, %dma_wait3A_44] : memref<10240x128xf32, #tpu.memory_space<vmem_shared>> -> memref<128x128xf32, #tpu.memory_space<vmem_shared>>
        %dma_wait3A_46 = arith.constant 0 : i32
        %dma_wait3A_47 = arith.constant 0 : i32
        %dma_wait3A_48 = tpu.memref_slice %arg8[%dma_wait3A_46, %dma_wait3A_47] : memref<256x128xf32, #tpu.memory_space<vmem>> -> memref<128x128xf32, #tpu.memory_space<vmem>>
        tpu.wait_dma2 semaphore(%run_scoped3A : memref<!tpu.dma_semaphore, #tpu.memory_space<semaphore_mem>>) src(%dma_wait3A_48 : memref<128x128xf32, #tpu.memory_space<vmem>>) dst(%dma_wait3A_45 : memref<128x128xf32, #tpu.memory_space<vmem_shared>>)
        tpu.yield
      }) : () -> ()
    }
    %scan3A_13 = arith.constant 5 : i32
    %barrier3A = arith.constant 0 : index
    tpu.barrier barrier_id(%barrier3A)
    %scan3A_14 = arith.constant 0 : i32
    %scan3A_15 = arith.constant 0 : i32
    %scan3A_16 = arith.constant 2 : i32
    %scan3A_17 = arith.addi %scan3A_15, %scan3A_16 : i32
    %scan3A_18 = arith.constant 1 : i32
    scf.for %scan3A_27 = %scan3A_15 to %scan3A_17 step %scan3A_18  : i32 {
      %mul3A_28 = arith.constant 40 : i32
      %mul3A_29 = arith.muli %scan3A_27, %mul3A_28 : i32
      "tpu.region"() ({
        %run_scoped3A = tpu.sem_alloc : memref<!tpu.dma_semaphore, #tpu.memory_space<semaphore_mem>>
        %dma_start3A = arith.constant 0 : i32
        %dma_start3A_38 = tpu.memref_slice %arg3[%add3A, %mul3A_29, %dma_start3A] : memref<32x80x128xi32, #tpu.memory_space<hbm>> -> memref<1x40x128xi32, #tpu.memory_space<hbm>>
        %dma_start3A_39 = tpu.memref_squeeze %dma_start3A_38 : memref<1x40x128xi32, #tpu.memory_space<hbm>> -> memref<40x128xi32, #tpu.memory_space<hbm>>
        %dma_start3A_40 = arith.constant 0 : i32
        %dma_start3A_41 = tpu.memref_slice %arg3[%add3A, %mul3A_29, %dma_start3A_40] : memref<32x80x128xi32, #tpu.memory_space<hbm>> -> memref<1x40x128xi32, #tpu.memory_space<hbm>>
        %dma_start3A_42 = tpu.memref_squeeze %dma_start3A_41 : memref<1x40x128xi32, #tpu.memory_space<hbm>> -> memref<40x128xi32, #tpu.memory_space<hbm>>
        tpu.enqueue_dma source(%dma_start3A_42 : memref<40x128xi32, #tpu.memory_space<hbm>>) target(%arg6 : memref<40x128xi32, #tpu.memory_space<vmem>>) target_semaphore(%run_scoped3A : memref<!tpu.dma_semaphore, #tpu.memory_space<semaphore_mem>>)
        %dma_wait3A = arith.constant 0 : i32
        %dma_wait3A_43 = tpu.memref_slice %arg3[%add3A, %mul3A_29, %dma_wait3A] : memref<32x80x128xi32, #tpu.memory_space<hbm>> -> memref<1x40x128xi32, #tpu.memory_space<hbm>>
        %dma_wait3A_44 = tpu.memref_squeeze %dma_wait3A_43 : memref<1x40x128xi32, #tpu.memory_space<hbm>> -> memref<40x128xi32, #tpu.memory_space<hbm>>
        %dma_wait3A_45 = arith.constant 0 : i32
        %dma_wait3A_46 = tpu.memref_slice %arg3[%add3A, %mul3A_29, %dma_wait3A_45] : memref<32x80x128xi32, #tpu.memory_space<hbm>> -> memref<1x40x128xi32, #tpu.memory_space<hbm>>
        %dma_wait3A_47 = tpu.memref_squeeze %dma_wait3A_46 : memref<1x40x128xi32, #tpu.memory_space<hbm>> -> memref<40x128xi32, #tpu.memory_space<hbm>>
        tpu.wait_dma2 semaphore(%run_scoped3A : memref<!tpu.dma_semaphore, #tpu.memory_space<semaphore_mem>>) src(%dma_wait3A_47 : memref<40x128xi32, #tpu.memory_space<hbm>>) dst(%arg6 : memref<40x128xi32, #tpu.memory_space<vmem>>)
        tpu.yield
      }) : () -> ()
      %mul3A_30 = arith.constant 40 : i32
      %mul3A_31 = arith.muli %scan3A_27, %mul3A_30 : i32
      "tpu.region"() ({
        %run_scoped3A = tpu.sem_alloc : memref<!tpu.dma_semaphore, #tpu.memory_space<semaphore_mem>>
        %dma_start3A = arith.constant 0 : i32
        %dma_start3A_38 = tpu.memref_slice %arg4[%add3A, %mul3A_31, %dma_start3A] : memref<32x80x128xi32, #tpu.memory_space<hbm>> -> memref<1x40x128xi32, #tpu.memory_space<hbm>>
        %dma_start3A_39 = tpu.memref_squeeze %dma_start3A_38 : memref<1x40x128xi32, #tpu.memory_space<hbm>> -> memref<40x128xi32, #tpu.memory_space<hbm>>
        %dma_start3A_40 = arith.constant 0 : i32
        %dma_start3A_41 = tpu.memref_slice %arg4[%add3A, %mul3A_31, %dma_start3A_40] : memref<32x80x128xi32, #tpu.memory_space<hbm>> -> memref<1x40x128xi32, #tpu.memory_space<hbm>>
        %dma_start3A_42 = tpu.memref_squeeze %dma_start3A_41 : memref<1x40x128xi32, #tpu.memory_space<hbm>> -> memref<40x128xi32, #tpu.memory_space<hbm>>
        tpu.enqueue_dma source(%dma_start3A_42 : memref<40x128xi32, #tpu.memory_space<hbm>>) target(%arg7 : memref<40x128xi32, #tpu.memory_space<vmem>>) target_semaphore(%run_scoped3A : memref<!tpu.dma_semaphore, #tpu.memory_space<semaphore_mem>>)
        %dma_wait3A = arith.constant 0 : i32
        %dma_wait3A_43 = tpu.memref_slice %arg4[%add3A, %mul3A_31, %dma_wait3A] : memref<32x80x128xi32, #tpu.memory_space<hbm>> -> memref<1x40x128xi32, #tpu.memory_space<hbm>>
        %dma_wait3A_44 = tpu.memref_squeeze %dma_wait3A_43 : memref<1x40x128xi32, #tpu.memory_space<hbm>> -> memref<40x128xi32, #tpu.memory_space<hbm>>
        %dma_wait3A_45 = arith.constant 0 : i32
        %dma_wait3A_46 = tpu.memref_slice %arg4[%add3A, %mul3A_31, %dma_wait3A_45] : memref<32x80x128xi32, #tpu.memory_space<hbm>> -> memref<1x40x128xi32, #tpu.memory_space<hbm>>
        %dma_wait3A_47 = tpu.memref_squeeze %dma_wait3A_46 : memref<1x40x128xi32, #tpu.memory_space<hbm>> -> memref<40x128xi32, #tpu.memory_space<hbm>>
        tpu.wait_dma2 semaphore(%run_scoped3A : memref<!tpu.dma_semaphore, #tpu.memory_space<semaphore_mem>>) src(%dma_wait3A_47 : memref<40x128xi32, #tpu.memory_space<hbm>>) dst(%arg7 : memref<40x128xi32, #tpu.memory_space<vmem>>)
        tpu.yield
      }) : () -> ()
      %scan3A_32 = arith.constant 0 : i32
      %scan3A_33 = arith.constant 0 : i32
      %scan3A_34 = arith.constant 20 : i32
      %scan3A_35 = arith.addi %scan3A_33, %scan3A_34 : i32
      %scan3A_36 = arith.constant 1 : i32
      scf.for %scan3A_38 = %scan3A_33 to %scan3A_35 step %scan3A_36  : i32 {
        %mul3A_39 = arith.constant 2 : i32
        %mul3A_40 = arith.muli %scan3A_38, %mul3A_39 : i32
        %add3A_41 = arith.constant 0 : i32
        %add3A_42 = arith.addi %mul3A_40, %add3A_41 : i32
        %dma_start3A = arith.constant 0 : i32
        %dma_start3A_43 = arith.constant 0 : i32
        %dma_start3A_44 = tpu.memref_slice %arg8[%dma_start3A, %dma_start3A_43] : memref<256x128xf32, #tpu.memory_space<vmem>> -> memref<128x128xf32, #tpu.memory_space<vmem>>
        %dma_start3A_45 = arith.constant 0 : i32
        %dma_start3A_46 = tpu.memref_slice %arg6[%add3A_42, %dma_start3A_45] : memref<40x128xi32, #tpu.memory_space<vmem>> -> memref<1x128xi32, #tpu.memory_space<vmem>>
        %dma_start3A_47 = tpu.memref_squeeze %dma_start3A_46 : memref<1x128xi32, #tpu.memory_space<vmem>> -> memref<128xi32, #tpu.memory_space<vmem>>
        %dma_start3A_48 = arith.constant 0 : i32
        %dma_start3A_49 = arith.constant 0 : i32
        %dma_start3A_50 = tpu.memref_slice %arg2[%dma_start3A_48, %dma_start3A_49] : memref<10000x128xf32, #tpu.memory_space<hbm>> -> memref<10000x128xf32, #tpu.memory_space<hbm>>
        tpu.enqueue_indirect_dma source(%dma_start3A_50 : memref<10000x128xf32, #tpu.memory_space<hbm>>) target(%dma_start3A_44 : memref<128x128xf32, #tpu.memory_space<vmem>>) offsets(%dma_start3A_47 : memref<128xi32, #tpu.memory_space<vmem>>) semaphore(%arg10 : memref<!tpu.dma_semaphore, #tpu.memory_space<semaphore_mem>>)
        %mul3A_51 = arith.constant 2 : i32
        %mul3A_52 = arith.muli %scan3A_38, %mul3A_51 : i32
        %add3A_53 = arith.constant 1 : i32
        %add3A_54 = arith.addi %mul3A_52, %add3A_53 : i32
        %dma_start3A_55 = arith.constant 128 : i32
        %dma_start3A_56 = arith.constant 0 : i32
        %dma_start3A_57 = tpu.memref_slice %arg8[%dma_start3A_55, %dma_start3A_56] : memref<256x128xf32, #tpu.memory_space<vmem>> -> memref<128x128xf32, #tpu.memory_space<vmem>>
        %dma_start3A_58 = arith.constant 0 : i32
        %dma_start3A_59 = tpu.memref_slice %arg6[%add3A_54, %dma_start3A_58] : memref<40x128xi32, #tpu.memory_space<vmem>> -> memref<1x128xi32, #tpu.memory_space<vmem>>
        %dma_start3A_60 = tpu.memref_squeeze %dma_start3A_59 : memref<1x128xi32, #tpu.memory_space<vmem>> -> memref<128xi32, #tpu.memory_space<vmem>>
        %dma_start3A_61 = arith.constant 0 : i32
        %dma_start3A_62 = arith.constant 0 : i32
        %dma_start3A_63 = tpu.memref_slice %arg2[%dma_start3A_61, %dma_start3A_62] : memref<10000x128xf32, #tpu.memory_space<hbm>> -> memref<10000x128xf32, #tpu.memory_space<hbm>>
        tpu.enqueue_indirect_dma source(%dma_start3A_63 : memref<10000x128xf32, #tpu.memory_space<hbm>>) target(%dma_start3A_57 : memref<128x128xf32, #tpu.memory_space<vmem>>) offsets(%dma_start3A_60 : memref<128xi32, #tpu.memory_space<vmem>>) semaphore(%arg10 : memref<!tpu.dma_semaphore, #tpu.memory_space<semaphore_mem>>)
        %dma_wait3A = arith.constant 0 : i32
        %dma_wait3A_64 = arith.constant 0 : i32
        %dma_wait3A_65 = tpu.memref_slice %arg8[%dma_wait3A, %dma_wait3A_64] : memref<256x128xf32, #tpu.memory_space<vmem>> -> memref<128x128xf32, #tpu.memory_space<vmem>>
        %dma_wait3A_66 = arith.constant 0 : i32
        %dma_wait3A_67 = tpu.memref_slice %arg6[%add3A_42, %dma_wait3A_66] : memref<40x128xi32, #tpu.memory_space<vmem>> -> memref<1x128xi32, #tpu.memory_space<vmem>>
        %dma_wait3A_68 = tpu.memref_squeeze %dma_wait3A_67 : memref<1x128xi32, #tpu.memory_space<vmem>> -> memref<128xi32, #tpu.memory_space<vmem>>
        %dma_wait3A_69 = arith.constant 0 : i32
        %dma_wait3A_70 = arith.constant 0 : i32
        %dma_wait3A_71 = tpu.memref_slice %arg2[%dma_wait3A_69, %dma_wait3A_70] : memref<10000x128xf32, #tpu.memory_space<hbm>> -> memref<10000x128xf32, #tpu.memory_space<hbm>>
        tpu.wait_indirect_dma semaphore(%arg10 : memref<!tpu.dma_semaphore, #tpu.memory_space<semaphore_mem>>) src(%dma_wait3A_71 : memref<10000x128xf32, #tpu.memory_space<hbm>>) dst(%dma_wait3A_65 : memref<128x128xf32, #tpu.memory_space<vmem>>)
        %mul3A_72 = arith.constant 2 : i32
        %mul3A_73 = arith.muli %scan3A_38, %mul3A_72 : i32
        %add3A_74 = arith.constant 0 : i32
        %add3A_75 = arith.addi %mul3A_73, %add3A_74 : i32
        "tpu.region"() ({
          %run_scoped3A = tpu.sem_alloc : memref<!tpu.dma_semaphore, #tpu.memory_space<semaphore_mem>>
          %dma_start3A_89 = arith.constant 0 : i32
          %dma_start3A_90 = arith.constant 0 : i32
          %dma_start3A_91 = tpu.memref_slice %arg8[%dma_start3A_89, %dma_start3A_90] : memref<256x128xf32, #tpu.memory_space<vmem>> -> memref<128x128xf32, #tpu.memory_space<vmem>>
          %dma_start3A_92 = arith.constant 0 : i32
          %dma_start3A_93 = tpu.memref_slice %arg7[%add3A_75, %dma_start3A_92] : memref<40x128xi32, #tpu.memory_space<vmem>> -> memref<1x128xi32, #tpu.memory_space<vmem>>
          %dma_start3A_94 = tpu.memref_squeeze %dma_start3A_93 : memref<1x128xi32, #tpu.memory_space<vmem>> -> memref<128xi32, #tpu.memory_space<vmem>>
          %dma_start3A_95 = arith.constant 0 : i32
          %dma_start3A_96 = arith.constant 0 : i32
          %dma_start3A_97 = tpu.memref_slice %arg9[%dma_start3A_95, %dma_start3A_96] : memref<10240x128xf32, #tpu.memory_space<vmem_shared>> -> memref<10240x128xf32, #tpu.memory_space<vmem_shared>>
          tpu.enqueue_indirect_dma source(%dma_start3A_91 : memref<128x128xf32, #tpu.memory_space<vmem>>) target(%dma_start3A_97 : memref<10240x128xf32, #tpu.memory_space<vmem_shared>>) offsets(%dma_start3A_94 : memref<128xi32, #tpu.memory_space<vmem>>) semaphore(%run_scoped3A : memref<!tpu.dma_semaphore, #tpu.memory_space<semaphore_mem>>) {add = true}
          %dma_wait3A_98 = arith.constant 0 : i32
          %dma_wait3A_99 = arith.constant 0 : i32
          %dma_wait3A_100 = tpu.memref_slice %arg8[%dma_wait3A_98, %dma_wait3A_99] : memref<256x128xf32, #tpu.memory_space<vmem>> -> memref<128x128xf32, #tpu.memory_space<vmem>>
          %dma_wait3A_101 = arith.constant 0 : i32
          %dma_wait3A_102 = tpu.memref_slice %arg7[%add3A_75, %dma_wait3A_101] : memref<40x128xi32, #tpu.memory_space<vmem>> -> memref<1x128xi32, #tpu.memory_space<vmem>>
          %dma_wait3A_103 = tpu.memref_squeeze %dma_wait3A_102 : memref<1x128xi32, #tpu.memory_space<vmem>> -> memref<128xi32, #tpu.memory_space<vmem>>
          %dma_wait3A_104 = arith.constant 0 : i32
          %dma_wait3A_105 = arith.constant 0 : i32
          %dma_wait3A_106 = tpu.memref_slice %arg9[%dma_wait3A_104, %dma_wait3A_105] : memref<10240x128xf32, #tpu.memory_space<vmem_shared>> -> memref<10240x128xf32, #tpu.memory_space<vmem_shared>>
          tpu.wait_indirect_dma semaphore(%run_scoped3A : memref<!tpu.dma_semaphore, #tpu.memory_space<semaphore_mem>>) src(%dma_wait3A_100 : memref<128x128xf32, #tpu.memory_space<vmem>>) dst(%dma_wait3A_106 : memref<10240x128xf32, #tpu.memory_space<vmem_shared>>)
          tpu.yield
        }) : () -> ()
        %dma_wait3A_76 = arith.constant 128 : i32
        %dma_wait3A_77 = arith.constant 0 : i32
        %dma_wait3A_78 = tpu.memref_slice %arg8[%dma_wait3A_76, %dma_wait3A_77] : memref<256x128xf32, #tpu.memory_space<vmem>> -> memref<128x128xf32, #tpu.memory_space<vmem>>
        %dma_wait3A_79 = arith.constant 0 : i32
        %dma_wait3A_80 = tpu.memref_slice %arg6[%add3A_54, %dma_wait3A_79] : memref<40x128xi32, #tpu.memory_space<vmem>> -> memref<1x128xi32, #tpu.memory_space<vmem>>
        %dma_wait3A_81 = tpu.memref_squeeze %dma_wait3A_80 : memref<1x128xi32, #tpu.memory_space<vmem>> -> memref<128xi32, #tpu.memory_space<vmem>>
        %dma_wait3A_82 = arith.constant 0 : i32
        %dma_wait3A_83 = arith.constant 0 : i32
        %dma_wait3A_84 = tpu.memref_slice %arg2[%dma_wait3A_82, %dma_wait3A_83] : memref<10000x128xf32, #tpu.memory_space<hbm>> -> memref<10000x128xf32, #tpu.memory_space<hbm>>
        tpu.wait_indirect_dma semaphore(%arg10 : memref<!tpu.dma_semaphore, #tpu.memory_space<semaphore_mem>>) src(%dma_wait3A_84 : memref<10000x128xf32, #tpu.memory_space<hbm>>) dst(%dma_wait3A_78 : memref<128x128xf32, #tpu.memory_space<vmem>>)
        %mul3A_85 = arith.constant 2 : i32
        %mul3A_86 = arith.muli %scan3A_38, %mul3A_85 : i32
        %add3A_87 = arith.constant 1 : i32
        %add3A_88 = arith.addi %mul3A_86, %add3A_87 : i32
        "tpu.region"() ({
          %run_scoped3A = tpu.sem_alloc : memref<!tpu.dma_semaphore, #tpu.memory_space<semaphore_mem>>
          %dma_start3A_89 = arith.constant 128 : i32
          %dma_start3A_90 = arith.constant 0 : i32
          %dma_start3A_91 = tpu.memref_slice %arg8[%dma_start3A_89, %dma_start3A_90] : memref<256x128xf32, #tpu.memory_space<vmem>> -> memref<128x128xf32, #tpu.memory_space<vmem>>
          %dma_start3A_92 = arith.constant 0 : i32
          %dma_start3A_93 = tpu.memref_slice %arg7[%add3A_88, %dma_start3A_92] : memref<40x128xi32, #tpu.memory_space<vmem>> -> memref<1x128xi32, #tpu.memory_space<vmem>>
          %dma_start3A_94 = tpu.memref_squeeze %dma_start3A_93 : memref<1x128xi32, #tpu.memory_space<vmem>> -> memref<128xi32, #tpu.memory_space<vmem>>
          %dma_start3A_95 = arith.constant 0 : i32
          %dma_start3A_96 = arith.constant 0 : i32
          %dma_start3A_97 = tpu.memref_slice %arg9[%dma_start3A_95, %dma_start3A_96] : memref<10240x128xf32, #tpu.memory_space<vmem_shared>> -> memref<10240x128xf32, #tpu.memory_space<vmem_shared>>
          tpu.enqueue_indirect_dma source(%dma_start3A_91 : memref<128x128xf32, #tpu.memory_space<vmem>>) target(%dma_start3A_97 : memref<10240x128xf32, #tpu.memory_space<vmem_shared>>) offsets(%dma_start3A_94 : memref<128xi32, #tpu.memory_space<vmem>>) semaphore(%run_scoped3A : memref<!tpu.dma_semaphore, #tpu.memory_space<semaphore_mem>>) {add = true}
          %dma_wait3A_98 = arith.constant 128 : i32
          %dma_wait3A_99 = arith.constant 0 : i32
          %dma_wait3A_100 = tpu.memref_slice %arg8[%dma_wait3A_98, %dma_wait3A_99] : memref<256x128xf32, #tpu.memory_space<vmem>> -> memref<128x128xf32, #tpu.memory_space<vmem>>
          %dma_wait3A_101 = arith.constant 0 : i32
          %dma_wait3A_102 = tpu.memref_slice %arg7[%add3A_88, %dma_wait3A_101] : memref<40x128xi32, #tpu.memory_space<vmem>> -> memref<1x128xi32, #tpu.memory_space<vmem>>
          %dma_wait3A_103 = tpu.memref_squeeze %dma_wait3A_102 : memref<1x128xi32, #tpu.memory_space<vmem>> -> memref<128xi32, #tpu.memory_space<vmem>>
          %dma_wait3A_104 = arith.constant 0 : i32
          %dma_wait3A_105 = arith.constant 0 : i32
          %dma_wait3A_106 = tpu.memref_slice %arg9[%dma_wait3A_104, %dma_wait3A_105] : memref<10240x128xf32, #tpu.memory_space<vmem_shared>> -> memref<10240x128xf32, #tpu.memory_space<vmem_shared>>
          tpu.wait_indirect_dma semaphore(%run_scoped3A : memref<!tpu.dma_semaphore, #tpu.memory_space<semaphore_mem>>) src(%dma_wait3A_100 : memref<128x128xf32, #tpu.memory_space<vmem>>) dst(%dma_wait3A_106 : memref<10240x128xf32, #tpu.memory_space<vmem_shared>>)
          tpu.yield
        }) : () -> ()
      }
      %scan3A_37 = arith.constant 20 : i32
    }
    %scan3A_19 = arith.constant 2 : i32
    %barrier3A_20 = arith.constant 0 : index
    tpu.barrier barrier_id(%barrier3A_20)
    %scan3A_21 = arith.constant 0 : i32
    %scan3A_22 = arith.constant 0 : i32
    %scan3A_23 = arith.constant 5 : i32
    %scan3A_24 = arith.addi %scan3A_22, %scan3A_23 : i32
    %scan3A_25 = arith.constant 1 : i32
    scf.for %scan3A_27 = %scan3A_22 to %scan3A_24 step %scan3A_25  : i32 {
      %mul3A_28 = arith.constant 128 : i32
      %mul3A_29 = arith.muli %scan3A_27, %mul3A_28 : i32
      %add3A_30 = arith.addi %mul3A_7, %mul3A_29 : i32
      "tpu.region"() ({
        %run_scoped3A = tpu.sem_alloc : memref<!tpu.dma_semaphore, #tpu.memory_space<semaphore_mem>>
        %dma_start3A = arith.constant 0 : i32
        %dma_start3A_34 = arith.constant 0 : i32
        %dma_start3A_35 = tpu.memref_slice %arg8[%dma_start3A, %dma_start3A_34] : memref<256x128xf32, #tpu.memory_space<vmem>> -> memref<128x128xf32, #tpu.memory_space<vmem>>
        %dma_start3A_36 = arith.constant 0 : i32
        %dma_start3A_37 = tpu.memref_slice %arg9[%add3A_30, %dma_start3A_36] : memref<10240x128xf32, #tpu.memory_space<vmem_shared>> -> memref<128x128xf32, #tpu.memory_space<vmem_shared>>
        %dma_start3A_38 = arith.constant 0 : i32
        %dma_start3A_39 = arith.constant 0 : i32
        %dma_start3A_40 = tpu.memref_slice %arg8[%dma_start3A_38, %dma_start3A_39] : memref<256x128xf32, #tpu.memory_space<vmem>> -> memref<128x128xf32, #tpu.memory_space<vmem>>
        %dma_start3A_41 = arith.constant 0 : i32
        %dma_start3A_42 = tpu.memref_slice %arg9[%add3A_30, %dma_start3A_41] : memref<10240x128xf32, #tpu.memory_space<vmem_shared>> -> memref<128x128xf32, #tpu.memory_space<vmem_shared>>
        tpu.enqueue_dma source(%dma_start3A_42 : memref<128x128xf32, #tpu.memory_space<vmem_shared>>) target(%dma_start3A_40 : memref<128x128xf32, #tpu.memory_space<vmem>>) target_semaphore(%run_scoped3A : memref<!tpu.dma_semaphore, #tpu.memory_space<semaphore_mem>>)
        %dma_wait3A = arith.constant 0 : i32
        %dma_wait3A_43 = arith.constant 0 : i32
        %dma_wait3A_44 = tpu.memref_slice %arg8[%dma_wait3A, %dma_wait3A_43] : memref<256x128xf32, #tpu.memory_space<vmem>> -> memref<128x128xf32, #tpu.memory_space<vmem>>
        %dma_wait3A_45 = arith.constant 0 : i32
        %dma_wait3A_46 = tpu.memref_slice %arg9[%add3A_30, %dma_wait3A_45] : memref<10240x128xf32, #tpu.memory_space<vmem_shared>> -> memref<128x128xf32, #tpu.memory_space<vmem_shared>>
        %dma_wait3A_47 = arith.constant 0 : i32
        %dma_wait3A_48 = arith.constant 0 : i32
        %dma_wait3A_49 = tpu.memref_slice %arg8[%dma_wait3A_47, %dma_wait3A_48] : memref<256x128xf32, #tpu.memory_space<vmem>> -> memref<128x128xf32, #tpu.memory_space<vmem>>
        %dma_wait3A_50 = arith.constant 0 : i32
        %dma_wait3A_51 = tpu.memref_slice %arg9[%add3A_30, %dma_wait3A_50] : memref<10240x128xf32, #tpu.memory_space<vmem_shared>> -> memref<128x128xf32, #tpu.memory_space<vmem_shared>>
        tpu.wait_dma2 semaphore(%run_scoped3A : memref<!tpu.dma_semaphore, #tpu.memory_space<semaphore_mem>>) src(%dma_wait3A_51 : memref<128x128xf32, #tpu.memory_space<vmem_shared>>) dst(%dma_wait3A_49 : memref<128x128xf32, #tpu.memory_space<vmem>>)
        tpu.yield
      }) : () -> ()
      %mul3A_31 = arith.constant 128 : i32
      %mul3A_32 = arith.muli %scan3A_27, %mul3A_31 : i32
      %add3A_33 = arith.addi %mul3A_7, %mul3A_32 : i32
      "tpu.region"() ({
        %run_scoped3A = tpu.sem_alloc : memref<!tpu.dma_semaphore, #tpu.memory_space<semaphore_mem>>
        %dma_start3A = arith.constant 0 : i32
        %dma_start3A_34 = arith.constant 0 : i32
        %dma_start3A_35 = tpu.memref_slice %arg8[%dma_start3A, %dma_start3A_34] : memref<256x128xf32, #tpu.memory_space<vmem>> -> memref<128x128xf32, #tpu.memory_space<vmem>>
        %dma_start3A_36 = arith.constant 0 : i32
        %dma_start3A_37 = tpu.memref_slice %arg5[%arg0, %add3A_33, %dma_start3A_36] : memref<2x10240x128xf32, #tpu.memory_space<hbm>> -> memref<1x128x128xf32, #tpu.memory_space<hbm>>
        %dma_start3A_38 = tpu.memref_squeeze %dma_start3A_37 : memref<1x128x128xf32, #tpu.memory_space<hbm>> -> memref<128x128xf32, #tpu.memory_space<hbm>>
        %dma_start3A_39 = arith.constant 0 : i32
        %dma_start3A_40 = tpu.memref_slice %arg5[%arg0, %add3A_33, %dma_start3A_39] : memref<2x10240x128xf32, #tpu.memory_space<hbm>> -> memref<1x128x128xf32, #tpu.memory_space<hbm>>
        %dma_start3A_41 = tpu.memref_squeeze %dma_start3A_40 : memref<1x128x128xf32, #tpu.memory_space<hbm>> -> memref<128x128xf32, #tpu.memory_space<hbm>>
        %dma_start3A_42 = arith.constant 0 : i32
        %dma_start3A_43 = arith.constant 0 : i32
        %dma_start3A_44 = tpu.memref_slice %arg8[%dma_start3A_42, %dma_start3A_43] : memref<256x128xf32, #tpu.memory_space<vmem>> -> memref<128x128xf32, #tpu.memory_space<vmem>>
        tpu.enqueue_dma source(%dma_start3A_44 : memref<128x128xf32, #tpu.memory_space<vmem>>) target(%dma_start3A_41 : memref<128x128xf32, #tpu.memory_space<hbm>>) target_semaphore(%run_scoped3A : memref<!tpu.dma_semaphore, #tpu.memory_space<semaphore_mem>>)
        %dma_wait3A = arith.constant 0 : i32
        %dma_wait3A_45 = arith.constant 0 : i32
        %dma_wait3A_46 = tpu.memref_slice %arg8[%dma_wait3A, %dma_wait3A_45] : memref<256x128xf32, #tpu.memory_space<vmem>> -> memref<128x128xf32, #tpu.memory_space<vmem>>
        %dma_wait3A_47 = arith.constant 0 : i32
        %dma_wait3A_48 = tpu.memref_slice %arg5[%arg0, %add3A_33, %dma_wait3A_47] : memref<2x10240x128xf32, #tpu.memory_space<hbm>> -> memref<1x128x128xf32, #tpu.memory_space<hbm>>
        %dma_wait3A_49 = tpu.memref_squeeze %dma_wait3A_48 : memref<1x128x128xf32, #tpu.memory_space<hbm>> -> memref<128x128xf32, #tpu.memory_space<hbm>>
        %dma_wait3A_50 = arith.constant 0 : i32
        %dma_wait3A_51 = tpu.memref_slice %arg5[%arg0, %add3A_33, %dma_wait3A_50] : memref<2x10240x128xf32, #tpu.memory_space<hbm>> -> memref<1x128x128xf32, #tpu.memory_space<hbm>>
        %dma_wait3A_52 = tpu.memref_squeeze %dma_wait3A_51 : memref<1x128x128xf32, #tpu.memory_space<hbm>> -> memref<128x128xf32, #tpu.memory_space<hbm>>
        %dma_wait3A_53 = arith.constant 0 : i32
        %dma_wait3A_54 = arith.constant 0 : i32
        %dma_wait3A_55 = tpu.memref_slice %arg8[%dma_wait3A_53, %dma_wait3A_54] : memref<256x128xf32, #tpu.memory_space<vmem>> -> memref<128x128xf32, #tpu.memory_space<vmem>>
        tpu.wait_dma2 semaphore(%run_scoped3A : memref<!tpu.dma_semaphore, #tpu.memory_space<semaphore_mem>>) src(%dma_wait3A_55 : memref<128x128xf32, #tpu.memory_space<vmem>>) dst(%dma_wait3A_52 : memref<128x128xf32, #tpu.memory_space<hbm>>)
        tpu.yield
      }) : () -> ()
    }
    %scan3A_26 = arith.constant 5 : i32
    return
  }
}

#map = affine_map<(d0, d1) -> (0, 0)>
#map1 = affine_map<(d0, d1) -> (0, 0, 0)>
module attributes {stable_mosaic.version = 14 : i64} {
  func.func @body(%arg0: i32, %arg1: i32, %arg2: memref<10000x128xf32, #tpu.memory_space<hbm>>, %arg3: memref<32x80x128xi32, #tpu.memory_space<hbm>>, %arg4: memref<32x80x128xi32, #tpu.memory_space<hbm>>, %arg5: memref<2x10240x128xf32, #tpu.memory_space<hbm>>, %arg6: memref<40x128xi32, #tpu.memory_space<vmem>>, %arg7: memref<40x128xi32, #tpu.memory_space<vmem>>, %arg8: memref<256x128xf32, #tpu.memory_space<vmem>>, %arg9: memref<10240x128xf32, #tpu.memory_space<vmem_shared>>, %arg10: memref<!tpu.dma_semaphore, #tpu.memory_space<semaphore_mem>>) attributes {dimension_semantics = [#tpu.dimension_semantics<core_parallel>, #tpu.dimension_semantics<subcore_parallel>], iteration_bounds = array<i64: 2, 16>, scalar_prefetch = 0 : i64, scratch_operands = 5 : i64, tpu.core_type = #tpu.core_type<sc_vector_subcore>, window_params = [{transform_indices = #map}, {transform_indices = #map1}, {transform_indices = #map1}, {transform_indices = #map1}]} {
    %mul3A = arith.constant 2 : i32
    %mul3A_0 = arith.muli %arg1, %mul3A : i32
    %add3A = arith.addi %mul3A_0, %arg0 : i32
    %scan3A = arith.constant 0 : i32
    %scan3A_1 = arith.constant 0 : i32
    %scan3A_2 = arith.constant 1024 : i32
    %scan3A_3 = arith.addi %scan3A_1, %scan3A_2 : i32
    %scan3A_4 = arith.constant 1 : i32
    scf.for %scan3A_27 = %scan3A_1 to %scan3A_3 step %scan3A_4  : i32 {
      %broadcast_in_dim3A = arith.constant 0.000000e+00 : f32
      %broadcast_in_dim3A_28 = vector.broadcast %broadcast_in_dim3A : f32 to vector<16xf32>
      %jit3A = arith.constant 8 : i32
      %div3A = arith.divsi %scan3A_27, %jit3A : i32
      %sign3A = arith.constant 0 : i32
      %sign3A_29 = arith.cmpi sgt, %scan3A_27, %sign3A : i32
      %sign3A_30 = arith.extui %sign3A_29 : i1 to i32
      %sign3A_31 = arith.constant 0 : i32
      %sign3A_32 = arith.cmpi slt, %scan3A_27, %sign3A_31 : i32
      %sign3A_33 = arith.extui %sign3A_32 : i1 to i32
      %sign3A_34 = arith.subi %sign3A_30, %sign3A_33 : i32
      %sign3A_35 = arith.constant 0 : i32
      %sign3A_36 = arith.cmpi sgt, %jit3A, %sign3A_35 : i32
      %sign3A_37 = arith.extui %sign3A_36 : i1 to i32
      %sign3A_38 = arith.constant 0 : i32
      %sign3A_39 = arith.cmpi slt, %jit3A, %sign3A_38 : i32
      %sign3A_40 = arith.extui %sign3A_39 : i1 to i32
      %sign3A_41 = arith.subi %sign3A_37, %sign3A_40 : i32
      %ne3A = arith.cmpi ne, %sign3A_34, %sign3A_41 : i32
      %rem3A = arith.remsi %scan3A_27, %jit3A : i32
      %ne3A_42 = arith.constant 0 : i32
      %ne3A_43 = arith.cmpi ne, %rem3A, %ne3A_42 : i32
      %and3A = arith.andi %ne3A, %ne3A_43 : i1
      %sub3A = arith.constant 1 : i32
      %sub3A_44 = arith.subi %div3A, %sub3A : i32
      %select_n3A = arith.select %and3A, %sub3A_44, %div3A : i32
      %jit3A_45 = arith.constant 8 : i32
      %eq3A = arith.constant 0 : i32
      %eq3A_46 = arith.cmpi eq, %jit3A_45, %eq3A : i32
      %jit3A_47 = arith.constant 1 : i32
      %select_n3A_48 = arith.select %eq3A_46, %jit3A_47, %jit3A_45 : i32
      %rem3A_49 = arith.remsi %scan3A_27, %select_n3A_48 : i32
      %ne3A_50 = arith.constant 0 : i32
      %ne3A_51 = arith.cmpi ne, %rem3A_49, %ne3A_50 : i32
      %lt3A = arith.constant 0 : i32
      %lt3A_52 = arith.cmpi slt, %rem3A_49, %lt3A : i32
      %lt3A_53 = arith.constant 0 : i32
      %lt3A_54 = arith.cmpi slt, %select_n3A_48, %lt3A_53 : i32
      %ne3A_55 = arith.xori %lt3A_52, %lt3A_54 : i1
      %and3A_56 = arith.andi %ne3A_55, %ne3A_51 : i1
      %add3A_57 = arith.addi %rem3A_49, %select_n3A_48 : i32
      %select_n3A_58 = arith.select %and3A_56, %add3A_57, %rem3A_49 : i32
      %mul3A_59 = arith.constant 16 : i32
      %mul3A_60 = arith.muli %select_n3A_58, %mul3A_59 : i32
      %swap3A = arith.index_cast %select_n3A : i32 to index
      %swap3A_61 = arith.index_cast %mul3A_60 : i32 to index
      %swap3A_62 = tpu.vector_load %arg8[%swap3A, %swap3A_61] {strides = array<i32>} : memref<256x128xf32, #tpu.memory_space<vmem>>, vector<1x16xf32>,
      %swap3A_63 = vector.shape_cast %swap3A_62 : vector<1x16xf32> to vector<16xf32>
      %swap3A_64 = vector.shape_cast %broadcast_in_dim3A_28 : vector<16xf32> to vector<1x16xf32>
      tpu.vector_store %arg8[%swap3A, %swap3A_61], %swap3A_64 {strides = array<i32>} : memref<256x128xf32, #tpu.memory_space<vmem>>, vector<1x16xf32>,
    }
    %scan3A_5 = arith.constant 1024 : i32
    %mul3A_6 = arith.constant 640 : i32
    %mul3A_7 = arith.muli %arg1, %mul3A_6 : i32
    %scan3A_8 = arith.constant 0 : i32
    %scan3A_9 = arith.constant 0 : i32
    %scan3A_10 = arith.constant 5 : i32
    %scan3A_11 = arith.addi %scan3A_9, %scan3A_10 : i32
    %scan3A_12 = arith.constant 1 : i32
    scf.for %scan3A_27 = %scan3A_9 to %scan3A_11 step %scan3A_12  : i32 {
      %mul3A_28 = arith.constant 128 : i32
      %mul3A_29 = arith.muli %scan3A_27, %mul3A_28 : i32
      %add3A_30 = arith.addi %mul3A_7, %mul3A_29 : i32
      "tpu.region"() ({
        %run_scoped3A = tpu.sem_alloc : memref<!tpu.dma_semaphore, #tpu.memory_space<semaphore_mem>>
        %dma_start3A = arith.constant 0 : i32
        %dma_start3A_31 = arith.constant 0 : i32
        %dma_start3A_32 = tpu.memref_slice %arg8[%dma_start3A, %dma_start3A_31] : memref<256x128xf32, #tpu.memory_space<vmem>> -> memref<128x128xf32, #tpu.memory_space<vmem>>
        %dma_start3A_33 = arith.constant 0 : i32
        %dma_start3A_34 = tpu.memref_slice %arg9[%add3A_30, %dma_start3A_33] : memref<10240x128xf32, #tpu.memory_space<vmem_shared>> -> memref<128x128xf32, #tpu.memory_space<vmem_shared>>
        %dma_start3A_35 = arith.constant 0 : i32
        %dma_start3A_36 = tpu.memref_slice %arg9[%add3A_30, %dma_start3A_35] : memref<10240x128xf32, #tpu.memory_space<vmem_shared>> -> memref<128x128xf32, #tpu.memory_space<vmem_shared>>
        %dma_start3A_37 = arith.constant 0 : i32
        %dma_start3A_38 = arith.constant 0 : i32
        %dma_start3A_39 = tpu.memref_slice %arg8[%dma_start3A_37, %dma_start3A_38] : memref<256x128xf32, #tpu.memory_space<vmem>> -> memref<128x128xf32, #tpu.memory_space<vmem>>
        tpu.enqueue_dma source(%dma_start3A_39 : memref<128x128xf32, #tpu.memory_space<vmem>>) target(%dma_start3A_36 : memref<128x128xf32, #tpu.memory_space<vmem_shared>>) target_semaphore(%run_scoped3A : memref<!tpu.dma_semaphore, #tpu.memory_space<semaphore_mem>>)
        %dma_wait3A = arith.constant 0 : i32
        %dma_wait3A_40 = arith.constant 0 : i32
        %dma_wait3A_41 = tpu.memref_slice %arg8[%dma_wait3A, %dma_wait3A_40] : memref<256x128xf32, #tpu.memory_space<vmem>> -> memref<128x128xf32, #tpu.memory_space<vmem>>
        %dma_wait3A_42 = arith.constant 0 : i32
        %dma_wait3A_43 = tpu.memref_slice %arg9[%add3A_30, %dma_wait3A_42] : memref<10240x128xf32, #tpu.memory_space<vmem_shared>> -> memref<128x128xf32, #tpu.memory_space<vmem_shared>>
        %dma_wait3A_44 = arith.constant 0 : i32
        %dma_wait3A_45 = tpu.memref_slice %arg9[%add3A_30, %dma_wait3A_44] : memref<10240x128xf32, #tpu.memory_space<vmem_shared>> -> memref<128x128xf32, #tpu.memory_space<vmem_shared>>
        %dma_wait3A_46 = arith.constant 0 : i32
        %dma_wait3A_47 = arith.constant 0 : i32
        %dma_wait3A_48 = tpu.memref_slice %arg8[%dma_wait3A_46, %dma_wait3A_47] : memref<256x128xf32, #tpu.memory_space<vmem>> -> memref<128x128xf32, #tpu.memory_space<vmem>>
        tpu.wait_dma2 semaphore(%run_scoped3A : memref<!tpu.dma_semaphore, #tpu.memory_space<semaphore_mem>>) src(%dma_wait3A_48 : memref<128x128xf32, #tpu.memory_space<vmem>>) dst(%dma_wait3A_45 : memref<128x128xf32, #tpu.memory_space<vmem_shared>>)
        tpu.yield
      }) : () -> ()
    }
    %scan3A_13 = arith.constant 5 : i32
    %barrier3A = arith.constant 0 : index
    tpu.barrier barrier_id(%barrier3A)
    %scan3A_14 = arith.constant 0 : i32
    %scan3A_15 = arith.constant 0 : i32
    %scan3A_16 = arith.constant 2 : i32
    %scan3A_17 = arith.addi %scan3A_15, %scan3A_16 : i32
    %scan3A_18 = arith.constant 1 : i32
    scf.for %scan3A_27 = %scan3A_15 to %scan3A_17 step %scan3A_18  : i32 {
      %mul3A_28 = arith.constant 40 : i32
      %mul3A_29 = arith.muli %scan3A_27, %mul3A_28 : i32
      "tpu.region"() ({
        %run_scoped3A = tpu.sem_alloc : memref<!tpu.dma_semaphore, #tpu.memory_space<semaphore_mem>>
        %dma_start3A = arith.constant 0 : i32
        %dma_start3A_38 = tpu.memref_slice %arg3[%add3A, %mul3A_29, %dma_start3A] : memref<32x80x128xi32, #tpu.memory_space<hbm>> -> memref<1x40x128xi32, #tpu.memory_space<hbm>>
        %dma_start3A_39 = tpu.memref_squeeze %dma_start3A_38 : memref<1x40x128xi32, #tpu.memory_space<hbm>> -> memref<40x128xi32, #tpu.memory_space<hbm>>
        %dma_start3A_40 = arith.constant 0 : i32
        %dma_start3A_41 = tpu.memref_slice %arg3[%add3A, %mul3A_29, %dma_start3A_40] : memref<32x80x128xi32, #tpu.memory_space<hbm>> -> memref<1x40x128xi32, #tpu.memory_space<hbm>>
        %dma_start3A_42 = tpu.memref_squeeze %dma_start3A_41 : memref<1x40x128xi32, #tpu.memory_space<hbm>> -> memref<40x128xi32, #tpu.memory_space<hbm>>
        tpu.enqueue_dma source(%dma_start3A_42 : memref<40x128xi32, #tpu.memory_space<hbm>>) target(%arg6 : memref<40x128xi32, #tpu.memory_space<vmem>>) target_semaphore(%run_scoped3A : memref<!tpu.dma_semaphore, #tpu.memory_space<semaphore_mem>>)
        %dma_wait3A = arith.constant 0 : i32
        %dma_wait3A_43 = tpu.memref_slice %arg3[%add3A, %mul3A_29, %dma_wait3A] : memref<32x80x128xi32, #tpu.memory_space<hbm>> -> memref<1x40x128xi32, #tpu.memory_space<hbm>>
        %dma_wait3A_44 = tpu.memref_squeeze %dma_wait3A_43 : memref<1x40x128xi32, #tpu.memory_space<hbm>> -> memref<40x128xi32, #tpu.memory_space<hbm>>
        %dma_wait3A_45 = arith.constant 0 : i32
        %dma_wait3A_46 = tpu.memref_slice %arg3[%add3A, %mul3A_29, %dma_wait3A_45] : memref<32x80x128xi32, #tpu.memory_space<hbm>> -> memref<1x40x128xi32, #tpu.memory_space<hbm>>
        %dma_wait3A_47 = tpu.memref_squeeze %dma_wait3A_46 : memref<1x40x128xi32, #tpu.memory_space<hbm>> -> memref<40x128xi32, #tpu.memory_space<hbm>>
        tpu.wait_dma2 semaphore(%run_scoped3A : memref<!tpu.dma_semaphore, #tpu.memory_space<semaphore_mem>>) src(%dma_wait3A_47 : memref<40x128xi32, #tpu.memory_space<hbm>>) dst(%arg6 : memref<40x128xi32, #tpu.memory_space<vmem>>)
        tpu.yield
      }) : () -> ()
      %mul3A_30 = arith.constant 40 : i32
      %mul3A_31 = arith.muli %scan3A_27, %mul3A_30 : i32
      "tpu.region"() ({
        %run_scoped3A = tpu.sem_alloc : memref<!tpu.dma_semaphore, #tpu.memory_space<semaphore_mem>>
        %dma_start3A = arith.constant 0 : i32
        %dma_start3A_38 = tpu.memref_slice %arg4[%add3A, %mul3A_31, %dma_start3A] : memref<32x80x128xi32, #tpu.memory_space<hbm>> -> memref<1x40x128xi32, #tpu.memory_space<hbm>>
        %dma_start3A_39 = tpu.memref_squeeze %dma_start3A_38 : memref<1x40x128xi32, #tpu.memory_space<hbm>> -> memref<40x128xi32, #tpu.memory_space<hbm>>
        %dma_start3A_40 = arith.constant 0 : i32
        %dma_start3A_41 = tpu.memref_slice %arg4[%add3A, %mul3A_31, %dma_start3A_40] : memref<32x80x128xi32, #tpu.memory_space<hbm>> -> memref<1x40x128xi32, #tpu.memory_space<hbm>>
        %dma_start3A_42 = tpu.memref_squeeze %dma_start3A_41 : memref<1x40x128xi32, #tpu.memory_space<hbm>> -> memref<40x128xi32, #tpu.memory_space<hbm>>
        tpu.enqueue_dma source(%dma_start3A_42 : memref<40x128xi32, #tpu.memory_space<hbm>>) target(%arg7 : memref<40x128xi32, #tpu.memory_space<vmem>>) target_semaphore(%run_scoped3A : memref<!tpu.dma_semaphore, #tpu.memory_space<semaphore_mem>>)
        %dma_wait3A = arith.constant 0 : i32
        %dma_wait3A_43 = tpu.memref_slice %arg4[%add3A, %mul3A_31, %dma_wait3A] : memref<32x80x128xi32, #tpu.memory_space<hbm>> -> memref<1x40x128xi32, #tpu.memory_space<hbm>>
        %dma_wait3A_44 = tpu.memref_squeeze %dma_wait3A_43 : memref<1x40x128xi32, #tpu.memory_space<hbm>> -> memref<40x128xi32, #tpu.memory_space<hbm>>
        %dma_wait3A_45 = arith.constant 0 : i32
        %dma_wait3A_46 = tpu.memref_slice %arg4[%add3A, %mul3A_31, %dma_wait3A_45] : memref<32x80x128xi32, #tpu.memory_space<hbm>> -> memref<1x40x128xi32, #tpu.memory_space<hbm>>
        %dma_wait3A_47 = tpu.memref_squeeze %dma_wait3A_46 : memref<1x40x128xi32, #tpu.memory_space<hbm>> -> memref<40x128xi32, #tpu.memory_space<hbm>>
        tpu.wait_dma2 semaphore(%run_scoped3A : memref<!tpu.dma_semaphore, #tpu.memory_space<semaphore_mem>>) src(%dma_wait3A_47 : memref<40x128xi32, #tpu.memory_space<hbm>>) dst(%arg7 : memref<40x128xi32, #tpu.memory_space<vmem>>)
        tpu.yield
      }) : () -> ()
      %scan3A_32 = arith.constant 0 : i32
      %scan3A_33 = arith.constant 0 : i32
      %scan3A_34 = arith.constant 20 : i32
      %scan3A_35 = arith.addi %scan3A_33, %scan3A_34 : i32
      %scan3A_36 = arith.constant 1 : i32
      scf.for %scan3A_38 = %scan3A_33 to %scan3A_35 step %scan3A_36  : i32 {
        %mul3A_39 = arith.constant 2 : i32
        %mul3A_40 = arith.muli %scan3A_38, %mul3A_39 : i32
        %add3A_41 = arith.constant 0 : i32
        %add3A_42 = arith.addi %mul3A_40, %add3A_41 : i32
        %dma_start3A = arith.constant 0 : i32
        %dma_start3A_43 = arith.constant 0 : i32
        %dma_start3A_44 = tpu.memref_slice %arg8[%dma_start3A, %dma_start3A_43] : memref<256x128xf32, #tpu.memory_space<vmem>> -> memref<128x128xf32, #tpu.memory_space<vmem>>
        %dma_start3A_45 = arith.constant 0 : i32
        %dma_start3A_46 = tpu.memref_slice %arg6[%add3A_42, %dma_start3A_45] : memref<40x128xi32, #tpu.memory_space<vmem>> -> memref<1x128xi32, #tpu.memory_space<vmem>>
        %dma_start3A_47 = tpu.memref_squeeze %dma_start3A_46 : memref<1x128xi32, #tpu.memory_space<vmem>> -> memref<128xi32, #tpu.memory_space<vmem>>
        %dma_start3A_48 = arith.constant 0 : i32
        %dma_start3A_49 = arith.constant 0 : i32
        %dma_start3A_50 = tpu.memref_slice %arg2[%dma_start3A_48, %dma_start3A_49] : memref<10000x128xf32, #tpu.memory_space<hbm>> -> memref<10000x128xf32, #tpu.memory_space<hbm>>
        tpu.enqueue_indirect_dma source(%dma_start3A_50 : memref<10000x128xf32, #tpu.memory_space<hbm>>) target(%dma_start3A_44 : memref<128x128xf32, #tpu.memory_space<vmem>>) offsets(%dma_start3A_47 : memref<128xi32, #tpu.memory_space<vmem>>) semaphore(%arg10 : memref<!tpu.dma_semaphore, #tpu.memory_space<semaphore_mem>>)
        %mul3A_51 = arith.constant 2 : i32
        %mul3A_52 = arith.muli %scan3A_38, %mul3A_51 : i32
        %add3A_53 = arith.constant 1 : i32
        %add3A_54 = arith.addi %mul3A_52, %add3A_53 : i32
        %dma_start3A_55 = arith.constant 128 : i32
        %dma_start3A_56 = arith.constant 0 : i32
        %dma_start3A_57 = tpu.memref_slice %arg8[%dma_start3A_55, %dma_start3A_56] : memref<256x128xf32, #tpu.memory_space<vmem>> -> memref<128x128xf32, #tpu.memory_space<vmem>>
        %dma_start3A_58 = arith.constant 0 : i32
        %dma_start3A_59 = tpu.memref_slice %arg6[%add3A_54, %dma_start3A_58] : memref<40x128xi32, #tpu.memory_space<vmem>> -> memref<1x128xi32, #tpu.memory_space<vmem>>
        %dma_start3A_60 = tpu.memref_squeeze %dma_start3A_59 : memref<1x128xi32, #tpu.memory_space<vmem>> -> memref<128xi32, #tpu.memory_space<vmem>>
        %dma_start3A_61 = arith.constant 0 : i32
        %dma_start3A_62 = arith.constant 0 : i32
        %dma_start3A_63 = tpu.memref_slice %arg2[%dma_start3A_61, %dma_start3A_62] : memref<10000x128xf32, #tpu.memory_space<hbm>> -> memref<10000x128xf32, #tpu.memory_space<hbm>>
        tpu.enqueue_indirect_dma source(%dma_start3A_63 : memref<10000x128xf32, #tpu.memory_space<hbm>>) target(%dma_start3A_57 : memref<128x128xf32, #tpu.memory_space<vmem>>) offsets(%dma_start3A_60 : memref<128xi32, #tpu.memory_space<vmem>>) semaphore(%arg10 : memref<!tpu.dma_semaphore, #tpu.memory_space<semaphore_mem>>)
        %dma_wait3A = arith.constant 0 : i32
        %dma_wait3A_64 = arith.constant 0 : i32
        %dma_wait3A_65 = tpu.memref_slice %arg8[%dma_wait3A, %dma_wait3A_64] : memref<256x128xf32, #tpu.memory_space<vmem>> -> memref<128x128xf32, #tpu.memory_space<vmem>>
        %dma_wait3A_66 = arith.constant 0 : i32
        %dma_wait3A_67 = tpu.memref_slice %arg6[%add3A_42, %dma_wait3A_66] : memref<40x128xi32, #tpu.memory_space<vmem>> -> memref<1x128xi32, #tpu.memory_space<vmem>>
        %dma_wait3A_68 = tpu.memref_squeeze %dma_wait3A_67 : memref<1x128xi32, #tpu.memory_space<vmem>> -> memref<128xi32, #tpu.memory_space<vmem>>
        %dma_wait3A_69 = arith.constant 0 : i32
        %dma_wait3A_70 = arith.constant 0 : i32
        %dma_wait3A_71 = tpu.memref_slice %arg2[%dma_wait3A_69, %dma_wait3A_70] : memref<10000x128xf32, #tpu.memory_space<hbm>> -> memref<10000x128xf32, #tpu.memory_space<hbm>>
        tpu.wait_indirect_dma semaphore(%arg10 : memref<!tpu.dma_semaphore, #tpu.memory_space<semaphore_mem>>) src(%dma_wait3A_71 : memref<10000x128xf32, #tpu.memory_space<hbm>>) dst(%dma_wait3A_65 : memref<128x128xf32, #tpu.memory_space<vmem>>)
        %mul3A_72 = arith.constant 2 : i32
        %mul3A_73 = arith.muli %scan3A_38, %mul3A_72 : i32
        %add3A_74 = arith.constant 0 : i32
        %add3A_75 = arith.addi %mul3A_73, %add3A_74 : i32
        "tpu.region"() ({
          %run_scoped3A = tpu.sem_alloc : memref<!tpu.dma_semaphore, #tpu.memory_space<semaphore_mem>>
          %dma_start3A_89 = arith.constant 0 : i32
          %dma_start3A_90 = arith.constant 0 : i32
          %dma_start3A_91 = tpu.memref_slice %arg8[%dma_start3A_89, %dma_start3A_90] : memref<256x128xf32, #tpu.memory_space<vmem>> -> memref<128x128xf32, #tpu.memory_space<vmem>>
          %dma_start3A_92 = arith.constant 0 : i32
          %dma_start3A_93 = tpu.memref_slice %arg7[%add3A_75, %dma_start3A_92] : memref<40x128xi32, #tpu.memory_space<vmem>> -> memref<1x128xi32, #tpu.memory_space<vmem>>
          %dma_start3A_94 = tpu.memref_squeeze %dma_start3A_93 : memref<1x128xi32, #tpu.memory_space<vmem>> -> memref<128xi32, #tpu.memory_space<vmem>>
          %dma_start3A_95 = arith.constant 0 : i32
          %dma_start3A_96 = arith.constant 0 : i32
          %dma_start3A_97 = tpu.memref_slice %arg9[%dma_start3A_95, %dma_start3A_96] : memref<10240x128xf32, #tpu.memory_space<vmem_shared>> -> memref<10240x128xf32, #tpu.memory_space<vmem_shared>>
          tpu.enqueue_indirect_dma source(%dma_start3A_91 : memref<128x128xf32, #tpu.memory_space<vmem>>) target(%dma_start3A_97 : memref<10240x128xf32, #tpu.memory_space<vmem_shared>>) offsets(%dma_start3A_94 : memref<128xi32, #tpu.memory_space<vmem>>) semaphore(%run_scoped3A : memref<!tpu.dma_semaphore, #tpu.memory_space<semaphore_mem>>) {add = true}
          %dma_wait3A_98 = arith.constant 0 : i32
          %dma_wait3A_99 = arith.constant 0 : i32
          %dma_wait3A_100 = tpu.memref_slice %arg8[%dma_wait3A_98, %dma_wait3A_99] : memref<256x128xf32, #tpu.memory_space<vmem>> -> memref<128x128xf32, #tpu.memory_space<vmem>>
          %dma_wait3A_101 = arith.constant 0 : i32
          %dma_wait3A_102 = tpu.memref_slice %arg7[%add3A_75, %dma_wait3A_101] : memref<40x128xi32, #tpu.memory_space<vmem>> -> memref<1x128xi32, #tpu.memory_space<vmem>>
          %dma_wait3A_103 = tpu.memref_squeeze %dma_wait3A_102 : memref<1x128xi32, #tpu.memory_space<vmem>> -> memref<128xi32, #tpu.memory_space<vmem>>
          %dma_wait3A_104 = arith.constant 0 : i32
          %dma_wait3A_105 = arith.constant 0 : i32
          %dma_wait3A_106 = tpu.memref_slice %arg9[%dma_wait3A_104, %dma_wait3A_105] : memref<10240x128xf32, #tpu.memory_space<vmem_shared>> -> memref<10240x128xf32, #tpu.memory_space<vmem_shared>>
          tpu.wait_indirect_dma semaphore(%run_scoped3A : memref<!tpu.dma_semaphore, #tpu.memory_space<semaphore_mem>>) src(%dma_wait3A_100 : memref<128x128xf32, #tpu.memory_space<vmem>>) dst(%dma_wait3A_106 : memref<10240x128xf32, #tpu.memory_space<vmem_shared>>)
          tpu.yield
        }) : () -> ()
        %dma_wait3A_76 = arith.constant 128 : i32
        %dma_wait3A_77 = arith.constant 0 : i32
        %dma_wait3A_78 = tpu.memref_slice %arg8[%dma_wait3A_76, %dma_wait3A_77] : memref<256x128xf32, #tpu.memory_space<vmem>> -> memref<128x128xf32, #tpu.memory_space<vmem>>
        %dma_wait3A_79 = arith.constant 0 : i32
        %dma_wait3A_80 = tpu.memref_slice %arg6[%add3A_54, %dma_wait3A_79] : memref<40x128xi32, #tpu.memory_space<vmem>> -> memref<1x128xi32, #tpu.memory_space<vmem>>
        %dma_wait3A_81 = tpu.memref_squeeze %dma_wait3A_80 : memref<1x128xi32, #tpu.memory_space<vmem>> -> memref<128xi32, #tpu.memory_space<vmem>>
        %dma_wait3A_82 = arith.constant 0 : i32
        %dma_wait3A_83 = arith.constant 0 : i32
        %dma_wait3A_84 = tpu.memref_slice %arg2[%dma_wait3A_82, %dma_wait3A_83] : memref<10000x128xf32, #tpu.memory_space<hbm>> -> memref<10000x128xf32, #tpu.memory_space<hbm>>
        tpu.wait_indirect_dma semaphore(%arg10 : memref<!tpu.dma_semaphore, #tpu.memory_space<semaphore_mem>>) src(%dma_wait3A_84 : memref<10000x128xf32, #tpu.memory_space<hbm>>) dst(%dma_wait3A_78 : memref<128x128xf32, #tpu.memory_space<vmem>>)
        %mul3A_85 = arith.constant 2 : i32
        %mul3A_86 = arith.muli %scan3A_38, %mul3A_85 : i32
        %add3A_87 = arith.constant 1 : i32
        %add3A_88 = arith.addi %mul3A_86, %add3A_87 : i32
        "tpu.region"() ({
          %run_scoped3A = tpu.sem_alloc : memref<!tpu.dma_semaphore, #tpu.memory_space<semaphore_mem>>
          %dma_start3A_89 = arith.constant 128 : i32
          %dma_start3A_90 = arith.constant 0 : i32
          %dma_start3A_91 = tpu.memref_slice %arg8[%dma_start3A_89, %dma_start3A_90] : memref<256x128xf32, #tpu.memory_space<vmem>> -> memref<128x128xf32, #tpu.memory_space<vmem>>
          %dma_start3A_92 = arith.constant 0 : i32
          %dma_start3A_93 = tpu.memref_slice %arg7[%add3A_88, %dma_start3A_92] : memref<40x128xi32, #tpu.memory_space<vmem>> -> memref<1x128xi32, #tpu.memory_space<vmem>>
          %dma_start3A_94 = tpu.memref_squeeze %dma_start3A_93 : memref<1x128xi32, #tpu.memory_space<vmem>> -> memref<128xi32, #tpu.memory_space<vmem>>
          %dma_start3A_95 = arith.constant 0 : i32
          %dma_start3A_96 = arith.constant 0 : i32
          %dma_start3A_97 = tpu.memref_slice %arg9[%dma_start3A_95, %dma_start3A_96] : memref<10240x128xf32, #tpu.memory_space<vmem_shared>> -> memref<10240x128xf32, #tpu.memory_space<vmem_shared>>
          tpu.enqueue_indirect_dma source(%dma_start3A_91 : memref<128x128xf32, #tpu.memory_space<vmem>>) target(%dma_start3A_97 : memref<10240x128xf32, #tpu.memory_space<vmem_shared>>) offsets(%dma_start3A_94 : memref<128xi32, #tpu.memory_space<vmem>>) semaphore(%run_scoped3A : memref<!tpu.dma_semaphore, #tpu.memory_space<semaphore_mem>>) {add = true}
          %dma_wait3A_98 = arith.constant 128 : i32
          %dma_wait3A_99 = arith.constant 0 : i32
          %dma_wait3A_100 = tpu.memref_slice %arg8[%dma_wait3A_98, %dma_wait3A_99] : memref<256x128xf32, #tpu.memory_space<vmem>> -> memref<128x128xf32, #tpu.memory_space<vmem>>
          %dma_wait3A_101 = arith.constant 0 : i32
          %dma_wait3A_102 = tpu.memref_slice %arg7[%add3A_88, %dma_wait3A_101] : memref<40x128xi32, #tpu.memory_space<vmem>> -> memref<1x128xi32, #tpu.memory_space<vmem>>
          %dma_wait3A_103 = tpu.memref_squeeze %dma_wait3A_102 : memref<1x128xi32, #tpu.memory_space<vmem>> -> memref<128xi32, #tpu.memory_space<vmem>>
          %dma_wait3A_104 = arith.constant 0 : i32
          %dma_wait3A_105 = arith.constant 0 : i32
          %dma_wait3A_106 = tpu.memref_slice %arg9[%dma_wait3A_104, %dma_wait3A_105] : memref<10240x128xf32, #tpu.memory_space<vmem_shared>> -> memref<10240x128xf32, #tpu.memory_space<vmem_shared>>
          tpu.wait_indirect_dma semaphore(%run_scoped3A : memref<!tpu.dma_semaphore, #tpu.memory_space<semaphore_mem>>) src(%dma_wait3A_100 : memref<128x128xf32, #tpu.memory_space<vmem>>) dst(%dma_wait3A_106 : memref<10240x128xf32, #tpu.memory_space<vmem_shared>>)
          tpu.yield
        }) : () -> ()
      }
      %scan3A_37 = arith.constant 20 : i32
    }
    %scan3A_19 = arith.constant 2 : i32
    %barrier3A_20 = arith.constant 0 : index
    tpu.barrier barrier_id(%barrier3A_20)
    %scan3A_21 = arith.constant 0 : i32
    %scan3A_22 = arith.constant 0 : i32
    %scan3A_23 = arith.constant 5 : i32
    %scan3A_24 = arith.addi %scan3A_22, %scan3A_23 : i32
    %scan3A_25 = arith.constant 1 : i32
    scf.for %scan3A_27 = %scan3A_22 to %scan3A_24 step %scan3A_25  : i32 {
      %mul3A_28 = arith.constant 128 : i32
      %mul3A_29 = arith.muli %scan3A_27, %mul3A_28 : i32
      %add3A_30 = arith.addi %mul3A_7, %mul3A_29 : i32
      "tpu.region"() ({
        %run_scoped3A = tpu.sem_alloc : memref<!tpu.dma_semaphore, #tpu.memory_space<semaphore_mem>>
        %dma_start3A = arith.constant 0 : i32
        %dma_start3A_34 = arith.constant 0 : i32
        %dma_start3A_35 = tpu.memref_slice %arg8[%dma_start3A, %dma_start3A_34] : memref<256x128xf32, #tpu.memory_space<vmem>> -> memref<128x128xf32, #tpu.memory_space<vmem>>
        %dma_start3A_36 = arith.constant 0 : i32
        %dma_start3A_37 = tpu.memref_slice %arg9[%add3A_30, %dma_start3A_36] : memref<10240x128xf32, #tpu.memory_space<vmem_shared>> -> memref<128x128xf32, #tpu.memory_space<vmem_shared>>
        %dma_start3A_38 = arith.constant 0 : i32
        %dma_start3A_39 = arith.constant 0 : i32
        %dma_start3A_40 = tpu.memref_slice %arg8[%dma_start3A_38, %dma_start3A_39] : memref<256x128xf32, #tpu.memory_space<vmem>> -> memref<128x128xf32, #tpu.memory_space<vmem>>
        %dma_start3A_41 = arith.constant 0 : i32
        %dma_start3A_42 = tpu.memref_slice %arg9[%add3A_30, %dma_start3A_41] : memref<10240x128xf32, #tpu.memory_space<vmem_shared>> -> memref<128x128xf32, #tpu.memory_space<vmem_shared>>
        tpu.enqueue_dma source(%dma_start3A_42 : memref<128x128xf32, #tpu.memory_space<vmem_shared>>) target(%dma_start3A_40 : memref<128x128xf32, #tpu.memory_space<vmem>>) target_semaphore(%run_scoped3A : memref<!tpu.dma_semaphore, #tpu.memory_space<semaphore_mem>>)
        %dma_wait3A = arith.constant 0 : i32
        %dma_wait3A_43 = arith.constant 0 : i32
        %dma_wait3A_44 = tpu.memref_slice %arg8[%dma_wait3A, %dma_wait3A_43] : memref<256x128xf32, #tpu.memory_space<vmem>> -> memref<128x128xf32, #tpu.memory_space<vmem>>
        %dma_wait3A_45 = arith.constant 0 : i32
        %dma_wait3A_46 = tpu.memref_slice %arg9[%add3A_30, %dma_wait3A_45] : memref<10240x128xf32, #tpu.memory_space<vmem_shared>> -> memref<128x128xf32, #tpu.memory_space<vmem_shared>>
        %dma_wait3A_47 = arith.constant 0 : i32
        %dma_wait3A_48 = arith.constant 0 : i32
        %dma_wait3A_49 = tpu.memref_slice %arg8[%dma_wait3A_47, %dma_wait3A_48] : memref<256x128xf32, #tpu.memory_space<vmem>> -> memref<128x128xf32, #tpu.memory_space<vmem>>
        %dma_wait3A_50 = arith.constant 0 : i32
        %dma_wait3A_51 = tpu.memref_slice %arg9[%add3A_30, %dma_wait3A_50] : memref<10240x128xf32, #tpu.memory_space<vmem_shared>> -> memref<128x128xf32, #tpu.memory_space<vmem_shared>>
        tpu.wait_dma2 semaphore(%run_scoped3A : memref<!tpu.dma_semaphore, #tpu.memory_space<semaphore_mem>>) src(%dma_wait3A_51 : memref<128x128xf32, #tpu.memory_space<vmem_shared>>) dst(%dma_wait3A_49 : memref<128x128xf32, #tpu.memory_space<vmem>>)
        tpu.yield
      }) : () -> ()
      %mul3A_31 = arith.constant 128 : i32
      %mul3A_32 = arith.muli %scan3A_27, %mul3A_31 : i32
      %add3A_33 = arith.addi %mul3A_7, %mul3A_32 : i32
      "tpu.region"() ({
        %run_scoped3A = tpu.sem_alloc : memref<!tpu.dma_semaphore, #tpu.memory_space<semaphore_mem>>
        %dma_start3A = arith.constant 0 : i32
        %dma_start3A_34 = arith.constant 0 : i32
        %dma_start3A_35 = tpu.memref_slice %arg8[%dma_start3A, %dma_start3A_34] : memref<256x128xf32, #tpu.memory_space<vmem>> -> memref<128x128xf32, #tpu.memory_space<vmem>>
        %dma_start3A_36 = arith.constant 0 : i32
        %dma_start3A_37 = tpu.memref_slice %arg5[%arg0, %add3A_33, %dma_start3A_36] : memref<2x10240x128xf32, #tpu.memory_space<hbm>> -> memref<1x128x128xf32, #tpu.memory_space<hbm>>
        %dma_start3A_38 = tpu.memref_squeeze %dma_start3A_37 : memref<1x128x128xf32, #tpu.memory_space<hbm>> -> memref<128x128xf32, #tpu.memory_space<hbm>>
        %dma_start3A_39 = arith.constant 0 : i32
        %dma_start3A_40 = tpu.memref_slice %arg5[%arg0, %add3A_33, %dma_start3A_39] : memref<2x10240x128xf32, #tpu.memory_space<hbm>> -> memref<1x128x128xf32, #tpu.memory_space<hbm>>
        %dma_start3A_41 = tpu.memref_squeeze %dma_start3A_40 : memref<1x128x128xf32, #tpu.memory_space<hbm>> -> memref<128x128xf32, #tpu.memory_space<hbm>>
        %dma_start3A_42 = arith.constant 0 : i32
        %dma_start3A_43 = arith.constant 0 : i32
        %dma_start3A_44 = tpu.memref_slice %arg8[%dma_start3A_42, %dma_start3A_43] : memref<256x128xf32, #tpu.memory_space<vmem>> -> memref<128x128xf32, #tpu.memory_space<vmem>>
        tpu.enqueue_dma source(%dma_start3A_44 : memref<128x128xf32, #tpu.memory_space<vmem>>) target(%dma_start3A_41 : memref<128x128xf32, #tpu.memory_space<hbm>>) target_semaphore(%run_scoped3A : memref<!tpu.dma_semaphore, #tpu.memory_space<semaphore_mem>>)
        %dma_wait3A = arith.constant 0 : i32
        %dma_wait3A_45 = arith.constant 0 : i32
        %dma_wait3A_46 = tpu.memref_slice %arg8[%dma_wait3A, %dma_wait3A_45] : memref<256x128xf32, #tpu.memory_space<vmem>> -> memref<128x128xf32, #tpu.memory_space<vmem>>
        %dma_wait3A_47 = arith.constant 0 : i32
        %dma_wait3A_48 = tpu.memref_slice %arg5[%arg0, %add3A_33, %dma_wait3A_47] : memref<2x10240x128xf32, #tpu.memory_space<hbm>> -> memref<1x128x128xf32, #tpu.memory_space<hbm>>
        %dma_wait3A_49 = tpu.memref_squeeze %dma_wait3A_48 : memref<1x128x128xf32, #tpu.memory_space<hbm>> -> memref<128x128xf32, #tpu.memory_space<hbm>>
        %dma_wait3A_50 = arith.constant 0 : i32
        %dma_wait3A_51 = tpu.memref_slice %arg5[%arg0, %add3A_33, %dma_wait3A_50] : memref<2x10240x128xf32, #tpu.memory_space<hbm>> -> memref<1x128x128xf32, #tpu.memory_space<hbm>>
        %dma_wait3A_52 = tpu.memref_squeeze %dma_wait3A_51 : memref<1x128x128xf32, #tpu.memory_space<hbm>> -> memref<128x128xf32, #tpu.memory_space<hbm>>
        %dma_wait3A_53 = arith.constant 0 : i32
        %dma_wait3A_54 = arith.constant 0 : i32
        %dma_wait3A_55 = tpu.memref_slice %arg8[%dma_wait3A_53, %dma_wait3A_54] : memref<256x128xf32, #tpu.memory_space<vmem>> -> memref<128x128xf32, #tpu.memory_space<vmem>>
        tpu.wait_dma2 semaphore(%run_scoped3A : memref<!tpu.dma_semaphore, #tpu.memory_space<semaphore_mem>>) src(%dma_wait3A_55 : memref<128x128xf32, #tpu.memory_space<vmem>>) dst(%dma_wait3A_52 : memref<128x128xf32, #tpu.memory_space<hbm>>)
        tpu.yield
      }) : () -> ()
    }
    %scan3A_26 = arith.constant 5 : i32
    return
  }
}

#map = affine_map<(d0, d1) -> (0, 0)>
#map1 = affine_map<(d0, d1) -> (0, 0, 0)>
module attributes {stable_mosaic.version = 14 : i64} {
  func.func @body(%arg0: i32, %arg1: i32, %arg2: memref<327680x128xf32, #tpu.memory_space<hbm>>, %arg3: memref<32x80x128xi32, #tpu.memory_space<hbm>>, %arg4: memref<32x80x128xi32, #tpu.memory_space<hbm>>, %arg5: memref<2x10240x128xf32, #tpu.memory_space<hbm>>, %arg6: memref<40x128xi32, #tpu.memory_space<vmem>>, %arg7: memref<40x128xi32, #tpu.memory_space<vmem>>, %arg8: memref<256x128xf32, #tpu.memory_space<vmem>>, %arg9: memref<10240x128xf32, #tpu.memory_space<vmem_shared>>, %arg10: memref<!tpu.dma_semaphore, #tpu.memory_space<semaphore_mem>>) attributes {dimension_semantics = [#tpu.dimension_semantics<core_parallel>, #tpu.dimension_semantics<subcore_parallel>], iteration_bounds = array<i64: 2, 16>, scalar_prefetch = 0 : i64, scratch_operands = 5 : i64, tpu.core_type = #tpu.core_type<sc_vector_subcore>, window_params = [{transform_indices = #map}, {transform_indices = #map1}, {transform_indices = #map1}, {transform_indices = #map1}]} {
    %mul3A = arith.constant 2 : i32
    %mul3A_0 = arith.muli %arg1, %mul3A : i32
    %add3A = arith.addi %mul3A_0, %arg0 : i32
    %scan3A = arith.constant 0 : i32
    %scan3A_1 = arith.constant 0 : i32
    %scan3A_2 = arith.constant 1024 : i32
    %scan3A_3 = arith.addi %scan3A_1, %scan3A_2 : i32
    %scan3A_4 = arith.constant 1 : i32
    scf.for %scan3A_27 = %scan3A_1 to %scan3A_3 step %scan3A_4  : i32 {
      %broadcast_in_dim3A = arith.constant 0.000000e+00 : f32
      %broadcast_in_dim3A_28 = vector.broadcast %broadcast_in_dim3A : f32 to vector<16xf32>
      %jit3A = arith.constant 8 : i32
      %div3A = arith.divsi %scan3A_27, %jit3A : i32
      %sign3A = arith.constant 0 : i32
      %sign3A_29 = arith.cmpi sgt, %scan3A_27, %sign3A : i32
      %sign3A_30 = arith.extui %sign3A_29 : i1 to i32
      %sign3A_31 = arith.constant 0 : i32
      %sign3A_32 = arith.cmpi slt, %scan3A_27, %sign3A_31 : i32
      %sign3A_33 = arith.extui %sign3A_32 : i1 to i32
      %sign3A_34 = arith.subi %sign3A_30, %sign3A_33 : i32
      %sign3A_35 = arith.constant 0 : i32
      %sign3A_36 = arith.cmpi sgt, %jit3A, %sign3A_35 : i32
      %sign3A_37 = arith.extui %sign3A_36 : i1 to i32
      %sign3A_38 = arith.constant 0 : i32
      %sign3A_39 = arith.cmpi slt, %jit3A, %sign3A_38 : i32
      %sign3A_40 = arith.extui %sign3A_39 : i1 to i32
      %sign3A_41 = arith.subi %sign3A_37, %sign3A_40 : i32
      %ne3A = arith.cmpi ne, %sign3A_34, %sign3A_41 : i32
      %rem3A = arith.remsi %scan3A_27, %jit3A : i32
      %ne3A_42 = arith.constant 0 : i32
      %ne3A_43 = arith.cmpi ne, %rem3A, %ne3A_42 : i32
      %and3A = arith.andi %ne3A, %ne3A_43 : i1
      %sub3A = arith.constant 1 : i32
      %sub3A_44 = arith.subi %div3A, %sub3A : i32
      %select_n3A = arith.select %and3A, %sub3A_44, %div3A : i32
      %jit3A_45 = arith.constant 8 : i32
      %eq3A = arith.constant 0 : i32
      %eq3A_46 = arith.cmpi eq, %jit3A_45, %eq3A : i32
      %jit3A_47 = arith.constant 1 : i32
      %select_n3A_48 = arith.select %eq3A_46, %jit3A_47, %jit3A_45 : i32
      %rem3A_49 = arith.remsi %scan3A_27, %select_n3A_48 : i32
      %ne3A_50 = arith.constant 0 : i32
      %ne3A_51 = arith.cmpi ne, %rem3A_49, %ne3A_50 : i32
      %lt3A = arith.constant 0 : i32
      %lt3A_52 = arith.cmpi slt, %rem3A_49, %lt3A : i32
      %lt3A_53 = arith.constant 0 : i32
      %lt3A_54 = arith.cmpi slt, %select_n3A_48, %lt3A_53 : i32
      %ne3A_55 = arith.xori %lt3A_52, %lt3A_54 : i1
      %and3A_56 = arith.andi %ne3A_55, %ne3A_51 : i1
      %add3A_57 = arith.addi %rem3A_49, %select_n3A_48 : i32
      %select_n3A_58 = arith.select %and3A_56, %add3A_57, %rem3A_49 : i32
      %mul3A_59 = arith.constant 16 : i32
      %mul3A_60 = arith.muli %select_n3A_58, %mul3A_59 : i32
      %swap3A = arith.index_cast %select_n3A : i32 to index
      %swap3A_61 = arith.index_cast %mul3A_60 : i32 to index
      %swap3A_62 = tpu.vector_load %arg8[%swap3A, %swap3A_61] {strides = array<i32>} : memref<256x128xf32, #tpu.memory_space<vmem>>, vector<1x16xf32>,
      %swap3A_63 = vector.shape_cast %swap3A_62 : vector<1x16xf32> to vector<16xf32>
      %swap3A_64 = vector.shape_cast %broadcast_in_dim3A_28 : vector<16xf32> to vector<1x16xf32>
      tpu.vector_store %arg8[%swap3A, %swap3A_61], %swap3A_64 {strides = array<i32>} : memref<256x128xf32, #tpu.memory_space<vmem>>, vector<1x16xf32>,
    }
    %scan3A_5 = arith.constant 1024 : i32
    %mul3A_6 = arith.constant 640 : i32
    %mul3A_7 = arith.muli %arg1, %mul3A_6 : i32
    %scan3A_8 = arith.constant 0 : i32
    %scan3A_9 = arith.constant 0 : i32
    %scan3A_10 = arith.constant 5 : i32
    %scan3A_11 = arith.addi %scan3A_9, %scan3A_10 : i32
    %scan3A_12 = arith.constant 1 : i32
    scf.for %scan3A_27 = %scan3A_9 to %scan3A_11 step %scan3A_12  : i32 {
      %mul3A_28 = arith.constant 128 : i32
      %mul3A_29 = arith.muli %scan3A_27, %mul3A_28 : i32
      %add3A_30 = arith.addi %mul3A_7, %mul3A_29 : i32
      "tpu.region"() ({
        %run_scoped3A = tpu.sem_alloc : memref<!tpu.dma_semaphore, #tpu.memory_space<semaphore_mem>>
        %dma_start3A = arith.constant 0 : i32
        %dma_start3A_31 = arith.constant 0 : i32
        %dma_start3A_32 = tpu.memref_slice %arg8[%dma_start3A, %dma_start3A_31] : memref<256x128xf32, #tpu.memory_space<vmem>> -> memref<128x128xf32, #tpu.memory_space<vmem>>
        %dma_start3A_33 = arith.constant 0 : i32
        %dma_start3A_34 = tpu.memref_slice %arg9[%add3A_30, %dma_start3A_33] : memref<10240x128xf32, #tpu.memory_space<vmem_shared>> -> memref<128x128xf32, #tpu.memory_space<vmem_shared>>
        %dma_start3A_35 = arith.constant 0 : i32
        %dma_start3A_36 = tpu.memref_slice %arg9[%add3A_30, %dma_start3A_35] : memref<10240x128xf32, #tpu.memory_space<vmem_shared>> -> memref<128x128xf32, #tpu.memory_space<vmem_shared>>
        %dma_start3A_37 = arith.constant 0 : i32
        %dma_start3A_38 = arith.constant 0 : i32
        %dma_start3A_39 = tpu.memref_slice %arg8[%dma_start3A_37, %dma_start3A_38] : memref<256x128xf32, #tpu.memory_space<vmem>> -> memref<128x128xf32, #tpu.memory_space<vmem>>
        tpu.enqueue_dma source(%dma_start3A_39 : memref<128x128xf32, #tpu.memory_space<vmem>>) target(%dma_start3A_36 : memref<128x128xf32, #tpu.memory_space<vmem_shared>>) target_semaphore(%run_scoped3A : memref<!tpu.dma_semaphore, #tpu.memory_space<semaphore_mem>>)
        %dma_wait3A = arith.constant 0 : i32
        %dma_wait3A_40 = arith.constant 0 : i32
        %dma_wait3A_41 = tpu.memref_slice %arg8[%dma_wait3A, %dma_wait3A_40] : memref<256x128xf32, #tpu.memory_space<vmem>> -> memref<128x128xf32, #tpu.memory_space<vmem>>
        %dma_wait3A_42 = arith.constant 0 : i32
        %dma_wait3A_43 = tpu.memref_slice %arg9[%add3A_30, %dma_wait3A_42] : memref<10240x128xf32, #tpu.memory_space<vmem_shared>> -> memref<128x128xf32, #tpu.memory_space<vmem_shared>>
        %dma_wait3A_44 = arith.constant 0 : i32
        %dma_wait3A_45 = tpu.memref_slice %arg9[%add3A_30, %dma_wait3A_44] : memref<10240x128xf32, #tpu.memory_space<vmem_shared>> -> memref<128x128xf32, #tpu.memory_space<vmem_shared>>
        %dma_wait3A_46 = arith.constant 0 : i32
        %dma_wait3A_47 = arith.constant 0 : i32
        %dma_wait3A_48 = tpu.memref_slice %arg8[%dma_wait3A_46, %dma_wait3A_47] : memref<256x128xf32, #tpu.memory_space<vmem>> -> memref<128x128xf32, #tpu.memory_space<vmem>>
        tpu.wait_dma2 semaphore(%run_scoped3A : memref<!tpu.dma_semaphore, #tpu.memory_space<semaphore_mem>>) src(%dma_wait3A_48 : memref<128x128xf32, #tpu.memory_space<vmem>>) dst(%dma_wait3A_45 : memref<128x128xf32, #tpu.memory_space<vmem_shared>>)
        tpu.yield
      }) : () -> ()
    }
    %scan3A_13 = arith.constant 5 : i32
    %barrier3A = arith.constant 0 : index
    tpu.barrier barrier_id(%barrier3A)
    %scan3A_14 = arith.constant 0 : i32
    %scan3A_15 = arith.constant 0 : i32
    %scan3A_16 = arith.constant 2 : i32
    %scan3A_17 = arith.addi %scan3A_15, %scan3A_16 : i32
    %scan3A_18 = arith.constant 1 : i32
    scf.for %scan3A_27 = %scan3A_15 to %scan3A_17 step %scan3A_18  : i32 {
      %mul3A_28 = arith.constant 40 : i32
      %mul3A_29 = arith.muli %scan3A_27, %mul3A_28 : i32
      "tpu.region"() ({
        %run_scoped3A = tpu.sem_alloc : memref<!tpu.dma_semaphore, #tpu.memory_space<semaphore_mem>>
        %dma_start3A = arith.constant 0 : i32
        %dma_start3A_38 = tpu.memref_slice %arg3[%add3A, %mul3A_29, %dma_start3A] : memref<32x80x128xi32, #tpu.memory_space<hbm>> -> memref<1x40x128xi32, #tpu.memory_space<hbm>>
        %dma_start3A_39 = tpu.memref_squeeze %dma_start3A_38 : memref<1x40x128xi32, #tpu.memory_space<hbm>> -> memref<40x128xi32, #tpu.memory_space<hbm>>
        %dma_start3A_40 = arith.constant 0 : i32
        %dma_start3A_41 = tpu.memref_slice %arg3[%add3A, %mul3A_29, %dma_start3A_40] : memref<32x80x128xi32, #tpu.memory_space<hbm>> -> memref<1x40x128xi32, #tpu.memory_space<hbm>>
        %dma_start3A_42 = tpu.memref_squeeze %dma_start3A_41 : memref<1x40x128xi32, #tpu.memory_space<hbm>> -> memref<40x128xi32, #tpu.memory_space<hbm>>
        tpu.enqueue_dma source(%dma_start3A_42 : memref<40x128xi32, #tpu.memory_space<hbm>>) target(%arg6 : memref<40x128xi32, #tpu.memory_space<vmem>>) target_semaphore(%run_scoped3A : memref<!tpu.dma_semaphore, #tpu.memory_space<semaphore_mem>>)
        %dma_wait3A = arith.constant 0 : i32
        %dma_wait3A_43 = tpu.memref_slice %arg3[%add3A, %mul3A_29, %dma_wait3A] : memref<32x80x128xi32, #tpu.memory_space<hbm>> -> memref<1x40x128xi32, #tpu.memory_space<hbm>>
        %dma_wait3A_44 = tpu.memref_squeeze %dma_wait3A_43 : memref<1x40x128xi32, #tpu.memory_space<hbm>> -> memref<40x128xi32, #tpu.memory_space<hbm>>
        %dma_wait3A_45 = arith.constant 0 : i32
        %dma_wait3A_46 = tpu.memref_slice %arg3[%add3A, %mul3A_29, %dma_wait3A_45] : memref<32x80x128xi32, #tpu.memory_space<hbm>> -> memref<1x40x128xi32, #tpu.memory_space<hbm>>
        %dma_wait3A_47 = tpu.memref_squeeze %dma_wait3A_46 : memref<1x40x128xi32, #tpu.memory_space<hbm>> -> memref<40x128xi32, #tpu.memory_space<hbm>>
        tpu.wait_dma2 semaphore(%run_scoped3A : memref<!tpu.dma_semaphore, #tpu.memory_space<semaphore_mem>>) src(%dma_wait3A_47 : memref<40x128xi32, #tpu.memory_space<hbm>>) dst(%arg6 : memref<40x128xi32, #tpu.memory_space<vmem>>)
        tpu.yield
      }) : () -> ()
      %mul3A_30 = arith.constant 40 : i32
      %mul3A_31 = arith.muli %scan3A_27, %mul3A_30 : i32
      "tpu.region"() ({
        %run_scoped3A = tpu.sem_alloc : memref<!tpu.dma_semaphore, #tpu.memory_space<semaphore_mem>>
        %dma_start3A = arith.constant 0 : i32
        %dma_start3A_38 = tpu.memref_slice %arg4[%add3A, %mul3A_31, %dma_start3A] : memref<32x80x128xi32, #tpu.memory_space<hbm>> -> memref<1x40x128xi32, #tpu.memory_space<hbm>>
        %dma_start3A_39 = tpu.memref_squeeze %dma_start3A_38 : memref<1x40x128xi32, #tpu.memory_space<hbm>> -> memref<40x128xi32, #tpu.memory_space<hbm>>
        %dma_start3A_40 = arith.constant 0 : i32
        %dma_start3A_41 = tpu.memref_slice %arg4[%add3A, %mul3A_31, %dma_start3A_40] : memref<32x80x128xi32, #tpu.memory_space<hbm>> -> memref<1x40x128xi32, #tpu.memory_space<hbm>>
        %dma_start3A_42 = tpu.memref_squeeze %dma_start3A_41 : memref<1x40x128xi32, #tpu.memory_space<hbm>> -> memref<40x128xi32, #tpu.memory_space<hbm>>
        tpu.enqueue_dma source(%dma_start3A_42 : memref<40x128xi32, #tpu.memory_space<hbm>>) target(%arg7 : memref<40x128xi32, #tpu.memory_space<vmem>>) target_semaphore(%run_scoped3A : memref<!tpu.dma_semaphore, #tpu.memory_space<semaphore_mem>>)
        %dma_wait3A = arith.constant 0 : i32
        %dma_wait3A_43 = tpu.memref_slice %arg4[%add3A, %mul3A_31, %dma_wait3A] : memref<32x80x128xi32, #tpu.memory_space<hbm>> -> memref<1x40x128xi32, #tpu.memory_space<hbm>>
        %dma_wait3A_44 = tpu.memref_squeeze %dma_wait3A_43 : memref<1x40x128xi32, #tpu.memory_space<hbm>> -> memref<40x128xi32, #tpu.memory_space<hbm>>
        %dma_wait3A_45 = arith.constant 0 : i32
        %dma_wait3A_46 = tpu.memref_slice %arg4[%add3A, %mul3A_31, %dma_wait3A_45] : memref<32x80x128xi32, #tpu.memory_space<hbm>> -> memref<1x40x128xi32, #tpu.memory_space<hbm>>
        %dma_wait3A_47 = tpu.memref_squeeze %dma_wait3A_46 : memref<1x40x128xi32, #tpu.memory_space<hbm>> -> memref<40x128xi32, #tpu.memory_space<hbm>>
        tpu.wait_dma2 semaphore(%run_scoped3A : memref<!tpu.dma_semaphore, #tpu.memory_space<semaphore_mem>>) src(%dma_wait3A_47 : memref<40x128xi32, #tpu.memory_space<hbm>>) dst(%arg7 : memref<40x128xi32, #tpu.memory_space<vmem>>)
        tpu.yield
      }) : () -> ()
      %scan3A_32 = arith.constant 0 : i32
      %scan3A_33 = arith.constant 0 : i32
      %scan3A_34 = arith.constant 20 : i32
      %scan3A_35 = arith.addi %scan3A_33, %scan3A_34 : i32
      %scan3A_36 = arith.constant 1 : i32
      scf.for %scan3A_38 = %scan3A_33 to %scan3A_35 step %scan3A_36  : i32 {
        %mul3A_39 = arith.constant 2 : i32
        %mul3A_40 = arith.muli %scan3A_38, %mul3A_39 : i32
        %add3A_41 = arith.constant 0 : i32
        %add3A_42 = arith.addi %mul3A_40, %add3A_41 : i32
        %dma_start3A = arith.constant 0 : i32
        %dma_start3A_43 = arith.constant 0 : i32
        %dma_start3A_44 = tpu.memref_slice %arg8[%dma_start3A, %dma_start3A_43] : memref<256x128xf32, #tpu.memory_space<vmem>> -> memref<128x128xf32, #tpu.memory_space<vmem>>
        %dma_start3A_45 = arith.constant 0 : i32
        %dma_start3A_46 = tpu.memref_slice %arg6[%add3A_42, %dma_start3A_45] : memref<40x128xi32, #tpu.memory_space<vmem>> -> memref<1x128xi32, #tpu.memory_space<vmem>>
        %dma_start3A_47 = tpu.memref_squeeze %dma_start3A_46 : memref<1x128xi32, #tpu.memory_space<vmem>> -> memref<128xi32, #tpu.memory_space<vmem>>
        %dma_start3A_48 = arith.constant 0 : i32
        %dma_start3A_49 = arith.constant 0 : i32
        %dma_start3A_50 = tpu.memref_slice %arg2[%dma_start3A_48, %dma_start3A_49] : memref<327680x128xf32, #tpu.memory_space<hbm>> -> memref<327680x128xf32, #tpu.memory_space<hbm>>
        tpu.enqueue_indirect_dma source(%dma_start3A_50 : memref<327680x128xf32, #tpu.memory_space<hbm>>) target(%dma_start3A_44 : memref<128x128xf32, #tpu.memory_space<vmem>>) offsets(%dma_start3A_47 : memref<128xi32, #tpu.memory_space<vmem>>) semaphore(%arg10 : memref<!tpu.dma_semaphore, #tpu.memory_space<semaphore_mem>>)
        %mul3A_51 = arith.constant 2 : i32
        %mul3A_52 = arith.muli %scan3A_38, %mul3A_51 : i32
        %add3A_53 = arith.constant 1 : i32
        %add3A_54 = arith.addi %mul3A_52, %add3A_53 : i32
        %dma_start3A_55 = arith.constant 128 : i32
        %dma_start3A_56 = arith.constant 0 : i32
        %dma_start3A_57 = tpu.memref_slice %arg8[%dma_start3A_55, %dma_start3A_56] : memref<256x128xf32, #tpu.memory_space<vmem>> -> memref<128x128xf32, #tpu.memory_space<vmem>>
        %dma_start3A_58 = arith.constant 0 : i32
        %dma_start3A_59 = tpu.memref_slice %arg6[%add3A_54, %dma_start3A_58] : memref<40x128xi32, #tpu.memory_space<vmem>> -> memref<1x128xi32, #tpu.memory_space<vmem>>
        %dma_start3A_60 = tpu.memref_squeeze %dma_start3A_59 : memref<1x128xi32, #tpu.memory_space<vmem>> -> memref<128xi32, #tpu.memory_space<vmem>>
        %dma_start3A_61 = arith.constant 0 : i32
        %dma_start3A_62 = arith.constant 0 : i32
        %dma_start3A_63 = tpu.memref_slice %arg2[%dma_start3A_61, %dma_start3A_62] : memref<327680x128xf32, #tpu.memory_space<hbm>> -> memref<327680x128xf32, #tpu.memory_space<hbm>>
        tpu.enqueue_indirect_dma source(%dma_start3A_63 : memref<327680x128xf32, #tpu.memory_space<hbm>>) target(%dma_start3A_57 : memref<128x128xf32, #tpu.memory_space<vmem>>) offsets(%dma_start3A_60 : memref<128xi32, #tpu.memory_space<vmem>>) semaphore(%arg10 : memref<!tpu.dma_semaphore, #tpu.memory_space<semaphore_mem>>)
        %dma_wait3A = arith.constant 0 : i32
        %dma_wait3A_64 = arith.constant 0 : i32
        %dma_wait3A_65 = tpu.memref_slice %arg8[%dma_wait3A, %dma_wait3A_64] : memref<256x128xf32, #tpu.memory_space<vmem>> -> memref<128x128xf32, #tpu.memory_space<vmem>>
        %dma_wait3A_66 = arith.constant 0 : i32
        %dma_wait3A_67 = tpu.memref_slice %arg6[%add3A_42, %dma_wait3A_66] : memref<40x128xi32, #tpu.memory_space<vmem>> -> memref<1x128xi32, #tpu.memory_space<vmem>>
        %dma_wait3A_68 = tpu.memref_squeeze %dma_wait3A_67 : memref<1x128xi32, #tpu.memory_space<vmem>> -> memref<128xi32, #tpu.memory_space<vmem>>
        %dma_wait3A_69 = arith.constant 0 : i32
        %dma_wait3A_70 = arith.constant 0 : i32
        %dma_wait3A_71 = tpu.memref_slice %arg2[%dma_wait3A_69, %dma_wait3A_70] : memref<327680x128xf32, #tpu.memory_space<hbm>> -> memref<327680x128xf32, #tpu.memory_space<hbm>>
        tpu.wait_indirect_dma semaphore(%arg10 : memref<!tpu.dma_semaphore, #tpu.memory_space<semaphore_mem>>) src(%dma_wait3A_71 : memref<327680x128xf32, #tpu.memory_space<hbm>>) dst(%dma_wait3A_65 : memref<128x128xf32, #tpu.memory_space<vmem>>)
        %mul3A_72 = arith.constant 2 : i32
        %mul3A_73 = arith.muli %scan3A_38, %mul3A_72 : i32
        %add3A_74 = arith.constant 0 : i32
        %add3A_75 = arith.addi %mul3A_73, %add3A_74 : i32
        "tpu.region"() ({
          %run_scoped3A = tpu.sem_alloc : memref<!tpu.dma_semaphore, #tpu.memory_space<semaphore_mem>>
          %dma_start3A_89 = arith.constant 0 : i32
          %dma_start3A_90 = arith.constant 0 : i32
          %dma_start3A_91 = tpu.memref_slice %arg8[%dma_start3A_89, %dma_start3A_90] : memref<256x128xf32, #tpu.memory_space<vmem>> -> memref<128x128xf32, #tpu.memory_space<vmem>>
          %dma_start3A_92 = arith.constant 0 : i32
          %dma_start3A_93 = tpu.memref_slice %arg7[%add3A_75, %dma_start3A_92] : memref<40x128xi32, #tpu.memory_space<vmem>> -> memref<1x128xi32, #tpu.memory_space<vmem>>
          %dma_start3A_94 = tpu.memref_squeeze %dma_start3A_93 : memref<1x128xi32, #tpu.memory_space<vmem>> -> memref<128xi32, #tpu.memory_space<vmem>>
          %dma_start3A_95 = arith.constant 0 : i32
          %dma_start3A_96 = arith.constant 0 : i32
          %dma_start3A_97 = tpu.memref_slice %arg9[%dma_start3A_95, %dma_start3A_96] : memref<10240x128xf32, #tpu.memory_space<vmem_shared>> -> memref<10240x128xf32, #tpu.memory_space<vmem_shared>>
          tpu.enqueue_indirect_dma source(%dma_start3A_91 : memref<128x128xf32, #tpu.memory_space<vmem>>) target(%dma_start3A_97 : memref<10240x128xf32, #tpu.memory_space<vmem_shared>>) offsets(%dma_start3A_94 : memref<128xi32, #tpu.memory_space<vmem>>) semaphore(%run_scoped3A : memref<!tpu.dma_semaphore, #tpu.memory_space<semaphore_mem>>) {add = true}
          %dma_wait3A_98 = arith.constant 0 : i32
          %dma_wait3A_99 = arith.constant 0 : i32
          %dma_wait3A_100 = tpu.memref_slice %arg8[%dma_wait3A_98, %dma_wait3A_99] : memref<256x128xf32, #tpu.memory_space<vmem>> -> memref<128x128xf32, #tpu.memory_space<vmem>>
          %dma_wait3A_101 = arith.constant 0 : i32
          %dma_wait3A_102 = tpu.memref_slice %arg7[%add3A_75, %dma_wait3A_101] : memref<40x128xi32, #tpu.memory_space<vmem>> -> memref<1x128xi32, #tpu.memory_space<vmem>>
          %dma_wait3A_103 = tpu.memref_squeeze %dma_wait3A_102 : memref<1x128xi32, #tpu.memory_space<vmem>> -> memref<128xi32, #tpu.memory_space<vmem>>
          %dma_wait3A_104 = arith.constant 0 : i32
          %dma_wait3A_105 = arith.constant 0 : i32
          %dma_wait3A_106 = tpu.memref_slice %arg9[%dma_wait3A_104, %dma_wait3A_105] : memref<10240x128xf32, #tpu.memory_space<vmem_shared>> -> memref<10240x128xf32, #tpu.memory_space<vmem_shared>>
          tpu.wait_indirect_dma semaphore(%run_scoped3A : memref<!tpu.dma_semaphore, #tpu.memory_space<semaphore_mem>>) src(%dma_wait3A_100 : memref<128x128xf32, #tpu.memory_space<vmem>>) dst(%dma_wait3A_106 : memref<10240x128xf32, #tpu.memory_space<vmem_shared>>)
          tpu.yield
        }) : () -> ()
        %dma_wait3A_76 = arith.constant 128 : i32
        %dma_wait3A_77 = arith.constant 0 : i32
        %dma_wait3A_78 = tpu.memref_slice %arg8[%dma_wait3A_76, %dma_wait3A_77] : memref<256x128xf32, #tpu.memory_space<vmem>> -> memref<128x128xf32, #tpu.memory_space<vmem>>
        %dma_wait3A_79 = arith.constant 0 : i32
        %dma_wait3A_80 = tpu.memref_slice %arg6[%add3A_54, %dma_wait3A_79] : memref<40x128xi32, #tpu.memory_space<vmem>> -> memref<1x128xi32, #tpu.memory_space<vmem>>
        %dma_wait3A_81 = tpu.memref_squeeze %dma_wait3A_80 : memref<1x128xi32, #tpu.memory_space<vmem>> -> memref<128xi32, #tpu.memory_space<vmem>>
        %dma_wait3A_82 = arith.constant 0 : i32
        %dma_wait3A_83 = arith.constant 0 : i32
        %dma_wait3A_84 = tpu.memref_slice %arg2[%dma_wait3A_82, %dma_wait3A_83] : memref<327680x128xf32, #tpu.memory_space<hbm>> -> memref<327680x128xf32, #tpu.memory_space<hbm>>
        tpu.wait_indirect_dma semaphore(%arg10 : memref<!tpu.dma_semaphore, #tpu.memory_space<semaphore_mem>>) src(%dma_wait3A_84 : memref<327680x128xf32, #tpu.memory_space<hbm>>) dst(%dma_wait3A_78 : memref<128x128xf32, #tpu.memory_space<vmem>>)
        %mul3A_85 = arith.constant 2 : i32
        %mul3A_86 = arith.muli %scan3A_38, %mul3A_85 : i32
        %add3A_87 = arith.constant 1 : i32
        %add3A_88 = arith.addi %mul3A_86, %add3A_87 : i32
        "tpu.region"() ({
          %run_scoped3A = tpu.sem_alloc : memref<!tpu.dma_semaphore, #tpu.memory_space<semaphore_mem>>
          %dma_start3A_89 = arith.constant 128 : i32
          %dma_start3A_90 = arith.constant 0 : i32
          %dma_start3A_91 = tpu.memref_slice %arg8[%dma_start3A_89, %dma_start3A_90] : memref<256x128xf32, #tpu.memory_space<vmem>> -> memref<128x128xf32, #tpu.memory_space<vmem>>
          %dma_start3A_92 = arith.constant 0 : i32
          %dma_start3A_93 = tpu.memref_slice %arg7[%add3A_88, %dma_start3A_92] : memref<40x128xi32, #tpu.memory_space<vmem>> -> memref<1x128xi32, #tpu.memory_space<vmem>>
          %dma_start3A_94 = tpu.memref_squeeze %dma_start3A_93 : memref<1x128xi32, #tpu.memory_space<vmem>> -> memref<128xi32, #tpu.memory_space<vmem>>
          %dma_start3A_95 = arith.constant 0 : i32
          %dma_start3A_96 = arith.constant 0 : i32
          %dma_start3A_97 = tpu.memref_slice %arg9[%dma_start3A_95, %dma_start3A_96] : memref<10240x128xf32, #tpu.memory_space<vmem_shared>> -> memref<10240x128xf32, #tpu.memory_space<vmem_shared>>
          tpu.enqueue_indirect_dma source(%dma_start3A_91 : memref<128x128xf32, #tpu.memory_space<vmem>>) target(%dma_start3A_97 : memref<10240x128xf32, #tpu.memory_space<vmem_shared>>) offsets(%dma_start3A_94 : memref<128xi32, #tpu.memory_space<vmem>>) semaphore(%run_scoped3A : memref<!tpu.dma_semaphore, #tpu.memory_space<semaphore_mem>>) {add = true}
          %dma_wait3A_98 = arith.constant 128 : i32
          %dma_wait3A_99 = arith.constant 0 : i32
          %dma_wait3A_100 = tpu.memref_slice %arg8[%dma_wait3A_98, %dma_wait3A_99] : memref<256x128xf32, #tpu.memory_space<vmem>> -> memref<128x128xf32, #tpu.memory_space<vmem>>
          %dma_wait3A_101 = arith.constant 0 : i32
          %dma_wait3A_102 = tpu.memref_slice %arg7[%add3A_88, %dma_wait3A_101] : memref<40x128xi32, #tpu.memory_space<vmem>> -> memref<1x128xi32, #tpu.memory_space<vmem>>
          %dma_wait3A_103 = tpu.memref_squeeze %dma_wait3A_102 : memref<1x128xi32, #tpu.memory_space<vmem>> -> memref<128xi32, #tpu.memory_space<vmem>>
          %dma_wait3A_104 = arith.constant 0 : i32
          %dma_wait3A_105 = arith.constant 0 : i32
          %dma_wait3A_106 = tpu.memref_slice %arg9[%dma_wait3A_104, %dma_wait3A_105] : memref<10240x128xf32, #tpu.memory_space<vmem_shared>> -> memref<10240x128xf32, #tpu.memory_space<vmem_shared>>
          tpu.wait_indirect_dma semaphore(%run_scoped3A : memref<!tpu.dma_semaphore, #tpu.memory_space<semaphore_mem>>) src(%dma_wait3A_100 : memref<128x128xf32, #tpu.memory_space<vmem>>) dst(%dma_wait3A_106 : memref<10240x128xf32, #tpu.memory_space<vmem_shared>>)
          tpu.yield
        }) : () -> ()
      }
      %scan3A_37 = arith.constant 20 : i32
    }
    %scan3A_19 = arith.constant 2 : i32
    %barrier3A_20 = arith.constant 0 : index
    tpu.barrier barrier_id(%barrier3A_20)
    %scan3A_21 = arith.constant 0 : i32
    %scan3A_22 = arith.constant 0 : i32
    %scan3A_23 = arith.constant 5 : i32
    %scan3A_24 = arith.addi %scan3A_22, %scan3A_23 : i32
    %scan3A_25 = arith.constant 1 : i32
    scf.for %scan3A_27 = %scan3A_22 to %scan3A_24 step %scan3A_25  : i32 {
      %mul3A_28 = arith.constant 128 : i32
      %mul3A_29 = arith.muli %scan3A_27, %mul3A_28 : i32
      %add3A_30 = arith.addi %mul3A_7, %mul3A_29 : i32
      "tpu.region"() ({
        %run_scoped3A = tpu.sem_alloc : memref<!tpu.dma_semaphore, #tpu.memory_space<semaphore_mem>>
        %dma_start3A = arith.constant 0 : i32
        %dma_start3A_34 = arith.constant 0 : i32
        %dma_start3A_35 = tpu.memref_slice %arg8[%dma_start3A, %dma_start3A_34] : memref<256x128xf32, #tpu.memory_space<vmem>> -> memref<128x128xf32, #tpu.memory_space<vmem>>
        %dma_start3A_36 = arith.constant 0 : i32
        %dma_start3A_37 = tpu.memref_slice %arg9[%add3A_30, %dma_start3A_36] : memref<10240x128xf32, #tpu.memory_space<vmem_shared>> -> memref<128x128xf32, #tpu.memory_space<vmem_shared>>
        %dma_start3A_38 = arith.constant 0 : i32
        %dma_start3A_39 = arith.constant 0 : i32
        %dma_start3A_40 = tpu.memref_slice %arg8[%dma_start3A_38, %dma_start3A_39] : memref<256x128xf32, #tpu.memory_space<vmem>> -> memref<128x128xf32, #tpu.memory_space<vmem>>
        %dma_start3A_41 = arith.constant 0 : i32
        %dma_start3A_42 = tpu.memref_slice %arg9[%add3A_30, %dma_start3A_41] : memref<10240x128xf32, #tpu.memory_space<vmem_shared>> -> memref<128x128xf32, #tpu.memory_space<vmem_shared>>
        tpu.enqueue_dma source(%dma_start3A_42 : memref<128x128xf32, #tpu.memory_space<vmem_shared>>) target(%dma_start3A_40 : memref<128x128xf32, #tpu.memory_space<vmem>>) target_semaphore(%run_scoped3A : memref<!tpu.dma_semaphore, #tpu.memory_space<semaphore_mem>>)
        %dma_wait3A = arith.constant 0 : i32
        %dma_wait3A_43 = arith.constant 0 : i32
        %dma_wait3A_44 = tpu.memref_slice %arg8[%dma_wait3A, %dma_wait3A_43] : memref<256x128xf32, #tpu.memory_space<vmem>> -> memref<128x128xf32, #tpu.memory_space<vmem>>
        %dma_wait3A_45 = arith.constant 0 : i32
        %dma_wait3A_46 = tpu.memref_slice %arg9[%add3A_30, %dma_wait3A_45] : memref<10240x128xf32, #tpu.memory_space<vmem_shared>> -> memref<128x128xf32, #tpu.memory_space<vmem_shared>>
        %dma_wait3A_47 = arith.constant 0 : i32
        %dma_wait3A_48 = arith.constant 0 : i32
        %dma_wait3A_49 = tpu.memref_slice %arg8[%dma_wait3A_47, %dma_wait3A_48] : memref<256x128xf32, #tpu.memory_space<vmem>> -> memref<128x128xf32, #tpu.memory_space<vmem>>
        %dma_wait3A_50 = arith.constant 0 : i32
        %dma_wait3A_51 = tpu.memref_slice %arg9[%add3A_30, %dma_wait3A_50] : memref<10240x128xf32, #tpu.memory_space<vmem_shared>> -> memref<128x128xf32, #tpu.memory_space<vmem_shared>>
        tpu.wait_dma2 semaphore(%run_scoped3A : memref<!tpu.dma_semaphore, #tpu.memory_space<semaphore_mem>>) src(%dma_wait3A_51 : memref<128x128xf32, #tpu.memory_space<vmem_shared>>) dst(%dma_wait3A_49 : memref<128x128xf32, #tpu.memory_space<vmem>>)
        tpu.yield
      }) : () -> ()
      %mul3A_31 = arith.constant 128 : i32
      %mul3A_32 = arith.muli %scan3A_27, %mul3A_31 : i32
      %add3A_33 = arith.addi %mul3A_7, %mul3A_32 : i32
      "tpu.region"() ({
        %run_scoped3A = tpu.sem_alloc : memref<!tpu.dma_semaphore, #tpu.memory_space<semaphore_mem>>
        %dma_start3A = arith.constant 0 : i32
        %dma_start3A_34 = arith.constant 0 : i32
        %dma_start3A_35 = tpu.memref_slice %arg8[%dma_start3A, %dma_start3A_34] : memref<256x128xf32, #tpu.memory_space<vmem>> -> memref<128x128xf32, #tpu.memory_space<vmem>>
        %dma_start3A_36 = arith.constant 0 : i32
        %dma_start3A_37 = tpu.memref_slice %arg5[%arg0, %add3A_33, %dma_start3A_36] : memref<2x10240x128xf32, #tpu.memory_space<hbm>> -> memref<1x128x128xf32, #tpu.memory_space<hbm>>
        %dma_start3A_38 = tpu.memref_squeeze %dma_start3A_37 : memref<1x128x128xf32, #tpu.memory_space<hbm>> -> memref<128x128xf32, #tpu.memory_space<hbm>>
        %dma_start3A_39 = arith.constant 0 : i32
        %dma_start3A_40 = tpu.memref_slice %arg5[%arg0, %add3A_33, %dma_start3A_39] : memref<2x10240x128xf32, #tpu.memory_space<hbm>> -> memref<1x128x128xf32, #tpu.memory_space<hbm>>
        %dma_start3A_41 = tpu.memref_squeeze %dma_start3A_40 : memref<1x128x128xf32, #tpu.memory_space<hbm>> -> memref<128x128xf32, #tpu.memory_space<hbm>>
        %dma_start3A_42 = arith.constant 0 : i32
        %dma_start3A_43 = arith.constant 0 : i32
        %dma_start3A_44 = tpu.memref_slice %arg8[%dma_start3A_42, %dma_start3A_43] : memref<256x128xf32, #tpu.memory_space<vmem>> -> memref<128x128xf32, #tpu.memory_space<vmem>>
        tpu.enqueue_dma source(%dma_start3A_44 : memref<128x128xf32, #tpu.memory_space<vmem>>) target(%dma_start3A_41 : memref<128x128xf32, #tpu.memory_space<hbm>>) target_semaphore(%run_scoped3A : memref<!tpu.dma_semaphore, #tpu.memory_space<semaphore_mem>>)
        %dma_wait3A = arith.constant 0 : i32
        %dma_wait3A_45 = arith.constant 0 : i32
        %dma_wait3A_46 = tpu.memref_slice %arg8[%dma_wait3A, %dma_wait3A_45] : memref<256x128xf32, #tpu.memory_space<vmem>> -> memref<128x128xf32, #tpu.memory_space<vmem>>
        %dma_wait3A_47 = arith.constant 0 : i32
        %dma_wait3A_48 = tpu.memref_slice %arg5[%arg0, %add3A_33, %dma_wait3A_47] : memref<2x10240x128xf32, #tpu.memory_space<hbm>> -> memref<1x128x128xf32, #tpu.memory_space<hbm>>
        %dma_wait3A_49 = tpu.memref_squeeze %dma_wait3A_48 : memref<1x128x128xf32, #tpu.memory_space<hbm>> -> memref<128x128xf32, #tpu.memory_space<hbm>>
        %dma_wait3A_50 = arith.constant 0 : i32
        %dma_wait3A_51 = tpu.memref_slice %arg5[%arg0, %add3A_33, %dma_wait3A_50] : memref<2x10240x128xf32, #tpu.memory_space<hbm>> -> memref<1x128x128xf32, #tpu.memory_space<hbm>>
        %dma_wait3A_52 = tpu.memref_squeeze %dma_wait3A_51 : memref<1x128x128xf32, #tpu.memory_space<hbm>> -> memref<128x128xf32, #tpu.memory_space<hbm>>
        %dma_wait3A_53 = arith.constant 0 : i32
        %dma_wait3A_54 = arith.constant 0 : i32
        %dma_wait3A_55 = tpu.memref_slice %arg8[%dma_wait3A_53, %dma_wait3A_54] : memref<256x128xf32, #tpu.memory_space<vmem>> -> memref<128x128xf32, #tpu.memory_space<vmem>>
        tpu.wait_dma2 semaphore(%run_scoped3A : memref<!tpu.dma_semaphore, #tpu.memory_space<semaphore_mem>>) src(%dma_wait3A_55 : memref<128x128xf32, #tpu.memory_space<vmem>>) dst(%dma_wait3A_52 : memref<128x128xf32, #tpu.memory_space<hbm>>)
        tpu.yield
      }) : () -> ()
    }
    %scan3A_26 = arith.constant 5 : i32
    return
  }
}

#map = affine_map<(d0, d1) -> (0, 0)>
#map1 = affine_map<(d0, d1) -> (0, 0, 0)>
module attributes {stable_mosaic.version = 14 : i64} {
  func.func @body(%arg0: i32, %arg1: i32, %arg2: memref<10000x128xf32, #tpu.memory_space<hbm>>, %arg3: memref<32x80x128xi32, #tpu.memory_space<hbm>>, %arg4: memref<32x80x128xi32, #tpu.memory_space<hbm>>, %arg5: memref<2x10240x128xf32, #tpu.memory_space<hbm>>, %arg6: memref<40x128xi32, #tpu.memory_space<vmem>>, %arg7: memref<40x128xi32, #tpu.memory_space<vmem>>, %arg8: memref<256x128xf32, #tpu.memory_space<vmem>>, %arg9: memref<10240x128xf32, #tpu.memory_space<vmem_shared>>, %arg10: memref<!tpu.dma_semaphore, #tpu.memory_space<semaphore_mem>>) attributes {dimension_semantics = [#tpu.dimension_semantics<core_parallel>, #tpu.dimension_semantics<subcore_parallel>], iteration_bounds = array<i64: 2, 16>, scalar_prefetch = 0 : i64, scratch_operands = 5 : i64, tpu.core_type = #tpu.core_type<sc_vector_subcore>, window_params = [{transform_indices = #map}, {transform_indices = #map1}, {transform_indices = #map1}, {transform_indices = #map1}]} {
    %mul3A = arith.constant 2 : i32
    %mul3A_0 = arith.muli %arg1, %mul3A : i32
    %add3A = arith.addi %mul3A_0, %arg0 : i32
    %scan3A = arith.constant 0 : i32
    %scan3A_1 = arith.constant 0 : i32
    %scan3A_2 = arith.constant 1024 : i32
    %scan3A_3 = arith.addi %scan3A_1, %scan3A_2 : i32
    %scan3A_4 = arith.constant 1 : i32
    scf.for %scan3A_27 = %scan3A_1 to %scan3A_3 step %scan3A_4  : i32 {
      %broadcast_in_dim3A = arith.constant 0.000000e+00 : f32
      %broadcast_in_dim3A_28 = vector.broadcast %broadcast_in_dim3A : f32 to vector<16xf32>
      %jit3A = arith.constant 8 : i32
      %div3A = arith.divsi %scan3A_27, %jit3A : i32
      %sign3A = arith.constant 0 : i32
      %sign3A_29 = arith.cmpi sgt, %scan3A_27, %sign3A : i32
      %sign3A_30 = arith.extui %sign3A_29 : i1 to i32
      %sign3A_31 = arith.constant 0 : i32
      %sign3A_32 = arith.cmpi slt, %scan3A_27, %sign3A_31 : i32
      %sign3A_33 = arith.extui %sign3A_32 : i1 to i32
      %sign3A_34 = arith.subi %sign3A_30, %sign3A_33 : i32
      %sign3A_35 = arith.constant 0 : i32
      %sign3A_36 = arith.cmpi sgt, %jit3A, %sign3A_35 : i32
      %sign3A_37 = arith.extui %sign3A_36 : i1 to i32
      %sign3A_38 = arith.constant 0 : i32
      %sign3A_39 = arith.cmpi slt, %jit3A, %sign3A_38 : i32
      %sign3A_40 = arith.extui %sign3A_39 : i1 to i32
      %sign3A_41 = arith.subi %sign3A_37, %sign3A_40 : i32
      %ne3A = arith.cmpi ne, %sign3A_34, %sign3A_41 : i32
      %rem3A = arith.remsi %scan3A_27, %jit3A : i32
      %ne3A_42 = arith.constant 0 : i32
      %ne3A_43 = arith.cmpi ne, %rem3A, %ne3A_42 : i32
      %and3A = arith.andi %ne3A, %ne3A_43 : i1
      %sub3A = arith.constant 1 : i32
      %sub3A_44 = arith.subi %div3A, %sub3A : i32
      %select_n3A = arith.select %and3A, %sub3A_44, %div3A : i32
      %jit3A_45 = arith.constant 8 : i32
      %eq3A = arith.constant 0 : i32
      %eq3A_46 = arith.cmpi eq, %jit3A_45, %eq3A : i32
      %jit3A_47 = arith.constant 1 : i32
      %select_n3A_48 = arith.select %eq3A_46, %jit3A_47, %jit3A_45 : i32
      %rem3A_49 = arith.remsi %scan3A_27, %select_n3A_48 : i32
      %ne3A_50 = arith.constant 0 : i32
      %ne3A_51 = arith.cmpi ne, %rem3A_49, %ne3A_50 : i32
      %lt3A = arith.constant 0 : i32
      %lt3A_52 = arith.cmpi slt, %rem3A_49, %lt3A : i32
      %lt3A_53 = arith.constant 0 : i32
      %lt3A_54 = arith.cmpi slt, %select_n3A_48, %lt3A_53 : i32
      %ne3A_55 = arith.xori %lt3A_52, %lt3A_54 : i1
      %and3A_56 = arith.andi %ne3A_55, %ne3A_51 : i1
      %add3A_57 = arith.addi %rem3A_49, %select_n3A_48 : i32
      %select_n3A_58 = arith.select %and3A_56, %add3A_57, %rem3A_49 : i32
      %mul3A_59 = arith.constant 16 : i32
      %mul3A_60 = arith.muli %select_n3A_58, %mul3A_59 : i32
      %swap3A = arith.index_cast %select_n3A : i32 to index
      %swap3A_61 = arith.index_cast %mul3A_60 : i32 to index
      %swap3A_62 = tpu.vector_load %arg8[%swap3A, %swap3A_61] {strides = array<i32>} : memref<256x128xf32, #tpu.memory_space<vmem>>, vector<1x16xf32>,
      %swap3A_63 = vector.shape_cast %swap3A_62 : vector<1x16xf32> to vector<16xf32>
      %swap3A_64 = vector.shape_cast %broadcast_in_dim3A_28 : vector<16xf32> to vector<1x16xf32>
      tpu.vector_store %arg8[%swap3A, %swap3A_61], %swap3A_64 {strides = array<i32>} : memref<256x128xf32, #tpu.memory_space<vmem>>, vector<1x16xf32>,
    }
    %scan3A_5 = arith.constant 1024 : i32
    %mul3A_6 = arith.constant 640 : i32
    %mul3A_7 = arith.muli %arg1, %mul3A_6 : i32
    %scan3A_8 = arith.constant 0 : i32
    %scan3A_9 = arith.constant 0 : i32
    %scan3A_10 = arith.constant 5 : i32
    %scan3A_11 = arith.addi %scan3A_9, %scan3A_10 : i32
    %scan3A_12 = arith.constant 1 : i32
    scf.for %scan3A_27 = %scan3A_9 to %scan3A_11 step %scan3A_12  : i32 {
      %mul3A_28 = arith.constant 128 : i32
      %mul3A_29 = arith.muli %scan3A_27, %mul3A_28 : i32
      %add3A_30 = arith.addi %mul3A_7, %mul3A_29 : i32
      "tpu.region"() ({
        %run_scoped3A = tpu.sem_alloc : memref<!tpu.dma_semaphore, #tpu.memory_space<semaphore_mem>>
        %dma_start3A = arith.constant 0 : i32
        %dma_start3A_31 = arith.constant 0 : i32
        %dma_start3A_32 = tpu.memref_slice %arg8[%dma_start3A, %dma_start3A_31] : memref<256x128xf32, #tpu.memory_space<vmem>> -> memref<128x128xf32, #tpu.memory_space<vmem>>
        %dma_start3A_33 = arith.constant 0 : i32
        %dma_start3A_34 = tpu.memref_slice %arg9[%add3A_30, %dma_start3A_33] : memref<10240x128xf32, #tpu.memory_space<vmem_shared>> -> memref<128x128xf32, #tpu.memory_space<vmem_shared>>
        %dma_start3A_35 = arith.constant 0 : i32
        %dma_start3A_36 = tpu.memref_slice %arg9[%add3A_30, %dma_start3A_35] : memref<10240x128xf32, #tpu.memory_space<vmem_shared>> -> memref<128x128xf32, #tpu.memory_space<vmem_shared>>
        %dma_start3A_37 = arith.constant 0 : i32
        %dma_start3A_38 = arith.constant 0 : i32
        %dma_start3A_39 = tpu.memref_slice %arg8[%dma_start3A_37, %dma_start3A_38] : memref<256x128xf32, #tpu.memory_space<vmem>> -> memref<128x128xf32, #tpu.memory_space<vmem>>
        tpu.enqueue_dma source(%dma_start3A_39 : memref<128x128xf32, #tpu.memory_space<vmem>>) target(%dma_start3A_36 : memref<128x128xf32, #tpu.memory_space<vmem_shared>>) target_semaphore(%run_scoped3A : memref<!tpu.dma_semaphore, #tpu.memory_space<semaphore_mem>>)
        %dma_wait3A = arith.constant 0 : i32
        %dma_wait3A_40 = arith.constant 0 : i32
        %dma_wait3A_41 = tpu.memref_slice %arg8[%dma_wait3A, %dma_wait3A_40] : memref<256x128xf32, #tpu.memory_space<vmem>> -> memref<128x128xf32, #tpu.memory_space<vmem>>
        %dma_wait3A_42 = arith.constant 0 : i32
        %dma_wait3A_43 = tpu.memref_slice %arg9[%add3A_30, %dma_wait3A_42] : memref<10240x128xf32, #tpu.memory_space<vmem_shared>> -> memref<128x128xf32, #tpu.memory_space<vmem_shared>>
        %dma_wait3A_44 = arith.constant 0 : i32
        %dma_wait3A_45 = tpu.memref_slice %arg9[%add3A_30, %dma_wait3A_44] : memref<10240x128xf32, #tpu.memory_space<vmem_shared>> -> memref<128x128xf32, #tpu.memory_space<vmem_shared>>
        %dma_wait3A_46 = arith.constant 0 : i32
        %dma_wait3A_47 = arith.constant 0 : i32
        %dma_wait3A_48 = tpu.memref_slice %arg8[%dma_wait3A_46, %dma_wait3A_47] : memref<256x128xf32, #tpu.memory_space<vmem>> -> memref<128x128xf32, #tpu.memory_space<vmem>>
        tpu.wait_dma2 semaphore(%run_scoped3A : memref<!tpu.dma_semaphore, #tpu.memory_space<semaphore_mem>>) src(%dma_wait3A_48 : memref<128x128xf32, #tpu.memory_space<vmem>>) dst(%dma_wait3A_45 : memref<128x128xf32, #tpu.memory_space<vmem_shared>>)
        tpu.yield
      }) : () -> ()
    }
    %scan3A_13 = arith.constant 5 : i32
    %barrier3A = arith.constant 0 : index
    tpu.barrier barrier_id(%barrier3A)
    %scan3A_14 = arith.constant 0 : i32
    %scan3A_15 = arith.constant 0 : i32
    %scan3A_16 = arith.constant 2 : i32
    %scan3A_17 = arith.addi %scan3A_15, %scan3A_16 : i32
    %scan3A_18 = arith.constant 1 : i32
    scf.for %scan3A_27 = %scan3A_15 to %scan3A_17 step %scan3A_18  : i32 {
      %mul3A_28 = arith.constant 40 : i32
      %mul3A_29 = arith.muli %scan3A_27, %mul3A_28 : i32
      "tpu.region"() ({
        %run_scoped3A = tpu.sem_alloc : memref<!tpu.dma_semaphore, #tpu.memory_space<semaphore_mem>>
        %dma_start3A = arith.constant 0 : i32
        %dma_start3A_38 = tpu.memref_slice %arg3[%add3A, %mul3A_29, %dma_start3A] : memref<32x80x128xi32, #tpu.memory_space<hbm>> -> memref<1x40x128xi32, #tpu.memory_space<hbm>>
        %dma_start3A_39 = tpu.memref_squeeze %dma_start3A_38 : memref<1x40x128xi32, #tpu.memory_space<hbm>> -> memref<40x128xi32, #tpu.memory_space<hbm>>
        %dma_start3A_40 = arith.constant 0 : i32
        %dma_start3A_41 = tpu.memref_slice %arg3[%add3A, %mul3A_29, %dma_start3A_40] : memref<32x80x128xi32, #tpu.memory_space<hbm>> -> memref<1x40x128xi32, #tpu.memory_space<hbm>>
        %dma_start3A_42 = tpu.memref_squeeze %dma_start3A_41 : memref<1x40x128xi32, #tpu.memory_space<hbm>> -> memref<40x128xi32, #tpu.memory_space<hbm>>
        tpu.enqueue_dma source(%dma_start3A_42 : memref<40x128xi32, #tpu.memory_space<hbm>>) target(%arg6 : memref<40x128xi32, #tpu.memory_space<vmem>>) target_semaphore(%run_scoped3A : memref<!tpu.dma_semaphore, #tpu.memory_space<semaphore_mem>>)
        %dma_wait3A = arith.constant 0 : i32
        %dma_wait3A_43 = tpu.memref_slice %arg3[%add3A, %mul3A_29, %dma_wait3A] : memref<32x80x128xi32, #tpu.memory_space<hbm>> -> memref<1x40x128xi32, #tpu.memory_space<hbm>>
        %dma_wait3A_44 = tpu.memref_squeeze %dma_wait3A_43 : memref<1x40x128xi32, #tpu.memory_space<hbm>> -> memref<40x128xi32, #tpu.memory_space<hbm>>
        %dma_wait3A_45 = arith.constant 0 : i32
        %dma_wait3A_46 = tpu.memref_slice %arg3[%add3A, %mul3A_29, %dma_wait3A_45] : memref<32x80x128xi32, #tpu.memory_space<hbm>> -> memref<1x40x128xi32, #tpu.memory_space<hbm>>
        %dma_wait3A_47 = tpu.memref_squeeze %dma_wait3A_46 : memref<1x40x128xi32, #tpu.memory_space<hbm>> -> memref<40x128xi32, #tpu.memory_space<hbm>>
        tpu.wait_dma2 semaphore(%run_scoped3A : memref<!tpu.dma_semaphore, #tpu.memory_space<semaphore_mem>>) src(%dma_wait3A_47 : memref<40x128xi32, #tpu.memory_space<hbm>>) dst(%arg6 : memref<40x128xi32, #tpu.memory_space<vmem>>)
        tpu.yield
      }) : () -> ()
      %mul3A_30 = arith.constant 40 : i32
      %mul3A_31 = arith.muli %scan3A_27, %mul3A_30 : i32
      "tpu.region"() ({
        %run_scoped3A = tpu.sem_alloc : memref<!tpu.dma_semaphore, #tpu.memory_space<semaphore_mem>>
        %dma_start3A = arith.constant 0 : i32
        %dma_start3A_38 = tpu.memref_slice %arg4[%add3A, %mul3A_31, %dma_start3A] : memref<32x80x128xi32, #tpu.memory_space<hbm>> -> memref<1x40x128xi32, #tpu.memory_space<hbm>>
        %dma_start3A_39 = tpu.memref_squeeze %dma_start3A_38 : memref<1x40x128xi32, #tpu.memory_space<hbm>> -> memref<40x128xi32, #tpu.memory_space<hbm>>
        %dma_start3A_40 = arith.constant 0 : i32
        %dma_start3A_41 = tpu.memref_slice %arg4[%add3A, %mul3A_31, %dma_start3A_40] : memref<32x80x128xi32, #tpu.memory_space<hbm>> -> memref<1x40x128xi32, #tpu.memory_space<hbm>>
        %dma_start3A_42 = tpu.memref_squeeze %dma_start3A_41 : memref<1x40x128xi32, #tpu.memory_space<hbm>> -> memref<40x128xi32, #tpu.memory_space<hbm>>
        tpu.enqueue_dma source(%dma_start3A_42 : memref<40x128xi32, #tpu.memory_space<hbm>>) target(%arg7 : memref<40x128xi32, #tpu.memory_space<vmem>>) target_semaphore(%run_scoped3A : memref<!tpu.dma_semaphore, #tpu.memory_space<semaphore_mem>>)
        %dma_wait3A = arith.constant 0 : i32
        %dma_wait3A_43 = tpu.memref_slice %arg4[%add3A, %mul3A_31, %dma_wait3A] : memref<32x80x128xi32, #tpu.memory_space<hbm>> -> memref<1x40x128xi32, #tpu.memory_space<hbm>>
        %dma_wait3A_44 = tpu.memref_squeeze %dma_wait3A_43 : memref<1x40x128xi32, #tpu.memory_space<hbm>> -> memref<40x128xi32, #tpu.memory_space<hbm>>
        %dma_wait3A_45 = arith.constant 0 : i32
        %dma_wait3A_46 = tpu.memref_slice %arg4[%add3A, %mul3A_31, %dma_wait3A_45] : memref<32x80x128xi32, #tpu.memory_space<hbm>> -> memref<1x40x128xi32, #tpu.memory_space<hbm>>
        %dma_wait3A_47 = tpu.memref_squeeze %dma_wait3A_46 : memref<1x40x128xi32, #tpu.memory_space<hbm>> -> memref<40x128xi32, #tpu.memory_space<hbm>>
        tpu.wait_dma2 semaphore(%run_scoped3A : memref<!tpu.dma_semaphore, #tpu.memory_space<semaphore_mem>>) src(%dma_wait3A_47 : memref<40x128xi32, #tpu.memory_space<hbm>>) dst(%arg7 : memref<40x128xi32, #tpu.memory_space<vmem>>)
        tpu.yield
      }) : () -> ()
      %scan3A_32 = arith.constant 0 : i32
      %scan3A_33 = arith.constant 0 : i32
      %scan3A_34 = arith.constant 20 : i32
      %scan3A_35 = arith.addi %scan3A_33, %scan3A_34 : i32
      %scan3A_36 = arith.constant 1 : i32
      scf.for %scan3A_38 = %scan3A_33 to %scan3A_35 step %scan3A_36  : i32 {
        %mul3A_39 = arith.constant 2 : i32
        %mul3A_40 = arith.muli %scan3A_38, %mul3A_39 : i32
        %add3A_41 = arith.constant 0 : i32
        %add3A_42 = arith.addi %mul3A_40, %add3A_41 : i32
        %dma_start3A = arith.constant 0 : i32
        %dma_start3A_43 = arith.constant 0 : i32
        %dma_start3A_44 = tpu.memref_slice %arg8[%dma_start3A, %dma_start3A_43] : memref<256x128xf32, #tpu.memory_space<vmem>> -> memref<128x128xf32, #tpu.memory_space<vmem>>
        %dma_start3A_45 = arith.constant 0 : i32
        %dma_start3A_46 = tpu.memref_slice %arg6[%add3A_42, %dma_start3A_45] : memref<40x128xi32, #tpu.memory_space<vmem>> -> memref<1x128xi32, #tpu.memory_space<vmem>>
        %dma_start3A_47 = tpu.memref_squeeze %dma_start3A_46 : memref<1x128xi32, #tpu.memory_space<vmem>> -> memref<128xi32, #tpu.memory_space<vmem>>
        %dma_start3A_48 = arith.constant 0 : i32
        %dma_start3A_49 = arith.constant 0 : i32
        %dma_start3A_50 = tpu.memref_slice %arg2[%dma_start3A_48, %dma_start3A_49] : memref<10000x128xf32, #tpu.memory_space<hbm>> -> memref<10000x128xf32, #tpu.memory_space<hbm>>
        tpu.enqueue_indirect_dma source(%dma_start3A_50 : memref<10000x128xf32, #tpu.memory_space<hbm>>) target(%dma_start3A_44 : memref<128x128xf32, #tpu.memory_space<vmem>>) offsets(%dma_start3A_47 : memref<128xi32, #tpu.memory_space<vmem>>) semaphore(%arg10 : memref<!tpu.dma_semaphore, #tpu.memory_space<semaphore_mem>>)
        %mul3A_51 = arith.constant 2 : i32
        %mul3A_52 = arith.muli %scan3A_38, %mul3A_51 : i32
        %add3A_53 = arith.constant 1 : i32
        %add3A_54 = arith.addi %mul3A_52, %add3A_53 : i32
        %dma_start3A_55 = arith.constant 128 : i32
        %dma_start3A_56 = arith.constant 0 : i32
        %dma_start3A_57 = tpu.memref_slice %arg8[%dma_start3A_55, %dma_start3A_56] : memref<256x128xf32, #tpu.memory_space<vmem>> -> memref<128x128xf32, #tpu.memory_space<vmem>>
        %dma_start3A_58 = arith.constant 0 : i32
        %dma_start3A_59 = tpu.memref_slice %arg6[%add3A_54, %dma_start3A_58] : memref<40x128xi32, #tpu.memory_space<vmem>> -> memref<1x128xi32, #tpu.memory_space<vmem>>
        %dma_start3A_60 = tpu.memref_squeeze %dma_start3A_59 : memref<1x128xi32, #tpu.memory_space<vmem>> -> memref<128xi32, #tpu.memory_space<vmem>>
        %dma_start3A_61 = arith.constant 0 : i32
        %dma_start3A_62 = arith.constant 0 : i32
        %dma_start3A_63 = tpu.memref_slice %arg2[%dma_start3A_61, %dma_start3A_62] : memref<10000x128xf32, #tpu.memory_space<hbm>> -> memref<10000x128xf32, #tpu.memory_space<hbm>>
        tpu.enqueue_indirect_dma source(%dma_start3A_63 : memref<10000x128xf32, #tpu.memory_space<hbm>>) target(%dma_start3A_57 : memref<128x128xf32, #tpu.memory_space<vmem>>) offsets(%dma_start3A_60 : memref<128xi32, #tpu.memory_space<vmem>>) semaphore(%arg10 : memref<!tpu.dma_semaphore, #tpu.memory_space<semaphore_mem>>)
        %dma_wait3A = arith.constant 0 : i32
        %dma_wait3A_64 = arith.constant 0 : i32
        %dma_wait3A_65 = tpu.memref_slice %arg8[%dma_wait3A, %dma_wait3A_64] : memref<256x128xf32, #tpu.memory_space<vmem>> -> memref<128x128xf32, #tpu.memory_space<vmem>>
        %dma_wait3A_66 = arith.constant 0 : i32
        %dma_wait3A_67 = tpu.memref_slice %arg6[%add3A_42, %dma_wait3A_66] : memref<40x128xi32, #tpu.memory_space<vmem>> -> memref<1x128xi32, #tpu.memory_space<vmem>>
        %dma_wait3A_68 = tpu.memref_squeeze %dma_wait3A_67 : memref<1x128xi32, #tpu.memory_space<vmem>> -> memref<128xi32, #tpu.memory_space<vmem>>
        %dma_wait3A_69 = arith.constant 0 : i32
        %dma_wait3A_70 = arith.constant 0 : i32
        %dma_wait3A_71 = tpu.memref_slice %arg2[%dma_wait3A_69, %dma_wait3A_70] : memref<10000x128xf32, #tpu.memory_space<hbm>> -> memref<10000x128xf32, #tpu.memory_space<hbm>>
        tpu.wait_indirect_dma semaphore(%arg10 : memref<!tpu.dma_semaphore, #tpu.memory_space<semaphore_mem>>) src(%dma_wait3A_71 : memref<10000x128xf32, #tpu.memory_space<hbm>>) dst(%dma_wait3A_65 : memref<128x128xf32, #tpu.memory_space<vmem>>)
        %mul3A_72 = arith.constant 2 : i32
        %mul3A_73 = arith.muli %scan3A_38, %mul3A_72 : i32
        %add3A_74 = arith.constant 0 : i32
        %add3A_75 = arith.addi %mul3A_73, %add3A_74 : i32
        "tpu.region"() ({
          %run_scoped3A = tpu.sem_alloc : memref<!tpu.dma_semaphore, #tpu.memory_space<semaphore_mem>>
          %dma_start3A_89 = arith.constant 0 : i32
          %dma_start3A_90 = arith.constant 0 : i32
          %dma_start3A_91 = tpu.memref_slice %arg8[%dma_start3A_89, %dma_start3A_90] : memref<256x128xf32, #tpu.memory_space<vmem>> -> memref<128x128xf32, #tpu.memory_space<vmem>>
          %dma_start3A_92 = arith.constant 0 : i32
          %dma_start3A_93 = tpu.memref_slice %arg7[%add3A_75, %dma_start3A_92] : memref<40x128xi32, #tpu.memory_space<vmem>> -> memref<1x128xi32, #tpu.memory_space<vmem>>
          %dma_start3A_94 = tpu.memref_squeeze %dma_start3A_93 : memref<1x128xi32, #tpu.memory_space<vmem>> -> memref<128xi32, #tpu.memory_space<vmem>>
          %dma_start3A_95 = arith.constant 0 : i32
          %dma_start3A_96 = arith.constant 0 : i32
          %dma_start3A_97 = tpu.memref_slice %arg9[%dma_start3A_95, %dma_start3A_96] : memref<10240x128xf32, #tpu.memory_space<vmem_shared>> -> memref<10240x128xf32, #tpu.memory_space<vmem_shared>>
          tpu.enqueue_indirect_dma source(%dma_start3A_91 : memref<128x128xf32, #tpu.memory_space<vmem>>) target(%dma_start3A_97 : memref<10240x128xf32, #tpu.memory_space<vmem_shared>>) offsets(%dma_start3A_94 : memref<128xi32, #tpu.memory_space<vmem>>) semaphore(%run_scoped3A : memref<!tpu.dma_semaphore, #tpu.memory_space<semaphore_mem>>) {add = true}
          %dma_wait3A_98 = arith.constant 0 : i32
          %dma_wait3A_99 = arith.constant 0 : i32
          %dma_wait3A_100 = tpu.memref_slice %arg8[%dma_wait3A_98, %dma_wait3A_99] : memref<256x128xf32, #tpu.memory_space<vmem>> -> memref<128x128xf32, #tpu.memory_space<vmem>>
          %dma_wait3A_101 = arith.constant 0 : i32
          %dma_wait3A_102 = tpu.memref_slice %arg7[%add3A_75, %dma_wait3A_101] : memref<40x128xi32, #tpu.memory_space<vmem>> -> memref<1x128xi32, #tpu.memory_space<vmem>>
          %dma_wait3A_103 = tpu.memref_squeeze %dma_wait3A_102 : memref<1x128xi32, #tpu.memory_space<vmem>> -> memref<128xi32, #tpu.memory_space<vmem>>
          %dma_wait3A_104 = arith.constant 0 : i32
          %dma_wait3A_105 = arith.constant 0 : i32
          %dma_wait3A_106 = tpu.memref_slice %arg9[%dma_wait3A_104, %dma_wait3A_105] : memref<10240x128xf32, #tpu.memory_space<vmem_shared>> -> memref<10240x128xf32, #tpu.memory_space<vmem_shared>>
          tpu.wait_indirect_dma semaphore(%run_scoped3A : memref<!tpu.dma_semaphore, #tpu.memory_space<semaphore_mem>>) src(%dma_wait3A_100 : memref<128x128xf32, #tpu.memory_space<vmem>>) dst(%dma_wait3A_106 : memref<10240x128xf32, #tpu.memory_space<vmem_shared>>)
          tpu.yield
        }) : () -> ()
        %dma_wait3A_76 = arith.constant 128 : i32
        %dma_wait3A_77 = arith.constant 0 : i32
        %dma_wait3A_78 = tpu.memref_slice %arg8[%dma_wait3A_76, %dma_wait3A_77] : memref<256x128xf32, #tpu.memory_space<vmem>> -> memref<128x128xf32, #tpu.memory_space<vmem>>
        %dma_wait3A_79 = arith.constant 0 : i32
        %dma_wait3A_80 = tpu.memref_slice %arg6[%add3A_54, %dma_wait3A_79] : memref<40x128xi32, #tpu.memory_space<vmem>> -> memref<1x128xi32, #tpu.memory_space<vmem>>
        %dma_wait3A_81 = tpu.memref_squeeze %dma_wait3A_80 : memref<1x128xi32, #tpu.memory_space<vmem>> -> memref<128xi32, #tpu.memory_space<vmem>>
        %dma_wait3A_82 = arith.constant 0 : i32
        %dma_wait3A_83 = arith.constant 0 : i32
        %dma_wait3A_84 = tpu.memref_slice %arg2[%dma_wait3A_82, %dma_wait3A_83] : memref<10000x128xf32, #tpu.memory_space<hbm>> -> memref<10000x128xf32, #tpu.memory_space<hbm>>
        tpu.wait_indirect_dma semaphore(%arg10 : memref<!tpu.dma_semaphore, #tpu.memory_space<semaphore_mem>>) src(%dma_wait3A_84 : memref<10000x128xf32, #tpu.memory_space<hbm>>) dst(%dma_wait3A_78 : memref<128x128xf32, #tpu.memory_space<vmem>>)
        %mul3A_85 = arith.constant 2 : i32
        %mul3A_86 = arith.muli %scan3A_38, %mul3A_85 : i32
        %add3A_87 = arith.constant 1 : i32
        %add3A_88 = arith.addi %mul3A_86, %add3A_87 : i32
        "tpu.region"() ({
          %run_scoped3A = tpu.sem_alloc : memref<!tpu.dma_semaphore, #tpu.memory_space<semaphore_mem>>
          %dma_start3A_89 = arith.constant 128 : i32
          %dma_start3A_90 = arith.constant 0 : i32
          %dma_start3A_91 = tpu.memref_slice %arg8[%dma_start3A_89, %dma_start3A_90] : memref<256x128xf32, #tpu.memory_space<vmem>> -> memref<128x128xf32, #tpu.memory_space<vmem>>
          %dma_start3A_92 = arith.constant 0 : i32
          %dma_start3A_93 = tpu.memref_slice %arg7[%add3A_88, %dma_start3A_92] : memref<40x128xi32, #tpu.memory_space<vmem>> -> memref<1x128xi32, #tpu.memory_space<vmem>>
          %dma_start3A_94 = tpu.memref_squeeze %dma_start3A_93 : memref<1x128xi32, #tpu.memory_space<vmem>> -> memref<128xi32, #tpu.memory_space<vmem>>
          %dma_start3A_95 = arith.constant 0 : i32
          %dma_start3A_96 = arith.constant 0 : i32
          %dma_start3A_97 = tpu.memref_slice %arg9[%dma_start3A_95, %dma_start3A_96] : memref<10240x128xf32, #tpu.memory_space<vmem_shared>> -> memref<10240x128xf32, #tpu.memory_space<vmem_shared>>
          tpu.enqueue_indirect_dma source(%dma_start3A_91 : memref<128x128xf32, #tpu.memory_space<vmem>>) target(%dma_start3A_97 : memref<10240x128xf32, #tpu.memory_space<vmem_shared>>) offsets(%dma_start3A_94 : memref<128xi32, #tpu.memory_space<vmem>>) semaphore(%run_scoped3A : memref<!tpu.dma_semaphore, #tpu.memory_space<semaphore_mem>>) {add = true}
          %dma_wait3A_98 = arith.constant 128 : i32
          %dma_wait3A_99 = arith.constant 0 : i32
          %dma_wait3A_100 = tpu.memref_slice %arg8[%dma_wait3A_98, %dma_wait3A_99] : memref<256x128xf32, #tpu.memory_space<vmem>> -> memref<128x128xf32, #tpu.memory_space<vmem>>
          %dma_wait3A_101 = arith.constant 0 : i32
          %dma_wait3A_102 = tpu.memref_slice %arg7[%add3A_88, %dma_wait3A_101] : memref<40x128xi32, #tpu.memory_space<vmem>> -> memref<1x128xi32, #tpu.memory_space<vmem>>
          %dma_wait3A_103 = tpu.memref_squeeze %dma_wait3A_102 : memref<1x128xi32, #tpu.memory_space<vmem>> -> memref<128xi32, #tpu.memory_space<vmem>>
          %dma_wait3A_104 = arith.constant 0 : i32
          %dma_wait3A_105 = arith.constant 0 : i32
          %dma_wait3A_106 = tpu.memref_slice %arg9[%dma_wait3A_104, %dma_wait3A_105] : memref<10240x128xf32, #tpu.memory_space<vmem_shared>> -> memref<10240x128xf32, #tpu.memory_space<vmem_shared>>
          tpu.wait_indirect_dma semaphore(%run_scoped3A : memref<!tpu.dma_semaphore, #tpu.memory_space<semaphore_mem>>) src(%dma_wait3A_100 : memref<128x128xf32, #tpu.memory_space<vmem>>) dst(%dma_wait3A_106 : memref<10240x128xf32, #tpu.memory_space<vmem_shared>>)
          tpu.yield
        }) : () -> ()
      }
      %scan3A_37 = arith.constant 20 : i32
    }
    %scan3A_19 = arith.constant 2 : i32
    %barrier3A_20 = arith.constant 0 : index
    tpu.barrier barrier_id(%barrier3A_20)
    %scan3A_21 = arith.constant 0 : i32
    %scan3A_22 = arith.constant 0 : i32
    %scan3A_23 = arith.constant 5 : i32
    %scan3A_24 = arith.addi %scan3A_22, %scan3A_23 : i32
    %scan3A_25 = arith.constant 1 : i32
    scf.for %scan3A_27 = %scan3A_22 to %scan3A_24 step %scan3A_25  : i32 {
      %mul3A_28 = arith.constant 128 : i32
      %mul3A_29 = arith.muli %scan3A_27, %mul3A_28 : i32
      %add3A_30 = arith.addi %mul3A_7, %mul3A_29 : i32
      "tpu.region"() ({
        %run_scoped3A = tpu.sem_alloc : memref<!tpu.dma_semaphore, #tpu.memory_space<semaphore_mem>>
        %dma_start3A = arith.constant 0 : i32
        %dma_start3A_34 = arith.constant 0 : i32
        %dma_start3A_35 = tpu.memref_slice %arg8[%dma_start3A, %dma_start3A_34] : memref<256x128xf32, #tpu.memory_space<vmem>> -> memref<128x128xf32, #tpu.memory_space<vmem>>
        %dma_start3A_36 = arith.constant 0 : i32
        %dma_start3A_37 = tpu.memref_slice %arg9[%add3A_30, %dma_start3A_36] : memref<10240x128xf32, #tpu.memory_space<vmem_shared>> -> memref<128x128xf32, #tpu.memory_space<vmem_shared>>
        %dma_start3A_38 = arith.constant 0 : i32
        %dma_start3A_39 = arith.constant 0 : i32
        %dma_start3A_40 = tpu.memref_slice %arg8[%dma_start3A_38, %dma_start3A_39] : memref<256x128xf32, #tpu.memory_space<vmem>> -> memref<128x128xf32, #tpu.memory_space<vmem>>
        %dma_start3A_41 = arith.constant 0 : i32
        %dma_start3A_42 = tpu.memref_slice %arg9[%add3A_30, %dma_start3A_41] : memref<10240x128xf32, #tpu.memory_space<vmem_shared>> -> memref<128x128xf32, #tpu.memory_space<vmem_shared>>
        tpu.enqueue_dma source(%dma_start3A_42 : memref<128x128xf32, #tpu.memory_space<vmem_shared>>) target(%dma_start3A_40 : memref<128x128xf32, #tpu.memory_space<vmem>>) target_semaphore(%run_scoped3A : memref<!tpu.dma_semaphore, #tpu.memory_space<semaphore_mem>>)
        %dma_wait3A = arith.constant 0 : i32
        %dma_wait3A_43 = arith.constant 0 : i32
        %dma_wait3A_44 = tpu.memref_slice %arg8[%dma_wait3A, %dma_wait3A_43] : memref<256x128xf32, #tpu.memory_space<vmem>> -> memref<128x128xf32, #tpu.memory_space<vmem>>
        %dma_wait3A_45 = arith.constant 0 : i32
        %dma_wait3A_46 = tpu.memref_slice %arg9[%add3A_30, %dma_wait3A_45] : memref<10240x128xf32, #tpu.memory_space<vmem_shared>> -> memref<128x128xf32, #tpu.memory_space<vmem_shared>>
        %dma_wait3A_47 = arith.constant 0 : i32
        %dma_wait3A_48 = arith.constant 0 : i32
        %dma_wait3A_49 = tpu.memref_slice %arg8[%dma_wait3A_47, %dma_wait3A_48] : memref<256x128xf32, #tpu.memory_space<vmem>> -> memref<128x128xf32, #tpu.memory_space<vmem>>
        %dma_wait3A_50 = arith.constant 0 : i32
        %dma_wait3A_51 = tpu.memref_slice %arg9[%add3A_30, %dma_wait3A_50] : memref<10240x128xf32, #tpu.memory_space<vmem_shared>> -> memref<128x128xf32, #tpu.memory_space<vmem_shared>>
        tpu.wait_dma2 semaphore(%run_scoped3A : memref<!tpu.dma_semaphore, #tpu.memory_space<semaphore_mem>>) src(%dma_wait3A_51 : memref<128x128xf32, #tpu.memory_space<vmem_shared>>) dst(%dma_wait3A_49 : memref<128x128xf32, #tpu.memory_space<vmem>>)
        tpu.yield
      }) : () -> ()
      %mul3A_31 = arith.constant 128 : i32
      %mul3A_32 = arith.muli %scan3A_27, %mul3A_31 : i32
      %add3A_33 = arith.addi %mul3A_7, %mul3A_32 : i32
      "tpu.region"() ({
        %run_scoped3A = tpu.sem_alloc : memref<!tpu.dma_semaphore, #tpu.memory_space<semaphore_mem>>
        %dma_start3A = arith.constant 0 : i32
        %dma_start3A_34 = arith.constant 0 : i32
        %dma_start3A_35 = tpu.memref_slice %arg8[%dma_start3A, %dma_start3A_34] : memref<256x128xf32, #tpu.memory_space<vmem>> -> memref<128x128xf32, #tpu.memory_space<vmem>>
        %dma_start3A_36 = arith.constant 0 : i32
        %dma_start3A_37 = tpu.memref_slice %arg5[%arg0, %add3A_33, %dma_start3A_36] : memref<2x10240x128xf32, #tpu.memory_space<hbm>> -> memref<1x128x128xf32, #tpu.memory_space<hbm>>
        %dma_start3A_38 = tpu.memref_squeeze %dma_start3A_37 : memref<1x128x128xf32, #tpu.memory_space<hbm>> -> memref<128x128xf32, #tpu.memory_space<hbm>>
        %dma_start3A_39 = arith.constant 0 : i32
        %dma_start3A_40 = tpu.memref_slice %arg5[%arg0, %add3A_33, %dma_start3A_39] : memref<2x10240x128xf32, #tpu.memory_space<hbm>> -> memref<1x128x128xf32, #tpu.memory_space<hbm>>
        %dma_start3A_41 = tpu.memref_squeeze %dma_start3A_40 : memref<1x128x128xf32, #tpu.memory_space<hbm>> -> memref<128x128xf32, #tpu.memory_space<hbm>>
        %dma_start3A_42 = arith.constant 0 : i32
        %dma_start3A_43 = arith.constant 0 : i32
        %dma_start3A_44 = tpu.memref_slice %arg8[%dma_start3A_42, %dma_start3A_43] : memref<256x128xf32, #tpu.memory_space<vmem>> -> memref<128x128xf32, #tpu.memory_space<vmem>>
        tpu.enqueue_dma source(%dma_start3A_44 : memref<128x128xf32, #tpu.memory_space<vmem>>) target(%dma_start3A_41 : memref<128x128xf32, #tpu.memory_space<hbm>>) target_semaphore(%run_scoped3A : memref<!tpu.dma_semaphore, #tpu.memory_space<semaphore_mem>>)
        %dma_wait3A = arith.constant 0 : i32
        %dma_wait3A_45 = arith.constant 0 : i32
        %dma_wait3A_46 = tpu.memref_slice %arg8[%dma_wait3A, %dma_wait3A_45] : memref<256x128xf32, #tpu.memory_space<vmem>> -> memref<128x128xf32, #tpu.memory_space<vmem>>
        %dma_wait3A_47 = arith.constant 0 : i32
        %dma_wait3A_48 = tpu.memref_slice %arg5[%arg0, %add3A_33, %dma_wait3A_47] : memref<2x10240x128xf32, #tpu.memory_space<hbm>> -> memref<1x128x128xf32, #tpu.memory_space<hbm>>
        %dma_wait3A_49 = tpu.memref_squeeze %dma_wait3A_48 : memref<1x128x128xf32, #tpu.memory_space<hbm>> -> memref<128x128xf32, #tpu.memory_space<hbm>>
        %dma_wait3A_50 = arith.constant 0 : i32
        %dma_wait3A_51 = tpu.memref_slice %arg5[%arg0, %add3A_33, %dma_wait3A_50] : memref<2x10240x128xf32, #tpu.memory_space<hbm>> -> memref<1x128x128xf32, #tpu.memory_space<hbm>>
        %dma_wait3A_52 = tpu.memref_squeeze %dma_wait3A_51 : memref<1x128x128xf32, #tpu.memory_space<hbm>> -> memref<128x128xf32, #tpu.memory_space<hbm>>
        %dma_wait3A_53 = arith.constant 0 : i32
        %dma_wait3A_54 = arith.constant 0 : i32
        %dma_wait3A_55 = tpu.memref_slice %arg8[%dma_wait3A_53, %dma_wait3A_54] : memref<256x128xf32, #tpu.memory_space<vmem>> -> memref<128x128xf32, #tpu.memory_space<vmem>>
        tpu.wait_dma2 semaphore(%run_scoped3A : memref<!tpu.dma_semaphore, #tpu.memory_space<semaphore_mem>>) src(%dma_wait3A_55 : memref<128x128xf32, #tpu.memory_space<vmem>>) dst(%dma_wait3A_52 : memref<128x128xf32, #tpu.memory_space<hbm>>)
        tpu.yield
      }) : () -> ()
    }
    %scan3A_26 = arith.constant 5 : i32
    return
  }
}

module attributes {stable_mosaic.version = 14 : i64} {
  func.func @_tc_layer_body(%arg0: i32, %arg1: memref<2x1000x128xf32, #tpu.memory_space<vmem>>, %arg2: memref<2x1000x128xf32, #tpu.memory_space<vmem>>, %arg3: memref<128x128xf32, #tpu.memory_space<vmem>>, %arg4: memref<128x128xf32, #tpu.memory_space<vmem>>, %arg5: memref<1000x128xf32, #tpu.memory_space<vmem>>) attributes {dimension_semantics = [#tpu.dimension_semantics<arbitrary>], iteration_bounds = array<i64: 10>, scalar_prefetch = 0 : i64, scratch_operands = 0 : i64, tpu.core_type = #tpu.core_type<tc>, window_params = [{transform_indices = @transform_0, window_bounds = array<i64: 2, 1000, 128>}, {transform_indices = @transform_1, window_bounds = array<i64: 2, 1000, 128>}, {pipeline_mode = #tpu.pipeline_mode<synchronous>, transform_indices = @transform_2, window_bounds = array<i64: 128, 128>}, {pipeline_mode = #tpu.pipeline_mode<synchronous>, transform_indices = @transform_3, window_bounds = array<i64: 128, 128>}, {transform_indices = @transform_4, window_bounds = array<i64: 1000, 128>}]} {
    %get3A = arith.constant 0 : index
    %get3A_0 = arith.constant 0 : index
    %get3A_1 = arith.constant 0 : index
    %get3A_2 = vector.load %arg1[%get3A, %get3A_0, %get3A_1] : memref<2x1000x128xf32, #tpu.memory_space<vmem>>, vector<1x1000x128xf32>
    %get3A_3 = vector.shape_cast %get3A_2 : vector<1x1000x128xf32> to vector<1000x128xf32>
    %get3A_4 = arith.constant 1 : index
    %get3A_5 = arith.constant 0 : index
    %get3A_6 = arith.constant 0 : index
    %get3A_7 = vector.load %arg1[%get3A_4, %get3A_5, %get3A_6] : memref<2x1000x128xf32, #tpu.memory_space<vmem>>, vector<1x1000x128xf32>
    %get3A_8 = vector.shape_cast %get3A_7 : vector<1x1000x128xf32> to vector<1000x128xf32>
    %add3A = arith.addf %get3A_3, %get3A_8 : vector<1000x128xf32>
    %get3A_9 = arith.constant 0 : index
    %get3A_10 = arith.constant 0 : index
    %get3A_11 = arith.constant 0 : index
    %get3A_12 = vector.load %arg2[%get3A_9, %get3A_10, %get3A_11] : memref<2x1000x128xf32, #tpu.memory_space<vmem>>, vector<1x1000x128xf32>
    %get3A_13 = vector.shape_cast %get3A_12 : vector<1x1000x128xf32> to vector<1000x128xf32>
    %get3A_14 = arith.constant 1 : index
    %get3A_15 = arith.constant 0 : index
    %get3A_16 = arith.constant 0 : index
    %get3A_17 = vector.load %arg2[%get3A_14, %get3A_15, %get3A_16] : memref<2x1000x128xf32, #tpu.memory_space<vmem>>, vector<1x1000x128xf32>
    %get3A_18 = vector.shape_cast %get3A_17 : vector<1x1000x128xf32> to vector<1000x128xf32>
    %add3A_19 = arith.addf %get3A_13, %get3A_18 : vector<1000x128xf32>
    %slice3A = vector.extract_strided_slice %add3A_19 {offsets = [0, 16], sizes = [1000, 1], strides = [1, 1]} : vector<1000x128xf32> to vector<1000x1xf32>
    %max3A = arith.constant 1.000000e+00 : f32
    %max3A_20 = vector.broadcast %max3A : f32 to vector<1000x1xf32>
    %max3A_21 = arith.maximumf %slice3A, %max3A_20 : vector<1000x1xf32>
    %div3A = arith.constant 1.000000e+00 : f32
    %div3A_22 = vector.broadcast %div3A : f32 to vector<1000x1xf32>
    %div3A_23 = arith.divf %div3A_22, %max3A_21 : vector<1000x1xf32>
    %mul3A = vector.broadcast %div3A_23 : vector<1000x1xf32> to vector<1000x128xf32>
    %mul3A_24 = arith.mulf %add3A, %mul3A : vector<1000x128xf32>
    %get3A_25 = arith.constant 0 : index
    %get3A_26 = arith.constant 0 : index
    %get3A_27 = vector.load %arg3[%get3A_25, %get3A_26] : memref<128x128xf32, #tpu.memory_space<vmem>>, vector<128x128xf32>
    %dot_general3A = arith.constant dense<0.000000e+00> : vector<1000x128xf32>
    %dot_general3A_28 = tpu.matmul %mul3A_24, %get3A_27, %dot_general3A {dimension_numbers = #tpu.dot_dimension_numbers<[1], [0], [0], [1], [0, 0, 1, 1], [], []>, transpose_lhs_hint = false} : vector<1000x128xf32>, vector<128x128xf32>, vector<1000x128xf32> -> vector<1000x128xf32>
    %mul3A_29 = vector.broadcast %div3A_23 : vector<1000x1xf32> to vector<1000x128xf32>
    %mul3A_30 = arith.mulf %add3A_19, %mul3A_29 : vector<1000x128xf32>
    %get3A_31 = arith.constant 0 : index
    %get3A_32 = arith.constant 0 : index
    %get3A_33 = vector.load %arg4[%get3A_31, %get3A_32] : memref<128x128xf32, #tpu.memory_space<vmem>>, vector<128x128xf32>
    %dot_general3A_34 = arith.constant dense<0.000000e+00> : vector<1000x128xf32>
    %dot_general3A_35 = tpu.matmul %mul3A_30, %get3A_33, %dot_general3A_34 {dimension_numbers = #tpu.dot_dimension_numbers<[1], [0], [0], [1], [0, 0, 1, 1], [], []>, transpose_lhs_hint = false} : vector<1000x128xf32>, vector<128x128xf32>, vector<1000x128xf32> -> vector<1000x128xf32>
    %add3A_36 = arith.addf %dot_general3A_28, %dot_general3A_35 : vector<1000x128xf32>
    %max3A_37 = arith.constant 0.000000e+00 : f32
    %max3A_38 = vector.broadcast %max3A_37 : f32 to vector<1000x128xf32>
    %max3A_39 = arith.maximumf %add3A_36, %max3A_38 : vector<1000x128xf32>
    %swap3A = arith.constant 0 : index
    %swap3A_40 = arith.constant 0 : index
    %swap3A_41 = vector.load %arg5[%swap3A, %swap3A_40] : memref<1000x128xf32, #tpu.memory_space<vmem>>, vector<1000x128xf32>
    tpu.vector_store %arg5[%swap3A, %swap3A_40], %max3A_39 {strides = array<i32>} : memref<1000x128xf32, #tpu.memory_space<vmem>>, vector<1000x128xf32>,
    return
  }
  func.func @transform_0(%arg0: i32) -> (i32, i32, i32) {
    %c0_i32 = arith.constant 0 : i32
    %c0_i32_0 = arith.constant 0 : i32
    %c0_i32_1 = arith.constant 0 : i32
    return %c0_i32, %arg0, %c0_i32_0 : i32, i32, i32
  }
  func.func @transform_1(%arg0: i32) -> (i32, i32, i32) {
    %c0_i32 = arith.constant 0 : i32
    %c0_i32_0 = arith.constant 0 : i32
    %c0_i32_1 = arith.constant 0 : i32
    return %c0_i32, %arg0, %c0_i32_0 : i32, i32, i32
  }
  func.func @transform_2(%arg0: i32) -> (i32, i32) {
    %c0_i32 = arith.constant 0 : i32
    %c0_i32_0 = arith.constant 0 : i32
    %c0_i32_1 = arith.constant 0 : i32
    return %c0_i32, %c0_i32_0 : i32, i32
  }
  func.func @transform_3(%arg0: i32) -> (i32, i32) {
    %c0_i32 = arith.constant 0 : i32
    %c0_i32_0 = arith.constant 0 : i32
    %c0_i32_1 = arith.constant 0 : i32
    return %c0_i32, %c0_i32_0 : i32, i32
  }
  func.func @transform_4(%arg0: i32) -> (i32, i32) {
    %c0_i32 = arith.constant 0 : i32
    %c0_i32_0 = arith.constant 0 : i32
    return %arg0, %c0_i32 : i32, i32
  }
}

module attributes {stable_mosaic.version = 14 : i64} {
  func.func @_tc_layer_body(%arg0: i32, %arg1: memref<2x1000x128xf32, #tpu.memory_space<vmem>>, %arg2: memref<2x1000x128xf32, #tpu.memory_space<vmem>>, %arg3: memref<128x128xf32, #tpu.memory_space<vmem>>, %arg4: memref<128x128xf32, #tpu.memory_space<vmem>>, %arg5: memref<1000x128xf32, #tpu.memory_space<vmem>>) attributes {dimension_semantics = [#tpu.dimension_semantics<arbitrary>], iteration_bounds = array<i64: 10>, scalar_prefetch = 0 : i64, scratch_operands = 0 : i64, tpu.core_type = #tpu.core_type<tc>, window_params = [{transform_indices = @transform_0, window_bounds = array<i64: 2, 1000, 128>}, {transform_indices = @transform_1, window_bounds = array<i64: 2, 1000, 128>}, {pipeline_mode = #tpu.pipeline_mode<synchronous>, transform_indices = @transform_2, window_bounds = array<i64: 128, 128>}, {pipeline_mode = #tpu.pipeline_mode<synchronous>, transform_indices = @transform_3, window_bounds = array<i64: 128, 128>}, {transform_indices = @transform_4, window_bounds = array<i64: 1000, 128>}]} {
    %get3A = arith.constant 0 : index
    %get3A_0 = arith.constant 0 : index
    %get3A_1 = arith.constant 0 : index
    %get3A_2 = vector.load %arg1[%get3A, %get3A_0, %get3A_1] : memref<2x1000x128xf32, #tpu.memory_space<vmem>>, vector<1x1000x128xf32>
    %get3A_3 = vector.shape_cast %get3A_2 : vector<1x1000x128xf32> to vector<1000x128xf32>
    %get3A_4 = arith.constant 1 : index
    %get3A_5 = arith.constant 0 : index
    %get3A_6 = arith.constant 0 : index
    %get3A_7 = vector.load %arg1[%get3A_4, %get3A_5, %get3A_6] : memref<2x1000x128xf32, #tpu.memory_space<vmem>>, vector<1x1000x128xf32>
    %get3A_8 = vector.shape_cast %get3A_7 : vector<1x1000x128xf32> to vector<1000x128xf32>
    %add3A = arith.addf %get3A_3, %get3A_8 : vector<1000x128xf32>
    %get3A_9 = arith.constant 0 : index
    %get3A_10 = arith.constant 0 : index
    %get3A_11 = arith.constant 0 : index
    %get3A_12 = vector.load %arg2[%get3A_9, %get3A_10, %get3A_11] : memref<2x1000x128xf32, #tpu.memory_space<vmem>>, vector<1x1000x128xf32>
    %get3A_13 = vector.shape_cast %get3A_12 : vector<1x1000x128xf32> to vector<1000x128xf32>
    %get3A_14 = arith.constant 1 : index
    %get3A_15 = arith.constant 0 : index
    %get3A_16 = arith.constant 0 : index
    %get3A_17 = vector.load %arg2[%get3A_14, %get3A_15, %get3A_16] : memref<2x1000x128xf32, #tpu.memory_space<vmem>>, vector<1x1000x128xf32>
    %get3A_18 = vector.shape_cast %get3A_17 : vector<1x1000x128xf32> to vector<1000x128xf32>
    %add3A_19 = arith.addf %get3A_13, %get3A_18 : vector<1000x128xf32>
    %slice3A = vector.extract_strided_slice %add3A_19 {offsets = [0, 16], sizes = [1000, 1], strides = [1, 1]} : vector<1000x128xf32> to vector<1000x1xf32>
    %max3A = arith.constant 1.000000e+00 : f32
    %max3A_20 = vector.broadcast %max3A : f32 to vector<1000x1xf32>
    %max3A_21 = arith.maximumf %slice3A, %max3A_20 : vector<1000x1xf32>
    %div3A = arith.constant 1.000000e+00 : f32
    %div3A_22 = vector.broadcast %div3A : f32 to vector<1000x1xf32>
    %div3A_23 = arith.divf %div3A_22, %max3A_21 : vector<1000x1xf32>
    %mul3A = vector.broadcast %div3A_23 : vector<1000x1xf32> to vector<1000x128xf32>
    %mul3A_24 = arith.mulf %add3A, %mul3A : vector<1000x128xf32>
    %get3A_25 = arith.constant 0 : index
    %get3A_26 = arith.constant 0 : index
    %get3A_27 = vector.load %arg3[%get3A_25, %get3A_26] : memref<128x128xf32, #tpu.memory_space<vmem>>, vector<128x128xf32>
    %dot_general3A = arith.constant dense<0.000000e+00> : vector<1000x128xf32>
    %dot_general3A_28 = tpu.matmul %mul3A_24, %get3A_27, %dot_general3A {dimension_numbers = #tpu.dot_dimension_numbers<[1], [0], [0], [1], [0, 0, 1, 1], [], []>, transpose_lhs_hint = false} : vector<1000x128xf32>, vector<128x128xf32>, vector<1000x128xf32> -> vector<1000x128xf32>
    %mul3A_29 = vector.broadcast %div3A_23 : vector<1000x1xf32> to vector<1000x128xf32>
    %mul3A_30 = arith.mulf %add3A_19, %mul3A_29 : vector<1000x128xf32>
    %get3A_31 = arith.constant 0 : index
    %get3A_32 = arith.constant 0 : index
    %get3A_33 = vector.load %arg4[%get3A_31, %get3A_32] : memref<128x128xf32, #tpu.memory_space<vmem>>, vector<128x128xf32>
    %dot_general3A_34 = arith.constant dense<0.000000e+00> : vector<1000x128xf32>
    %dot_general3A_35 = tpu.matmul %mul3A_30, %get3A_33, %dot_general3A_34 {dimension_numbers = #tpu.dot_dimension_numbers<[1], [0], [0], [1], [0, 0, 1, 1], [], []>, transpose_lhs_hint = false} : vector<1000x128xf32>, vector<128x128xf32>, vector<1000x128xf32> -> vector<1000x128xf32>
    %add3A_36 = arith.addf %dot_general3A_28, %dot_general3A_35 : vector<1000x128xf32>
    %max3A_37 = arith.constant 0.000000e+00 : f32
    %max3A_38 = vector.broadcast %max3A_37 : f32 to vector<1000x128xf32>
    %max3A_39 = arith.maximumf %add3A_36, %max3A_38 : vector<1000x128xf32>
    %swap3A = arith.constant 0 : index
    %swap3A_40 = arith.constant 0 : index
    %swap3A_41 = vector.load %arg5[%swap3A, %swap3A_40] : memref<1000x128xf32, #tpu.memory_space<vmem>>, vector<1000x128xf32>
    tpu.vector_store %arg5[%swap3A, %swap3A_40], %max3A_39 {strides = array<i32>} : memref<1000x128xf32, #tpu.memory_space<vmem>>, vector<1000x128xf32>,
    return
  }
  func.func @transform_0(%arg0: i32) -> (i32, i32, i32) {
    %c0_i32 = arith.constant 0 : i32
    %c0_i32_0 = arith.constant 0 : i32
    %c0_i32_1 = arith.constant 0 : i32
    return %c0_i32, %arg0, %c0_i32_0 : i32, i32, i32
  }
  func.func @transform_1(%arg0: i32) -> (i32, i32, i32) {
    %c0_i32 = arith.constant 0 : i32
    %c0_i32_0 = arith.constant 0 : i32
    %c0_i32_1 = arith.constant 0 : i32
    return %c0_i32, %arg0, %c0_i32_0 : i32, i32, i32
  }
  func.func @transform_2(%arg0: i32) -> (i32, i32) {
    %c0_i32 = arith.constant 0 : i32
    %c0_i32_0 = arith.constant 0 : i32
    %c0_i32_1 = arith.constant 0 : i32
    return %c0_i32, %c0_i32_0 : i32, i32
  }
  func.func @transform_3(%arg0: i32) -> (i32, i32) {
    %c0_i32 = arith.constant 0 : i32
    %c0_i32_0 = arith.constant 0 : i32
    %c0_i32_1 = arith.constant 0 : i32
    return %c0_i32, %c0_i32_0 : i32, i32
  }
  func.func @transform_4(%arg0: i32) -> (i32, i32) {
    %c0_i32 = arith.constant 0 : i32
    %c0_i32_0 = arith.constant 0 : i32
    return %arg0, %c0_i32 : i32, i32
  }
}

</mosaic_0001>

<sc_bundles>
// kernel: kernel.12.cloned.1.call-start
scs
__scs_entry_jumppad:
0x0: {  	(pc) =	sbr.rel $0x88, $3  }
0x1: {  	(tag) =	ssettag $0x0;
	lr =	simm.s32 $0x1  }
0x2: {  	[smem:$0x3F96] =	sst lr;
	_ =	strace $0xD0000000  }
0x3: {  	_ = 	snop  }
0x4: {  	_ = 	snop  }
0x5: {  	_ = 	snop  }
0x6: {  	_ = 	snop  }
0x7: {  	_ = 	snop  }
__scs_overlays_trampoline_lowered:
0x8: {  	[smem:$0x3FA5] =	sst s0  }
0x9: {  	[smem:$0x3FA6] =	sst s1  }
0xa: {  	[smem:$0x3FA7] =	sst s2  }
0xb: {  	[smem:$0x3FA8] =	sst s3  }
0xc: {  	[smem:$0x3FA9] =	sst s4  }
0xd: {  	[smem:$0x3FAA] =	sst s5  }
0xe: {  	[smem:$0x3FAB] =	sst s6  }
0xf: {  	[smem:$0x3FAC] =	sst s7  }
0x10: {  	[smem:$0x3FAD] =	sst s8  }
0x11: {  	[smem:$0x3FAE] =	sst s9;
	s0 =	simm.s32 @!p0 $0x0  }
0x12: {  	s1 =	sld [smem:$0x3F94];
	s0 =	simm.s32 @p0 $0x1  }
0x13: {  	[smem:$0x3FAF] =	sst s0;
	s0 =	simm.s32 @!p1 $0x0  }
0x14: {  	s2 =	sld [smem:$0x3F93];
	s0 =	simm.s32 @p1 $0x1  }
0x15: {  	[smem:$0x3FB0] =	sst s0;
	s0 =	simm.s32 @!p2 $0x0  }
0x16: {  	s3 =	sld [smem:$0x3FDB];
	s0 =	simm.s32 @p2 $0x1  }
0x17: {  	s4 =	simm.s32 $0x1BF5;
	[smem:$0x3FB2] =	sst s0  }
0x18: {  	s0 =	sld [smem:$0x3F95];
	_ =	swait.ge [sflag:s4], $0x0  }
0x19: {  	s7 =	sld [smem:$0x3F96]  }
0x1a: {  	s8 =	sadd.s32 $0xFFFFE003, lr  }
0x1b: {  	s9 =	sadd.s32 $0xFFFFFEF7, lr;
	s5 =	simm.s32 $0xFFFFFFFF;
	p2 =	slt.u32 s8, $0xFFFFF086  }
0x1c: {  	p1 =	slt.u32 s9, $0xF7A;
	s5 =	simm.s32 @!p2 $0x0  }
0x1d: {  	s5 =	simm.s32 @p1 $0x1;
	p0 =	seq.s32 s7, s2  }
0x1e: {  	s7 =	smul.u32 @!p0 $0xF7A, s2;
	p2 =	seq.s32 @!p0 s5, $0x0  }
0x1f: {  	s9 =	smul.u32 $0xF7A, s1;
	s8 =	simm.s32 @!p0 $0x1BF5;
	p2 =	por !p2, p0  }
0x20: {  	[sflag:s8] =	ssyncset.s32 @!p0 $0xFFFFF086;
	s6 =	sadd.s32 @!p0 s3, s7;
	s7 =	simm.s32 @!p0 $0x108  }
0x21: {  	s3 =	sadd.s32 s3, s9;
	s6 =	sadd.s32 @!p0 $0x88, s6;
	s7 =	simm.s32 @p2 $0x1082  }
0x22: {  	[simem:s7], [sflag:s8] =	dma.local @!p0 [hbm:s6], $0xF7A  }
0x23: {  	s9 =	sor.u32 $0xD0000000, s2;
	s6 =	simm.s32 $0x108;
	_ =	swait.ge @!p0 [sflag:s8], $0x0  }
0x24: {  	s3 =	sadd.s32 $0x88, s3;
	s6 =	simm.s32 @!p1 $0x1082;
	[sflag:s4] =	ssyncset.s32 $0xFFFFF086  }
0x25: {  	[simem:s6], [sflag:s4] =	dma.local [hbm:s3], $0xF7A  }
0x26: {  	[smem:$0x3F96] =	sst s1;
	(tag) =	ssettag s2;
	_ =	strace s9  }
0x27: {  	s1 =	sld [smem:$0x3FA6]  }
0x28: {  	s2 =	sld [smem:$0x3FA7]  }
0x29: {  	s4 =	sld [smem:$0x3FA9]  }
0x2a: {  	p0 =	seq.s32 s5, $0x0;
	s5 =	sld [smem:$0x3FAA]  }
0x2b: {  	s6 =	sld [smem:$0x3FAB]  }
0x2c: {  	s7 =	sld [smem:$0x3FAC]  }
0x2d: {  	s3 =	simm.s32 $0x108;
	s8 =	sld [smem:$0x3FAD]  }
0x2e: {  	s3 =	simm.s32 @!p0 $0x1082;
	s9 =	sld [smem:$0x3FAE]  }
0x2f: {  	lr =	sadd.s32 s0, s3;
	s0 =	sld [smem:$0x3FA5]  }
0x30: {  	s3 =	sld [smem:$0x3FA8]  }
0x31: {  	[smem:$0x3FB1] =	sst s10  }
0x32: {  	s10 =	sld [smem:$0x3FAF];
	_ =	sdelay $0x3  }
0x33: {  	p0 =	seq.s32 s10, $0x1;
	s10 =	sld [smem:$0x3FB1];
	_ =	sdelay $0x3  }
0x34: {  	[smem:$0x3FB1] =	sst s10  }
0x35: {  	s10 =	sld [smem:$0x3FB0];
	_ =	sdelay $0x3  }
0x36: {  	p1 =	seq.s32 s10, $0x1;
	s10 =	sld [smem:$0x3FB1];
	_ =	sdelay $0x3  }
0x37: {  	[smem:$0x3FB1] =	sst s10  }
0x38: {  	s10 =	sld [smem:$0x3FB2]  }
0x39: {  	_ = 	snop;
	(pc) =	sbr.ind lr, $3  }
0x3a: {  	_ = 	snop  }
0x3b: {  	_ = 	snop  }
0x3c: {  	p2 =	seq.s32 s10, $0x1;
	s10 =	sld [smem:$0x3FB1]  }
0x3d: {  	_ =	shalt  }
0x3e: {  	_ =	shalt  }
0x3f: {  	_ =	shalt  }
0x40: {  	_ =	shalt  }
0x41: {  	_ =	shalt  }
0x42: {  	_ =	shalt  }
0x43: {  	_ =	shalt  }
0x44: {  	_ =	shalt  }
0x45: {  	_ =	shalt  }
0x46: {  	_ =	shalt  }
0x47: {  	_ =	shalt  }
0x48: {  	_ =	shalt  }
0x49: {  	_ =	shalt  }
0x4a: {  	_ =	shalt  }
0x4b: {  	_ =	shalt  }
0x4c: {  	_ =	shalt  }
0x4d: {  	_ =	shalt  }
0x4e: {  	_ =	shalt  }
0x4f: {  	_ =	shalt  }
0x50: {  	_ =	shalt  }
0x51: {  	_ =	shalt  }
0x52: {  	_ =	shalt  }
0x53: {  	_ =	shalt  }
0x54: {  	_ =	shalt  }
0x55: {  	_ =	shalt  }
0x56: {  	_ =	shalt  }
0x57: {  	_ =	shalt  }
0x58: {  	_ =	shalt  }
0x59: {  	_ =	shalt  }
0x5a: {  	_ =	shalt  }
0x5b: {  	_ =	shalt  }
0x5c: {  	_ =	shalt  }
0x5d: {  	_ =	shalt  }
0x5e: {  	_ =	shalt  }
0x5f: {  	_ =	shalt  }
0x60: {  	_ =	shalt  }
0x61: {  	_ =	shalt  }
0x62: {  	_ =	shalt  }
0x63: {  	_ =	shalt  }
0x64: {  	_ =	shalt  }
0x65: {  	_ =	shalt  }
0x66: {  	_ =	shalt  }
0x67: {  	_ =	shalt  }
0x68: {  	_ =	shalt  }
0x69: {  	_ =	shalt  }
0x6a: {  	_ =	shalt  }
0x6b: {  	_ =	shalt  }
0x6c: {  	_ =	shalt  }
0x6d: {  	_ =	shalt  }
0x6e: {  	_ =	shalt  }
0x6f: {  	_ =	shalt  }
0x70: {  	_ =	shalt  }
0x71: {  	_ =	shalt  }
0x72: {  	_ =	shalt  }
0x73: {  	_ =	shalt  }
0x74: {  	_ =	shalt  }
0x75: {  	_ =	shalt  }
0x76: {  	_ =	shalt  }
0x77: {  	_ =	shalt  }
0x78: {  	_ =	shalt  }
0x79: {  	_ =	shalt  }
0x7a: {  	_ =	shalt  }
0x7b: {  	_ =	shalt  }
0x7c: {  	_ =	shalt  }
0x7d: {  	_ =	shalt  }
0x7e: {  	_ =	shalt  }
0x7f: {  	_ =	shalt  }
0x80: {  	_ =	shalt  }
0x81: {  	_ =	shalt  }
0x82: {  	_ =	shalt  }
0x83: {  	_ =	shalt  }
0x84: {  	_ =	shalt  }
0x85: {  	_ =	shalt  }
0x86: {  	_ =	shalt  }
0x87: {  	_ =	shalt  }
.Lfunc_end0:
.L_simem_size_0:
called_computation.1_lowered:
.L_overlay_start_0:
0x88: {  	s2 =	sld [smem:$0x3FD9]  }
0x89: {  	s3 =	sld [smem:$0x3FFE];
	_ =	sdelay $0x1  }
0x8a: {  	s1 =	srdreg.scid  }
0x8b: {  	s0 =	sand.u32 $0x1, s1  }
0x8c: {  	s17 =	sshll.u32 s0, $0xA;
	s2 =	sadd.s32 s3, s2  }
0x8d: {  	s2 =	sadd.s32 s2, s17  }
0x8e: {  	[smem:$0x3FBD] =	sst s2  }
0x8f: {  	_ = 	snop  }
0x90: {  	s18 =	sld [smem:$0x3FC9];
	(tm) =	ssettm $0x1  }
0x91: {  	s19 =	sld [smem:$0x3FFB];
	_ =	sdelay $0x3  }
0x92: {  	_ =	strace s19  }
0x93: {  	s2 =	sld [smem:$0x3FFC];
	_ =	sdelay $0x3  }
0x94: {  	_ =	strace s2  }
0x95: {  	s2 =	sld [smem:$0x3FFD];
	_ =	sdelay $0x3  }
0x96: {  	_ =	strace s2  }
0x97: {  	_ =	strace $0x8FFFFFFF  }
0x98: {  	s20 =	sld [smem:$0x3FDB];
	_ =	sdelay $0x1  }
0x99: {  	s4 =	simm.s32 $_scs_section_size  }
0x9a: {  	s5 =	simm.s32 $_size__tile_overlayer_lowered;
	s6 =	simm.s32 $_tile_overlayer_lowered  }
0x9b: {  	s7 =	simm.s32 $0x1BFF;
	s21 =	sshll.u32 s6, $0x1;
	s4 =	sadd.s32 s4, s20  }
0x9c: {  	s22 =	simm.s32 $0x0;
	s5 =	sshll.u32 s5, $0x1;
	s6 =	sadd.s32 s21, s4  }
0x9d: {  	[timem:s22], [sflag:s7] =	dma.local [hbm:s6], s5  }
0x9e: {  	_ =	swait.ge [sflag:s7], s5  }
0x9f: {  	s5 =	ssub.s32 $0x0, s5;
	[sflag:s7] =	ssyncset.done $0x0  }
0xa0: {  	[sflag:s7] =	ssyncadd.s32 s5;
	_ =	sdelay $0x1  }
0xa1: {  	s23 =	simm.s32 $0x1B8B  }
0xa2: {  	_ =	swait.ge [sflag:s23], $0x1  }
0xa3: {  	[sflag:s23] =	ssyncset.done $0x0  }
0xa4: {  	[sflag:s23] =	ssyncadd.s32 $0xFFFFFFFF  }
0xa5: {  	s5 =	sld [smem:$0x0]  }
0xa6: {  	s6 =	sand.u32 $0xFFFFFFFE, s1  }
0xa7: {  	p0 =	sne.s32 s1, s6  }
0xa8: {  	s6 =	sshll.u32 @p0 s6, $0xE  }
0xa9: {  	s6 =	sadd.s32 @p0 $0x11B8D, s6;
	s7 =	sshll.u32 @p0 s5, $0x11  }
0xaa: {  	s6 =	sor.u32 @p0 s7, s6  }
0xab: {  	[sflag:s6] =	ssyncadd.remote.s32 @p0 $0x1;
	_ =	sdelay $0x1  }
0xac: {  	s6 =	simm.s32 @p0 $0x1B8D  }
0xad: {  	_ =	swait.eq @p0 [sflag:s6], $0x1  }
0xae: {  	[sflag:s6] =	ssyncadd.s32 @p0 $0xFFFFFFFF  }
0xaf: {  	s7 =	sshll.u32 @!p0 s1, $0xE  }
0xb0: {  	s7 =	sor.u32 @!p0 $0x4000, s7;
	s6 =	simm.s32 @!p0 $0x1B8D  }
0xb1: {  	s5 =	sshll.u32 @!p0 s5, $0x11;
	s7 =	sadd.s32 @!p0 $0x11B8D, s7;
	_ =	swait.eq @!p0 [sflag:s6], $0x1  }
0xb2: {  	s5 =	sor.u32 @!p0 s5, s7;
	[sflag:s6] =	ssyncadd.s32 @!p0 $0xFFFFFFFF  }
0xb3: {  	s25 =	simm.s32 $0x1B8E;
	s24 =	sld [smem:$0x3FFE];
	[sflag:s5] =	ssyncadd.remote.s32 @!p0 $0x1  }
0xb4: {  	s26 =	simm.s32 $execute0_lowered;
	[smem:$0x3FD2] =	sst s25  }
0xb5: {  	s6 =	sshll.u32 s26, $0x1;
	_ =	strace $0x80000049;
	[dreg:$0x1] =	wrdreg $0xFFFFFFFF  }
0xb6: {  	s28 =	simm.s32 $_size_execute0_lowered;
	s4 =	sadd.s32 s4, s6;
	[dreg:$0x0] =	wrdreg $0x0  }
0xb7: {  	s6 =	sshll.u32 s28, $0x1;
	[dreg:$0x2] =	wrdreg s4  }
0xb8: {  	[dreg:$0x3] =	wrdreg s6  }
0xb9: {  	[dreg:$0x4] =	wrdreg $0xC0  }
0xba: {  	_ =	task [dreg:s22], $0x5FFFF  }
0xbb: {  	[dreg:$0x1] =	wrdreg $0xFFFFFFFF  }
0xbc: {  	[dreg:$0x0] =	wrdreg $0x60  }
0xbd: {  	[dreg:$0x2] =	wrdreg s18  }
0xbe: {  	[dreg:$0x3] =	wrdreg s24  }
0xbf: {  	[dreg:$0x4] =	wrdreg $0xA8000  }
0xc0: {  	[dreg:$0x5] =	wrdreg $0xA  }
0xc1: {  	_ =	task.clear_ibuf [dreg:s22], $0x6FFFF;
	_ =	strace $0x90000049  }
0xc2: {  	s29 =	simm.s32 $0xA;
	_ =	strace $0x8000004B  }
0xc3: {  	_ =	swait.ge [sflag:s29], $0x1  }
0xc4: {  	[sflag:s29] =	ssyncadd.s32 $0xFFFFFFFF  }
0xc5: {  	_ =	strace $0x9000004B  }
0xc6: {  	_ =	sfence  }
0xc7: {  	s30 =	sld [smem:$0x0];
	_ =	sdelay $0x2  }
0xc8: {  	s31 =	sshll.u32 s1, $0xD;
	s1 =	sshrl.u32 s1, $0x2  }
0xc9: {  	s4 =	sand.u32 $0x4000, s31;
	s1 =	sadd.s32 s1, s30  }
0xca: {  	s0 =	sor.u32 s4, s0;
	s1 =	sshll.u32 s1, $0x11  }
0xcb: {  	s0 =	sor.u32 s1, s0  }
0xcc: {  	s0 =	sadd.s32 $0x8F2B, s0  }
0xcd: {  	[sflag:s0] =	ssyncadd.remote.s32 $0x1  }
0xce: {  	_ =	sfence.sel $0xFFFF  }
0xcf: {  	[dreg:$0x0] =	wrdreg $0xFFFFFFFF;
	(pc) =	sbr.abs _section_cstart, $3  }
0xd0: {  	[dreg:$0x1] =	wrdreg $0xFFFFFFFF  }
0xd1: {  	_ =	task.clear_ibuf [dreg:s22], $0x2FFFF;
	_ =	strace $0x9FFFFFFF  }
0xd2: {  	(tm) =	ssettm $0x7FFFFFFF  }
0xd3: {  	_ =	shalt  }
tec
execute0_lowered:
.L_overlay_start_1:
0x0: {  	(tag) =	ssettag $0x1  }
0x1: {  	s1 =	rddreg [dreg:$0x0]  }
0x2: {  	s0 =	rddreg [dreg:$0x1]  }
0x3: {  	s2 =	rddreg [dreg:$0x2]  }
0x4: {  	s3 =	simm.s32 $0x0;
	s5 =	srdreg.scid;
	s12 =	stileid.u32  }
0x5: {  	s28 =	simm.s32 $0x80;
	s29 =	simm.s32 $0x6800;
	s30 =	simm.s32 $0x1  }
0x6: {  	s31 =	simm.s32 $0x0;
	[smem:$0x7FF] =	sst s3;
	s4 =	sadd.s32 $0x3800, s0  }
0x7: {  	s6 =	sadd.s32 $0x17400, s0;
	s7 =	sand.u32 $0x1, s5;
	s17 =	sshll.u32 s12, $0x1  }
0x8: {  	s8 =	smul.u32 $0x50000, s12;
	s0 =	sadd.s32 $0x71400, s0;
	s9 =	ssub.s32 $0x2, s7  }
0x9: {  	_ =	strace $0x8000004A;
	s5 =	sor.u32 s7, s17;
	s10 =	sshrl.u32 s9, $0x1  }
0xa: {  	s20 =	smul.u32 $0x140000, s7;
	s8 =	sshrl.u32 s8, $0x2;
	s9 =	ssub.s32 s9, s10  }
0xb: {  	s11 =	smul.u32 $0x2800, s5;
	s5 =	sadd.s32 s8, s2;
	s18 =	smax.u32 s9, $0x1  }
0xc: {  	s19 =	sadd.s32 $0x4000, s5;
	s8 =	sadd.s32 $0x8000, s5;
	s9 =	sadd.s32 $0xC000, s5  }
0xd: {  	s13 =	sshrl.u32 s11, $0x3;
	s10 =	sadd.s32 $0x10000, s5;
	[dreg:$0x4] =	wrdreg s18  }
0xe: {  	[dreg:$0x5] =	wrdreg s19;
	s19 =	smul.u32 $0x14000, s12;
	s14 =	sadd.s32 $0x280, s13  }
0xf: {  	s11 =	sadd.s32 s4, s13;
	s12 =	sadd.s32 s6, s13;
	s13 =	sadd.s32 s4, s14  }
0x10: {  	s14 =	sadd.s32 s6, s14;
	s15 =	sadd.s32 s20, s19;
	s16 =	sadd.s32 $0x4000, s19  }
0x11: {  	s23 =	sadd.s32 $0x8000, s19;
	s24 =	sadd.s32 $0xC000, s19;
	s21 =	sshrl.u32 s15, $0x3  }
0x12: {  	s17 =	sadd.s32 s20, s16;
	s16 =	sadd.s32 s16, s2;
	s18 =	sadd.s32 s23, s2  }
0x13: {  	s4 =	sadd.s32 s20, s23;
	s15 =	sadd.s32 s0, s21;
	s22 =	sshrl.u32 s17, $0x3  }
0x14: {  	s4 =	sshrl.u32 s4, $0x3;
	s21 =	sadd.s32 s20, s24;
	s17 =	sadd.s32 s0, s22  }
0x15: {  	s22 =	sadd.s32 $0x10000, s19;
	s19 =	sadd.s32 s0, s4;
	s25 =	sshrl.u32 s21, $0x3  }
0x16: {  	s23 =	sadd.s32 s20, s22;
	s20 =	sadd.s32 s24, s2;
	s21 =	sadd.s32 s0, s25  }
0x17: {  	s22 =	sadd.s32 s22, s2;
	s24 =	simm.s32 $0x2800;
	s26 =	sshrl.u32 s23, $0x3  }
0x18: {  	v0 =	vimm.f32 $0.0e+00;
	s25 =	simm.s32 $0x2;
	s23 =	sadd.s32 s0, s26;
	s26 =	simm.s32 $0x1400  }
.LBB2_1:
0x19: {  	s0 =	sand.u32 $0xFE00, s3  }
0x1a: {  	s4 =	sand.u32 $0x70, s3;
	s6 =	sshrl.u32 s0, $0x2  }
0x1b: {  	s0 =	simm.s32 $0x40;
	s6 =	sor.u32 s4, s6;
	s4 =	simm.s32 $0x0  }
.LBB2_2:
0x1c: {  	p0 =	sne.s32 s0, $0xFFC0  }
0x1d: {  	[tilespmem:s6+$0x2800] =	vst v0;
	s4 =	sadd.s32 $0x10, s4;
	s6 =	smov.u32 s0;
	s0 =	sadd.s32 $0x40, s0  }
.Ltmp0:
0x1e: {  	(pc) =	sbr.rel @p0 .LBB2_2-.Ltmp0, $4  }
0x1f: {  	_ = 	snop  }
0x20: {  	s6 =	sand.u32 $0xFE00, s6  }
0x21: {  	s7 =	sand.u32 $0x70, s4;
	s6 =	sshrl.u32 s6, $0x2  }
0x22: {  	s6 =	sor.u32 s7, s6  }
0x23: {  	[tilespmem:s6+$0x2800] =	vst v0  }
0x24: {  	[spmem:s5] =	stream.linear.scatter [tilespmem:s24], [sflag:$0x2], $0x4000, $0x38;
	[tilespmem:$0x1E800] =	vst v63  }
0x25: {  	_ =	swait.ge [sflag:s25], $0x4000  }
0x26: {  	[sflag:s25] =	ssyncset.done $0x0  }
0x27: {  	s0 =	rddreg [dreg:$0x5];
	[sflag:s25] =	ssyncadd.s32 $0xFFFFC000  }
0x28: {  	[spmem:s0] =	stream.linear.scatter [tilespmem:s24], [sflag:$0x2], $0x4000, $0x38;
	[tilespmem:$0x1E800] =	vst v63  }
0x29: {  	_ =	swait.ge [sflag:s25], $0x4000  }
0x2a: {  	[sflag:s25] =	ssyncset.done $0x0  }
0x2b: {  	[sflag:s25] =	ssyncadd.s32 $0xFFFFC000  }
0x2c: {  	[spmem:s8] =	stream.linear.scatter [tilespmem:s24], [sflag:$0x2], $0x4000, $0x38;
	[tilespmem:$0x1E800] =	vst v63  }
0x2d: {  	_ =	swait.ge [sflag:s25], $0x4000  }
0x2e: {  	[sflag:s25] =	ssyncset.done $0x0  }
0x2f: {  	[sflag:s25] =	ssyncadd.s32 $0xFFFFC000  }
0x30: {  	[spmem:s9] =	stream.linear.scatter [tilespmem:s24], [sflag:$0x2], $0x4000, $0x38;
	[tilespmem:$0x1E800] =	vst v63  }
0x31: {  	_ =	swait.ge [sflag:s25], $0x4000  }
0x32: {  	[sflag:s25] =	ssyncset.done $0x0  }
0x33: {  	[sflag:s25] =	ssyncadd.s32 $0xFFFFC000  }
0x34: {  	[spmem:s10] =	stream.linear.scatter [tilespmem:s24], [sflag:$0x2], $0x4000, $0x38;
	[tilespmem:$0x1E800] =	vst v63  }
0x35: {  	_ =	swait.ge [sflag:s25], $0x4000  }
0x36: {  	[sflag:s25] =	ssyncset.done $0x0  }
0x37: {  	[sflag:s25] =	ssyncadd.s32 $0xFFFFC000  }
0x38: {  	s6 =	simm.s32 $0x0;
	[bflag:$0x0] =	sbarrier.arrive $0xFFFF  }
0x39: {  	[tilespmem:s6], [sflag:$0x2] =	stream.linear.gather [hbm4b:s11+s6], $0x1400, $0x38;
	[tilespmem:$0x1E800] =	vst v63  }
0x3a: {  	_ =	swait.ge [sflag:s25], $0x1400  }
0x3b: {  	[sflag:s25] =	ssyncset.done $0x0  }
0x3c: {  	[sflag:s25] =	ssyncadd.s32 $0xFFFFEC00  }
0x3d: {  	[tilespmem:s26], [sflag:$0x2] =	stream.linear.gather [hbm4b:s12+s6], $0x1400, $0x38;
	[tilespmem:$0x1E800] =	vst v63  }
0x3e: {  	_ =	swait.ge [sflag:s25], $0x1400  }
0x3f: {  	[sflag:s25] =	ssyncset.done $0x0  }
0x40: {  	s7 =	simm.s32 $0x0;
	[sflag:s25] =	ssyncadd.s32 $0xFFFFEC00  }
0x41: {  	[tilespmem:s24], [sflag:$0x1] =	stream.indirect.gather [hbm4b:s1+s28], $0x80, s7, s28, $0xb8;
	[tilespmem:$0x1E800] =	vst v63  }
0x42: {  	s4 =	simm.s32 $0x80  }
0x43: {  	[tilespmem:s29], [sflag:$0x1] =	stream.indirect.gather [hbm4b:s1+s28], $0x80, s4, s28, $0xb8;
	[tilespmem:$0x1E800] =	vst v63  }
0x44: {  	_ =	swait.ge [sflag:s30], $0x4000  }
0x45: {  	[sflag:s30] =	ssyncset.done $0x0  }
0x46: {  	s6 =	simm.s32 $0x1400;
	[sflag:s30] =	ssyncadd.s32 $0xFFFFC000  }
0x47: {  	[spmem:s2] =	stream.indirect.scatter.add.f32 [tilespmem:s24], [sflag:$0x2], $0x80, s6, s28, $0xb8;
	[tilespmem:$0x1E800] =	vst v63  }
0x48: {  	_ =	swait.ge [sflag:s25], $0x4000  }
0x49: {  	[sflag:s25] =	ssyncset.done $0x0  }
0x4a: {  	[sflag:s25] =	ssyncadd.s32 $0xFFFFC000  }
0x4b: {  	_ =	swait.ge [sflag:s30], $0x4000  }
0x4c: {  	[sflag:s30] =	ssyncset.done $0x0  }
0x4d: {  	s7 =	simm.s32 $0x1480;
	[sflag:s30] =	ssyncadd.s32 $0xFFFFC000  }
0x4e: {  	[spmem:s2] =	stream.indirect.scatter.add.f32 [tilespmem:s29], [sflag:$0x2], $0x80, s7, s28, $0xb8;
	[tilespmem:$0x1E800] =	vst v63  }
0x4f: {  	_ =	swait.ge [sflag:s25], $0x4000  }
0x50: {  	s0 =	simm.s32 $0x400;
	s4 =	simm.s32 $0x800;
	[sflag:s25] =	ssyncset.done $0x0  }
.LBB2_4:
0x51: {  	s6 =	sshra.s32 s0, $0x2  }
0x52: {  	[sflag:s25] =	ssyncadd.s32 $0xFFFFC000;
	s0 =	smov.u32 s4;
	s7 =	sadd.s32 $0x400, s4  }
0x53: {  	[tilespmem:s24], [sflag:$0x1] =	stream.indirect.gather [hbm4b:s1+s28], $0x80, s6, s28, $0xb8;
	[tilespmem:$0x1E800] =	vst v63  }
0x54: {  	p0 =	sne.s32 s4, $0x4C00;
	s4 =	sadd.s32 $0x80, s6  }
0x55: {  	[tilespmem:s29], [sflag:$0x1] =	stream.indirect.gather [hbm4b:s1+s28], $0x80, s4, s28, $0xb8;
	[tilespmem:$0x1E800] =	vst v63  }
0x56: {  	_ =	swait.ge [sflag:s30], $0x4000  }
0x57: {  	[sflag:s30] =	ssyncset.done $0x0  }
0x58: {  	s4 =	sadd.s32 $0x1400, s6;
	[sflag:s30] =	ssyncadd.s32 $0xFFFFC000  }
0x59: {  	[spmem:s2] =	stream.indirect.scatter.add.f32 [tilespmem:s24], [sflag:$0x2], $0x80, s4, s28, $0xb8;
	[tilespmem:$0x1E800] =	vst v63  }
0x5a: {  	_ =	swait.ge [sflag:s25], $0x4000  }
0x5b: {  	[sflag:s25] =	ssyncset.done $0x0  }
0x5c: {  	[sflag:s25] =	ssyncadd.s32 $0xFFFFC000  }
0x5d: {  	_ =	swait.ge [sflag:s30], $0x4000  }
.Ltmp1:
0x5e: {  	[sflag:s30] =	ssyncset.done $0x0;
	(pc) =	sbr.rel @p0 .LBB2_4-.Ltmp1, $4  }
0x5f: {  	s4 =	sadd.s32 $0x1480, s6;
	[sflag:s30] =	ssyncadd.s32 $0xFFFFC000  }
0x60: {  	[spmem:s2] =	stream.indirect.scatter.add.f32 [tilespmem:s29], [sflag:$0x2], $0x80, s4, s28, $0xb8;
	[tilespmem:$0x1E800] =	vst v63  }
0x61: {  	_ =	swait.ge [sflag:s25], $0x4000  }
0x62: {  	s4 =	smov.u32 s7;
	[sflag:s25] =	ssyncset.done $0x0  }
0x63: {  	s0 =	sshra.s32 s0, $0x2;
	[sflag:s25] =	ssyncadd.s32 $0xFFFFC000  }
0x64: {  	[tilespmem:s24], [sflag:$0x1] =	stream.indirect.gather [hbm4b:s1+s28], $0x80, s0, s28, $0xb8;
	[tilespmem:$0x1E800] =	vst v63  }
0x65: {  	s4 =	sadd.s32 $0x80, s0  }
0x66: {  	[tilespmem:s29], [sflag:$0x1] =	stream.indirect.gather [hbm4b:s1+s28], $0x80, s4, s28, $0xb8;
	[tilespmem:$0x1E800] =	vst v63  }
0x67: {  	_ =	swait.ge [sflag:s30], $0x4000  }
0x68: {  	[sflag:s30] =	ssyncset.done $0x0  }
0x69: {  	s7 =	sadd.s32 $0x1400, s0;
	[sflag:s30] =	ssyncadd.s32 $0xFFFFC000  }
0x6a: {  	[spmem:s2] =	stream.indirect.scatter.add.f32 [tilespmem:s24], [sflag:$0x2], $0x80, s7, s28, $0xb8;
	[tilespmem:$0x1E800] =	vst v63  }
0x6b: {  	_ =	swait.ge [sflag:s25], $0x4000  }
0x6c: {  	[sflag:s25] =	ssyncset.done $0x0  }
0x6d: {  	[sflag:s25] =	ssyncadd.s32 $0xFFFFC000  }
0x6e: {  	_ =	swait.ge [sflag:s30], $0x4000  }
0x6f: {  	[sflag:s30] =	ssyncset.done $0x0  }
0x70: {  	s0 =	sadd.s32 $0x1480, s0;
	[sflag:s30] =	ssyncadd.s32 $0xFFFFC000  }
0x71: {  	[spmem:s2] =	stream.indirect.scatter.add.f32 [tilespmem:s29], [sflag:$0x2], $0x80, s0, s28, $0xb8;
	[tilespmem:$0x1E800] =	vst v63  }
0x72: {  	_ =	swait.ge [sflag:s25], $0x4000  }
0x73: {  	[sflag:s25] =	ssyncset.done $0x0  }
0x74: {  	s6 =	simm.s32 $0x0;
	[sflag:s25] =	ssyncadd.s32 $0xFFFFC000  }
0x75: {  	[tilespmem:s6], [sflag:$0x2] =	stream.linear.gather [hbm4b:s13+s6], $0x1400, $0x38;
	[tilespmem:$0x1E800] =	vst v63  }
0x76: {  	_ =	swait.ge [sflag:s25], $0x1400  }
0x77: {  	[sflag:s25] =	ssyncset.done $0x0  }
0x78: {  	[sflag:s25] =	ssyncadd.s32 $0xFFFFEC00  }
0x79: {  	[tilespmem:s26], [sflag:$0x2] =	stream.linear.gather [hbm4b:s14+s6], $0x1400, $0x38;
	[tilespmem:$0x1E800] =	vst v63  }
0x7a: {  	_ =	swait.ge [sflag:s25], $0x1400  }
0x7b: {  	[sflag:s25] =	ssyncset.done $0x0  }
0x7c: {  	s7 =	simm.s32 $0x0;
	[sflag:s25] =	ssyncadd.s32 $0xFFFFEC00  }
0x7d: {  	[tilespmem:s24], [sflag:$0x1] =	stream.indirect.gather [hbm4b:s1+s28], $0x80, s7, s28, $0xb8;
	[tilespmem:$0x1E800] =	vst v63  }
0x7e: {  	s4 =	simm.s32 $0x80  }
0x7f: {  	[tilespmem:s29], [sflag:$0x1] =	stream.indirect.gather [hbm4b:s1+s28], $0x80, s4, s28, $0xb8;
	[tilespmem:$0x1E800] =	vst v63  }
0x80: {  	_ =	swait.ge [sflag:s30], $0x4000  }
0x81: {  	[sflag:s30] =	ssyncset.done $0x0  }
0x82: {  	s6 =	simm.s32 $0x1400;
	[sflag:s30] =	ssyncadd.s32 $0xFFFFC000  }
0x83: {  	[spmem:s2] =	stream.indirect.scatter.add.f32 [tilespmem:s24], [sflag:$0x2], $0x80, s6, s28, $0xb8;
	[tilespmem:$0x1E800] =	vst v63  }
0x84: {  	_ =	swait.ge [sflag:s25], $0x4000  }
0x85: {  	[sflag:s25] =	ssyncset.done $0x0  }
0x86: {  	[sflag:s25] =	ssyncadd.s32 $0xFFFFC000  }
0x87: {  	_ =	swait.ge [sflag:s30], $0x4000  }
0x88: {  	[sflag:s30] =	ssyncset.done $0x0  }
0x89: {  	s7 =	simm.s32 $0x1480;
	[sflag:s30] =	ssyncadd.s32 $0xFFFFC000  }
0x8a: {  	[spmem:s2] =	stream.indirect.scatter.add.f32 [tilespmem:s29], [sflag:$0x2], $0x80, s7, s28, $0xb8;
	[tilespmem:$0x1E800] =	vst v63  }
0x8b: {  	_ =	swait.ge [sflag:s25], $0x4000  }
0x8c: {  	s0 =	simm.s32 $0x400;
	s4 =	simm.s32 $0x800;
	[sflag:s25] =	ssyncset.done $0x0  }
.LBB2_6:
0x8d: {  	s6 =	sshra.s32 s0, $0x2  }
0x8e: {  	[sflag:s25] =	ssyncadd.s32 $0xFFFFC000;
	s0 =	smov.u32 s4;
	s7 =	sadd.s32 $0x400, s4  }
0x8f: {  	[tilespmem:s24], [sflag:$0x1] =	stream.indirect.gather [hbm4b:s1+s28], $0x80, s6, s28, $0xb8;
	[tilespmem:$0x1E800] =	vst v63  }
0x90: {  	p0 =	sne.s32 s4, $0x4C00;
	s4 =	sadd.s32 $0x80, s6  }
0x91: {  	[tilespmem:s29], [sflag:$0x1] =	stream.indirect.gather [hbm4b:s1+s28], $0x80, s4, s28, $0xb8;
	[tilespmem:$0x1E800] =	vst v63  }
0x92: {  	_ =	swait.ge [sflag:s30], $0x4000  }
0x93: {  	[sflag:s30] =	ssyncset.done $0x0  }
0x94: {  	s4 =	sadd.s32 $0x1400, s6;
	[sflag:s30] =	ssyncadd.s32 $0xFFFFC000  }
0x95: {  	[spmem:s2] =	stream.indirect.scatter.add.f32 [tilespmem:s24], [sflag:$0x2], $0x80, s4, s28, $0xb8;
	[tilespmem:$0x1E800] =	vst v63  }
0x96: {  	_ =	swait.ge [sflag:s25], $0x4000  }
0x97: {  	[sflag:s25] =	ssyncset.done $0x0  }
0x98: {  	[sflag:s25] =	ssyncadd.s32 $0xFFFFC000  }
0x99: {  	_ =	swait.ge [sflag:s30], $0x4000  }
.Ltmp2:
0x9a: {  	[sflag:s30] =	ssyncset.done $0x0;
	(pc) =	sbr.rel @p0 .LBB2_6-.Ltmp2, $4  }
0x9b: {  	s4 =	sadd.s32 $0x1480, s6;
	[sflag:s30] =	ssyncadd.s32 $0xFFFFC000  }
0x9c: {  	[spmem:s2] =	stream.indirect.scatter.add.f32 [tilespmem:s29], [sflag:$0x2], $0x80, s4, s28, $0xb8;
	[tilespmem:$0x1E800] =	vst v63  }
0x9d: {  	_ =	swait.ge [sflag:s25], $0x4000  }
0x9e: {  	s4 =	smov.u32 s7;
	[sflag:s25] =	ssyncset.done $0x0  }
0x9f: {  	s0 =	sshra.s32 s0, $0x2;
	[sflag:s25] =	ssyncadd.s32 $0xFFFFC000  }
0xa0: {  	[tilespmem:s24], [sflag:$0x1] =	stream.indirect.gather [hbm4b:s1+s28], $0x80, s0, s28, $0xb8;
	[tilespmem:$0x1E800] =	vst v63  }
0xa1: {  	s4 =	sadd.s32 $0x80, s0  }
0xa2: {  	[tilespmem:s29], [sflag:$0x1] =	stream.indirect.gather [hbm4b:s1+s28], $0x80, s4, s28, $0xb8;
	[tilespmem:$0x1E800] =	vst v63  }
0xa3: {  	_ =	swait.ge [sflag:s30], $0x4000  }
0xa4: {  	[sflag:s30] =	ssyncset.done $0x0  }
0xa5: {  	s6 =	sadd.s32 $0x1400, s0;
	[sflag:s30] =	ssyncadd.s32 $0xFFFFC000  }
0xa6: {  	[spmem:s2] =	stream.indirect.scatter.add.f32 [tilespmem:s24], [sflag:$0x2], $0x80, s6, s28, $0xb8;
	[tilespmem:$0x1E800] =	vst v63  }
0xa7: {  	_ =	swait.ge [sflag:s25], $0x4000  }
0xa8: {  	[sflag:s25] =	ssyncset.done $0x0  }
0xa9: {  	[sflag:s25] =	ssyncadd.s32 $0xFFFFC000  }
0xaa: {  	_ =	swait.ge [sflag:s30], $0x4000  }
0xab: {  	[sflag:s30] =	ssyncset.done $0x0  }
0xac: {  	s0 =	sadd.s32 $0x1480, s0;
	[sflag:s30] =	ssyncadd.s32 $0xFFFFC000  }
0xad: {  	[spmem:s2] =	stream.indirect.scatter.add.f32 [tilespmem:s29], [sflag:$0x2], $0x80, s0, s28, $0xb8;
	[tilespmem:$0x1E800] =	vst v63  }
0xae: {  	_ =	swait.ge [sflag:s25], $0x4000  }
0xaf: {  	[sflag:s25] =	ssyncset.done $0x0  }
0xb0: {  	[sflag:s25] =	ssyncadd.s32 $0xFFFFC000  }
0xb1: {  	[bflag:$0x0] =	sbarrier.arrive $0xFFFF  }
0xb2: {  	[tilespmem:s24], [sflag:$0x2] =	stream.linear.gather [spmem:s5], $0x4000, $0x38;
	[tilespmem:$0x1E800] =	vst v63  }
0xb3: {  	_ =	swait.ge [sflag:s25], $0x4000  }
0xb4: {  	[sflag:s25] =	ssyncset.done $0x0  }
0xb5: {  	[sflag:s25] =	ssyncadd.s32 $0xFFFFC000  }
0xb6: {  	[hbm4b:s15+s3] =	stream.linear.scatter [tilespmem:s24], [sflag:$0x2], $0x4000, $0x38;
	[tilespmem:$0x1E800] =	vst v63  }
0xb7: {  	_ =	swait.ge [sflag:s25], $0x4000  }
0xb8: {  	[sflag:s25] =	ssyncset.done $0x0  }
0xb9: {  	[sflag:s25] =	ssyncadd.s32 $0xFFFFC000  }
0xba: {  	[tilespmem:s24], [sflag:$0x2] =	stream.linear.gather [spmem:s16], $0x4000, $0x38;
	[tilespmem:$0x1E800] =	vst v63  }
0xbb: {  	_ =	swait.ge [sflag:s25], $0x4000  }
0xbc: {  	[sflag:s25] =	ssyncset.done $0x0  }
0xbd: {  	[sflag:s25] =	ssyncadd.s32 $0xFFFFC000  }
0xbe: {  	[hbm4b:s17+s3] =	stream.linear.scatter [tilespmem:s24], [sflag:$0x2], $0x4000, $0x38;
	[tilespmem:$0x1E800] =	vst v63  }
0xbf: {  	_ =	swait.ge [sflag:s25], $0x4000  }
0xc0: {  	[sflag:s25] =	ssyncset.done $0x0  }
0xc1: {  	[sflag:s25] =	ssyncadd.s32 $0xFFFFC000  }
0xc2: {  	[tilespmem:s24], [sflag:$0x2] =	stream.linear.gather [spmem:s18], $0x4000, $0x38;
	[tilespmem:$0x1E800] =	vst v63  }
0xc3: {  	_ =	swait.ge [sflag:s25], $0x4000  }
0xc4: {  	[sflag:s25] =	ssyncset.done $0x0  }
0xc5: {  	[sflag:s25] =	ssyncadd.s32 $0xFFFFC000  }
0xc6: {  	[hbm4b:s19+s3] =	stream.linear.scatter [tilespmem:s24], [sflag:$0x2], $0x4000, $0x38;
	[tilespmem:$0x1E800] =	vst v63  }
0xc7: {  	_ =	swait.ge [sflag:s25], $0x4000  }
0xc8: {  	[sflag:s25] =	ssyncset.done $0x0  }
0xc9: {  	[sflag:s25] =	ssyncadd.s32 $0xFFFFC000  }
0xca: {  	[tilespmem:s24], [sflag:$0x2] =	stream.linear.gather [spmem:s20], $0x4000, $0x38;
	[tilespmem:$0x1E800] =	vst v63  }
0xcb: {  	_ =	swait.ge [sflag:s25], $0x4000  }
0xcc: {  	[sflag:s25] =	ssyncset.done $0x0  }
0xcd: {  	[sflag:s25] =	ssyncadd.s32 $0xFFFFC000  }
0xce: {  	[hbm4b:s21+s3] =	stream.linear.scatter [tilespmem:s24], [sflag:$0x2], $0x4000, $0x38;
	[tilespmem:$0x1E800] =	vst v63  }
0xcf: {  	_ =	swait.ge [sflag:s25], $0x4000  }
0xd0: {  	[sflag:s25] =	ssyncset.done $0x0  }
0xd1: {  	[sflag:s25] =	ssyncadd.s32 $0xFFFFC000  }
0xd2: {  	[tilespmem:s24], [sflag:$0x2] =	stream.linear.gather [spmem:s22], $0x4000, $0x38;
	[tilespmem:$0x1E800] =	vst v63  }
0xd3: {  	_ =	swait.ge [sflag:s25], $0x4000  }
0xd4: {  	[sflag:s25] =	ssyncset.done $0x0  }
0xd5: {  	[sflag:s25] =	ssyncadd.s32 $0xFFFFC000  }
0xd6: {  	[hbm4b:s23+s3] =	stream.linear.scatter [tilespmem:s24], [sflag:$0x2], $0x4000, $0x38;
	[tilespmem:$0x1E800] =	vst v63  }
0xd7: {  	_ =	swait.ge [sflag:s25], $0x4000  }
0xd8: {  	s31 =	sadd.s32 $0x1, s31;
	s7 =	rddreg [dreg:$0x4]  }
0xd9: {  	p0 =	sne.s32 s31, s7  }
.Ltmp3:
0xda: {  	_ = 	snop;
	(pc) =	sbr.rel @p0 .LBB2_1-.Ltmp3, $3  }
0xdb: {  	_ =	sdelay $0x1  }
0xdc: {  	[sflag:s25] =	ssyncset.done $0x0  }
0xdd: {  	[sflag:s25] =	ssyncadd.s32 $0xFFFFC000  }
0xde: {  	_ =	sfence.sel $0x180000  }
0xdf: {  	[bflag:$0x0] =	sbarrier.arrive $0xFFFF  }
0xe0: {  	_ =	strace $0x9000004A  }
0xe1: {  	s0 =	stileid.u32;
	[bflag:$0x2] =	sbarrier.arrive $0xFFFF  }
0xe2: {  	p0 =	sne.s32 s0, $0x0;
	s0 =	rddreg [dreg:$0x3]  }
0xe3: {  	s0 =	sadd.s32 @!p0 $0x100000, s0  }
0xe4: {  	[sflag:s0] =	ssyncadd.tile.s32 @!p0 $0x1;
	_ =	shalt  }
.Lfunc_end2:
_tile_overlayer_lowered:
.L_overlay_start_2:
0xe5: {  	(tag) =	ssettag $0x2  }
0xe6: {  	s0 =	rddreg [dreg:$0x0];
	s2 =	stileid.u32  }
0xe7: {  	s1 =	rddreg [dreg:$0x1];
	p0 =	sne.s32 s2, $0x0  }
0xe8: {  	s3 =	rddreg [dreg:$0x2];
	[bflag:$0x3] =	sbarrier.arrive $0xFFFF;
	s2 =	simm.s32 @!p0 $0x1C02  }
0xe9: {  	[timem:s3], [sflag:s2] =	dma.local @!p0 [hbm:s0], s1  }
0xea: {  	s0 =	simm.s32 @!p0 $0x2  }
0xeb: {  	_ =	swait.ge @!p0 [sflag:s0], s1  }
0xec: {  	s1 =	ssub.s32 @!p0 $0x0, s1;
	[sflag:s0] =	ssyncset.done @!p0 $0x0  }
0xed: {  	[sflag:s0] =	ssyncadd.s32 @!p0 s1  }
0xee: {  	[bflag:$0x3] =	sbarrier.arrive $0xFFFF  }
0xef: {  	_ =	shalt  }

// kernel: kernel.15.cloned.1.call-start
scs
__scs_entry_jumppad:
0x0: {  	(pc) =	sbr.rel $0x88, $3  }
0x1: {  	(tag) =	ssettag $0x0;
	lr =	simm.s32 $0x1  }
0x2: {  	[smem:$0x3F96] =	sst lr;
	_ =	strace $0xD0000000  }
0x3: {  	_ = 	snop  }
0x4: {  	_ = 	snop  }
0x5: {  	_ = 	snop  }
0x6: {  	_ = 	snop  }
0x7: {  	_ = 	snop  }
__scs_overlays_trampoline_lowered:
0x8: {  	[smem:$0x3FA5] =	sst s0  }
0x9: {  	[smem:$0x3FA6] =	sst s1  }
0xa: {  	[smem:$0x3FA7] =	sst s2  }
0xb: {  	[smem:$0x3FA8] =	sst s3  }
0xc: {  	[smem:$0x3FA9] =	sst s4  }
0xd: {  	[smem:$0x3FAA] =	sst s5  }
0xe: {  	[smem:$0x3FAB] =	sst s6  }
0xf: {  	[smem:$0x3FAC] =	sst s7  }
0x10: {  	[smem:$0x3FAD] =	sst s8  }
0x11: {  	[smem:$0x3FAE] =	sst s9;
	s0 =	simm.s32 @!p0 $0x0  }
0x12: {  	s1 =	sld [smem:$0x3F94];
	s0 =	simm.s32 @p0 $0x1  }
0x13: {  	[smem:$0x3FAF] =	sst s0;
	s0 =	simm.s32 @!p1 $0x0  }
0x14: {  	s2 =	sld [smem:$0x3F93];
	s0 =	simm.s32 @p1 $0x1  }
0x15: {  	[smem:$0x3FB0] =	sst s0;
	s0 =	simm.s32 @!p2 $0x0  }
0x16: {  	s3 =	sld [smem:$0x3FDB];
	s0 =	simm.s32 @p2 $0x1  }
0x17: {  	s4 =	simm.s32 $0x1BF5;
	[smem:$0x3FB2] =	sst s0  }
0x18: {  	s0 =	sld [smem:$0x3F95];
	_ =	swait.ge [sflag:s4], $0x0  }
0x19: {  	s7 =	sld [smem:$0x3F96]  }
0x1a: {  	s8 =	sadd.s32 $0xFFFFE003, lr  }
0x1b: {  	s9 =	sadd.s32 $0xFFFFFEF7, lr;
	s5 =	simm.s32 $0xFFFFFFFF;
	p2 =	slt.u32 s8, $0xFFFFF086  }
0x1c: {  	p1 =	slt.u32 s9, $0xF7A;
	s5 =	simm.s32 @!p2 $0x0  }
0x1d: {  	s5 =	simm.s32 @p1 $0x1;
	p0 =	seq.s32 s7, s2  }
0x1e: {  	s7 =	smul.u32 @!p0 $0xF7A, s2;
	p2 =	seq.s32 @!p0 s5, $0x0  }
0x1f: {  	s9 =	smul.u32 $0xF7A, s1;
	s8 =	simm.s32 @!p0 $0x1BF5;
	p2 =	por !p2, p0  }
0x20: {  	[sflag:s8] =	ssyncset.s32 @!p0 $0xFFFFF086;
	s6 =	sadd.s32 @!p0 s3, s7;
	s7 =	simm.s32 @!p0 $0x108  }
0x21: {  	s3 =	sadd.s32 s3, s9;
	s6 =	sadd.s32 @!p0 $0x88, s6;
	s7 =	simm.s32 @p2 $0x1082  }
0x22: {  	[simem:s7], [sflag:s8] =	dma.local @!p0 [hbm:s6], $0xF7A  }
0x23: {  	s9 =	sor.u32 $0xD0000000, s2;
	s6 =	simm.s32 $0x108;
	_ =	swait.ge @!p0 [sflag:s8], $0x0  }
0x24: {  	s3 =	sadd.s32 $0x88, s3;
	s6 =	simm.s32 @!p1 $0x1082;
	[sflag:s4] =	ssyncset.s32 $0xFFFFF086  }
0x25: {  	[simem:s6], [sflag:s4] =	dma.local [hbm:s3], $0xF7A  }
0x26: {  	[smem:$0x3F96] =	sst s1;
	(tag) =	ssettag s2;
	_ =	strace s9  }
0x27: {  	s1 =	sld [smem:$0x3FA6]  }
0x28: {  	s2 =	sld [smem:$0x3FA7]  }
0x29: {  	s4 =	sld [smem:$0x3FA9]  }
0x2a: {  	p0 =	seq.s32 s5, $0x0;
	s5 =	sld [smem:$0x3FAA]  }
0x2b: {  	s6 =	sld [smem:$0x3FAB]  }
0x2c: {  	s7 =	sld [smem:$0x3FAC]  }
0x2d: {  	s3 =	simm.s32 $0x108;
	s8 =	sld [smem:$0x3FAD]  }
0x2e: {  	s3 =	simm.s32 @!p0 $0x1082;
	s9 =	sld [smem:$0x3FAE]  }
0x2f: {  	lr =	sadd.s32 s0, s3;
	s0 =	sld [smem:$0x3FA5]  }
0x30: {  	s3 =	sld [smem:$0x3FA8]  }
0x31: {  	[smem:$0x3FB1] =	sst s10  }
0x32: {  	s10 =	sld [smem:$0x3FAF];
	_ =	sdelay $0x3  }
0x33: {  	p0 =	seq.s32 s10, $0x1;
	s10 =	sld [smem:$0x3FB1];
	_ =	sdelay $0x3  }
0x34: {  	[smem:$0x3FB1] =	sst s10  }
0x35: {  	s10 =	sld [smem:$0x3FB0];
	_ =	sdelay $0x3  }
0x36: {  	p1 =	seq.s32 s10, $0x1;
	s10 =	sld [smem:$0x3FB1];
	_ =	sdelay $0x3  }
0x37: {  	[smem:$0x3FB1] =	sst s10  }
0x38: {  	s10 =	sld [smem:$0x3FB2]  }
0x39: {  	_ = 	snop;
	(pc) =	sbr.ind lr, $3  }
0x3a: {  	_ = 	snop  }
0x3b: {  	_ = 	snop  }
0x3c: {  	p2 =	seq.s32 s10, $0x1;
	s10 =	sld [smem:$0x3FB1]  }
0x3d: {  	_ =	shalt  }
0x3e: {  	_ =	shalt  }
0x3f: {  	_ =	shalt  }
0x40: {  	_ =	shalt  }
0x41: {  	_ =	shalt  }
0x42: {  	_ =	shalt  }
0x43: {  	_ =	shalt  }
0x44: {  	_ =	shalt  }
0x45: {  	_ =	shalt  }
0x46: {  	_ =	shalt  }
0x47: {  	_ =	shalt  }
0x48: {  	_ =	shalt  }
0x49: {  	_ =	shalt  }
0x4a: {  	_ =	shalt  }
0x4b: {  	_ =	shalt  }
0x4c: {  	_ =	shalt  }
0x4d: {  	_ =	shalt  }
0x4e: {  	_ =	shalt  }
0x4f: {  	_ =	shalt  }
0x50: {  	_ =	shalt  }
0x51: {  	_ =	shalt  }
0x52: {  	_ =	shalt  }
0x53: {  	_ =	shalt  }
0x54: {  	_ =	shalt  }
0x55: {  	_ =	shalt  }
0x56: {  	_ =	shalt  }
0x57: {  	_ =	shalt  }
0x58: {  	_ =	shalt  }
0x59: {  	_ =	shalt  }
0x5a: {  	_ =	shalt  }
0x5b: {  	_ =	shalt  }
0x5c: {  	_ =	shalt  }
0x5d: {  	_ =	shalt  }
0x5e: {  	_ =	shalt  }
0x5f: {  	_ =	shalt  }
0x60: {  	_ =	shalt  }
0x61: {  	_ =	shalt  }
0x62: {  	_ =	shalt  }
0x63: {  	_ =	shalt  }
0x64: {  	_ =	shalt  }
0x65: {  	_ =	shalt  }
0x66: {  	_ =	shalt  }
0x67: {  	_ =	shalt  }
0x68: {  	_ =	shalt  }
0x69: {  	_ =	shalt  }
0x6a: {  	_ =	shalt  }
0x6b: {  	_ =	shalt  }
0x6c: {  	_ =	shalt  }
0x6d: {  	_ =	shalt  }
0x6e: {  	_ =	shalt  }
0x6f: {  	_ =	shalt  }
0x70: {  	_ =	shalt  }
0x71: {  	_ =	shalt  }
0x72: {  	_ =	shalt  }
0x73: {  	_ =	shalt  }
0x74: {  	_ =	shalt  }
0x75: {  	_ =	shalt  }
0x76: {  	_ =	shalt  }
0x77: {  	_ =	shalt  }
0x78: {  	_ =	shalt  }
0x79: {  	_ =	shalt  }
0x7a: {  	_ =	shalt  }
0x7b: {  	_ =	shalt  }
0x7c: {  	_ =	shalt  }
0x7d: {  	_ =	shalt  }
0x7e: {  	_ =	shalt  }
0x7f: {  	_ =	shalt  }
0x80: {  	_ =	shalt  }
0x81: {  	_ =	shalt  }
0x82: {  	_ =	shalt  }
0x83: {  	_ =	shalt  }
0x84: {  	_ =	shalt  }
0x85: {  	_ =	shalt  }
0x86: {  	_ =	shalt  }
0x87: {  	_ =	shalt  }
.Lfunc_end0:
.L_simem_size_0:
called_computation.2_lowered:
.L_overlay_start_0:
0x88: {  	s2 =	sld [smem:$0x3FD9]  }
0x89: {  	s3 =	sld [smem:$0x3FFE];
	_ =	sdelay $0x1  }
0x8a: {  	s1 =	srdreg.scid  }
0x8b: {  	s0 =	sand.u32 $0x1, s1  }
0x8c: {  	s17 =	sshll.u32 s0, $0xA;
	s2 =	sadd.s32 s3, s2  }
0x8d: {  	s2 =	sadd.s32 s2, s17  }
0x8e: {  	[smem:$0x3FBD] =	sst s2  }
0x8f: {  	_ = 	snop  }
0x90: {  	s2 =	sld [smem:$0x3FD0];
	(tm) =	ssettm $0x1  }
0x91: {  	s18 =	sld [smem:$0x3FFB];
	_ =	sdelay $0x3  }
0x92: {  	_ =	strace s18  }
0x93: {  	s3 =	sld [smem:$0x3FFC];
	_ =	sdelay $0x3  }
0x94: {  	_ =	strace s3  }
0x95: {  	s3 =	sld [smem:$0x3FFD];
	_ =	sdelay $0x3  }
0x96: {  	_ =	strace s3  }
0x97: {  	_ =	strace $0x8FFFFFFF  }
0x98: {  	s19 =	sld [smem:$0x3FDB];
	_ =	sdelay $0x1  }
0x99: {  	s4 =	simm.s32 $_scs_section_size  }
0x9a: {  	s5 =	simm.s32 $_size__tile_overlayer_lowered;
	s6 =	simm.s32 $_tile_overlayer_lowered  }
0x9b: {  	s22 =	simm.s32 $0x1BFF;
	s21 =	sshll.u32 s6, $0x1;
	s3 =	sadd.s32 s4, s19  }
0x9c: {  	s7 =	simm.s32 $0x0;
	s20 =	sshll.u32 s5, $0x1;
	s5 =	sadd.s32 s21, s3  }
0x9d: {  	[timem:s7], [sflag:s22] =	dma.local [hbm:s5], s20  }
0x9e: {  	_ =	swait.ge [sflag:s22], s20  }
0x9f: {  	s4 =	ssub.s32 $0x0, s20;
	[sflag:s22] =	ssyncset.done $0x0  }
0xa0: {  	[sflag:s22] =	ssyncadd.s32 s4;
	_ =	sdelay $0x1  }
0xa1: {  	s23 =	simm.s32 $0x1B8B  }
0xa2: {  	_ =	swait.ge [sflag:s23], $0x1  }
0xa3: {  	[sflag:s23] =	ssyncset.done $0x0  }
0xa4: {  	s25 =	simm.s32 $0x1B8E;
	s24 =	sld [smem:$0x3FFE];
	[sflag:s23] =	ssyncadd.s32 $0xFFFFFFFF  }
0xa5: {  	s26 =	simm.s32 $execute0_lowered;
	[smem:$0x3FD2] =	sst s25  }
0xa6: {  	s5 =	sshll.u32 s26, $0x1;
	_ =	strace $0x8000004C;
	[dreg:$0x1] =	wrdreg $0xFFFFFFFF  }
0xa7: {  	s28 =	simm.s32 $_size_execute0_lowered;
	s3 =	sadd.s32 s3, s5;
	[dreg:$0x0] =	wrdreg $0x0  }
0xa8: {  	s5 =	sshll.u32 s28, $0x1;
	[dreg:$0x2] =	wrdreg s3  }
0xa9: {  	[dreg:$0x3] =	wrdreg s5  }
0xaa: {  	[dreg:$0x4] =	wrdreg $0xC0  }
0xab: {  	_ =	task [dreg:s7], $0x5FFFF  }
0xac: {  	[dreg:$0x1] =	wrdreg $0xFFFFFFFF  }
0xad: {  	[dreg:$0x0] =	wrdreg $0x60  }
0xae: {  	[dreg:$0x2] =	wrdreg s2  }
0xaf: {  	[dreg:$0x3] =	wrdreg s24  }
0xb0: {  	[dreg:$0x4] =	wrdreg $0xA8000  }
0xb1: {  	[dreg:$0x5] =	wrdreg $0x9  }
0xb2: {  	_ =	task.clear_ibuf [dreg:s7], $0x6FFFF;
	_ =	strace $0x9000004C  }
0xb3: {  	s29 =	simm.s32 $0x9;
	_ =	strace $0x8000004E  }
0xb4: {  	_ =	swait.ge [sflag:s29], $0x1  }
0xb5: {  	[sflag:s29] =	ssyncadd.s32 $0xFFFFFFFF  }
0xb6: {  	_ =	strace $0x9000004E  }
0xb7: {  	_ =	sfence  }
0xb8: {  	s30 =	sld [smem:$0x0];
	_ =	sdelay $0x2  }
0xb9: {  	s31 =	sshll.u32 s1, $0xD;
	s1 =	sshrl.u32 s1, $0x2  }
0xba: {  	s3 =	sand.u32 $0x4000, s31;
	s1 =	sadd.s32 s1, s30  }
0xbb: {  	s0 =	sor.u32 s3, s0;
	s1 =	sshll.u32 s1, $0x11  }
0xbc: {  	s0 =	sor.u32 s1, s0  }
0xbd: {  	s0 =	sadd.s32 $0x8F2B, s0  }
0xbe: {  	[sflag:s0] =	ssyncadd.remote.s32 $0x1  }
0xbf: {  	_ =	sfence.sel $0xFFFF  }
0xc0: {  	[dreg:$0x0] =	wrdreg $0xFFFFFFFF;
	(pc) =	sbr.abs _section_cstart, $3  }
0xc1: {  	[dreg:$0x1] =	wrdreg $0xFFFFFFFF  }
0xc2: {  	_ =	task.clear_ibuf [dreg:s7], $0x2FFFF;
	_ =	strace $0x9FFFFFFF  }
0xc3: {  	(tm) =	ssettm $0x7FFFFFFF  }
tec
execute0_lowered:
.L_overlay_start_1:
0x0: {  	(tag) =	ssettag $0x1  }
0x1: {  	s1 =	rddreg [dreg:$0x0]  }
0x2: {  	s0 =	rddreg [dreg:$0x1]  }
0x3: {  	s2 =	rddreg [dreg:$0x2]  }
0x4: {  	s3 =	simm.s32 $0x0;
	s5 =	srdreg.scid;
	s12 =	stileid.u32  }
0x5: {  	s28 =	simm.s32 $0x80;
	s29 =	simm.s32 $0x6800;
	s30 =	simm.s32 $0x1  }
0x6: {  	s31 =	simm.s32 $0x0;
	[smem:$0x7FF] =	sst s3;
	s4 =	sadd.s32 $0x3800, s0  }
0x7: {  	s6 =	sadd.s32 $0x17400, s0;
	s7 =	sand.u32 $0x1, s5;
	s17 =	sshll.u32 s12, $0x1  }
0x8: {  	s8 =	smul.u32 $0x50000, s12;
	s0 =	sadd.s32 $0x71400, s0;
	s9 =	ssub.s32 $0x2, s7  }
0x9: {  	_ =	strace $0x8000004D;
	s5 =	sor.u32 s7, s17;
	s10 =	sshrl.u32 s9, $0x1  }
0xa: {  	s20 =	smul.u32 $0x140000, s7;
	s8 =	sshrl.u32 s8, $0x2;
	s9 =	ssub.s32 s9, s10  }
0xb: {  	s11 =	smul.u32 $0x2800, s5;
	s5 =	sadd.s32 s8, s2;
	s18 =	smax.u32 s9, $0x1  }
0xc: {  	s19 =	sadd.s32 $0x4000, s5;
	s8 =	sadd.s32 $0x8000, s5;
	s9 =	sadd.s32 $0xC000, s5  }
0xd: {  	s13 =	sshrl.u32 s11, $0x3;
	s10 =	sadd.s32 $0x10000, s5;
	[dreg:$0x4] =	wrdreg s18  }
0xe: {  	[dreg:$0x5] =	wrdreg s19;
	s19 =	smul.u32 $0x14000, s12;
	s14 =	sadd.s32 $0x280, s13  }
0xf: {  	s11 =	sadd.s32 s4, s13;
	s12 =	sadd.s32 s6, s13;
	s13 =	sadd.s32 s4, s14  }
0x10: {  	s14 =	sadd.s32 s6, s14;
	s15 =	sadd.s32 s20, s19;
	s16 =	sadd.s32 $0x4000, s19  }
0x11: {  	s23 =	sadd.s32 $0x8000, s19;
	s24 =	sadd.s32 $0xC000, s19;
	s21 =	sshrl.u32 s15, $0x3  }
0x12: {  	s17 =	sadd.s32 s20, s16;
	s16 =	sadd.s32 s16, s2;
	s18 =	sadd.s32 s23, s2  }
0x13: {  	s4 =	sadd.s32 s20, s23;
	s15 =	sadd.s32 s0, s21;
	s22 =	sshrl.u32 s17, $0x3  }
0x14: {  	s4 =	sshrl.u32 s4, $0x3;
	s21 =	sadd.s32 s20, s24;
	s17 =	sadd.s32 s0, s22  }
0x15: {  	s22 =	sadd.s32 $0x10000, s19;
	s19 =	sadd.s32 s0, s4;
	s25 =	sshrl.u32 s21, $0x3  }
0x16: {  	s23 =	sadd.s32 s20, s22;
	s20 =	sadd.s32 s24, s2;
	s21 =	sadd.s32 s0, s25  }
0x17: {  	s22 =	sadd.s32 s22, s2;
	s24 =	simm.s32 $0x2800;
	s26 =	sshrl.u32 s23, $0x3  }
0x18: {  	v0 =	vimm.f32 $0.0e+00;
	s25 =	simm.s32 $0x2;
	s23 =	sadd.s32 s0, s26;
	s26 =	simm.s32 $0x1400  }
.LBB2_1:
0x19: {  	s0 =	sand.u32 $0xFE00, s3  }
0x1a: {  	s4 =	sand.u32 $0x70, s3;
	s6 =	sshrl.u32 s0, $0x2  }
0x1b: {  	s0 =	simm.s32 $0x40;
	s6 =	sor.u32 s4, s6;
	s4 =	simm.s32 $0x0  }
.LBB2_2:
0x1c: {  	p0 =	sne.s32 s0, $0xFFC0  }
0x1d: {  	[tilespmem:s6+$0x2800] =	vst v0;
	s4 =	sadd.s32 $0x10, s4;
	s6 =	smov.u32 s0;
	s0 =	sadd.s32 $0x40, s0  }
.Ltmp0:
0x1e: {  	(pc) =	sbr.rel @p0 .LBB2_2-.Ltmp0, $4  }
0x1f: {  	_ = 	snop  }
0x20: {  	s6 =	sand.u32 $0xFE00, s6  }
0x21: {  	s7 =	sand.u32 $0x70, s4;
	s6 =	sshrl.u32 s6, $0x2  }
0x22: {  	s6 =	sor.u32 s7, s6  }
0x23: {  	[tilespmem:s6+$0x2800] =	vst v0  }
0x24: {  	[spmem:s5] =	stream.linear.scatter [tilespmem:s24], [sflag:$0x2], $0x4000, $0x38;
	[tilespmem:$0x1E800] =	vst v63  }
0x25: {  	_ =	swait.ge [sflag:s25], $0x4000  }
0x26: {  	[sflag:s25] =	ssyncset.done $0x0  }
0x27: {  	s0 =	rddreg [dreg:$0x5];
	[sflag:s25] =	ssyncadd.s32 $0xFFFFC000  }
0x28: {  	[spmem:s0] =	stream.linear.scatter [tilespmem:s24], [sflag:$0x2], $0x4000, $0x38;
	[tilespmem:$0x1E800] =	vst v63  }
0x29: {  	_ =	swait.ge [sflag:s25], $0x4000  }
0x2a: {  	[sflag:s25] =	ssyncset.done $0x0  }
0x2b: {  	[sflag:s25] =	ssyncadd.s32 $0xFFFFC000  }
0x2c: {  	[spmem:s8] =	stream.linear.scatter [tilespmem:s24], [sflag:$0x2], $0x4000, $0x38;
	[tilespmem:$0x1E800] =	vst v63  }
0x2d: {  	_ =	swait.ge [sflag:s25], $0x4000  }
0x2e: {  	[sflag:s25] =	ssyncset.done $0x0  }
0x2f: {  	[sflag:s25] =	ssyncadd.s32 $0xFFFFC000  }
0x30: {  	[spmem:s9] =	stream.linear.scatter [tilespmem:s24], [sflag:$0x2], $0x4000, $0x38;
	[tilespmem:$0x1E800] =	vst v63  }
0x31: {  	_ =	swait.ge [sflag:s25], $0x4000  }
0x32: {  	[sflag:s25] =	ssyncset.done $0x0  }
0x33: {  	[sflag:s25] =	ssyncadd.s32 $0xFFFFC000  }
0x34: {  	[spmem:s10] =	stream.linear.scatter [tilespmem:s24], [sflag:$0x2], $0x4000, $0x38;
	[tilespmem:$0x1E800] =	vst v63  }
0x35: {  	_ =	swait.ge [sflag:s25], $0x4000  }
0x36: {  	[sflag:s25] =	ssyncset.done $0x0  }
0x37: {  	[sflag:s25] =	ssyncadd.s32 $0xFFFFC000  }
0x38: {  	s6 =	simm.s32 $0x0;
	[bflag:$0x0] =	sbarrier.arrive $0xFFFF  }
0x39: {  	[tilespmem:s6], [sflag:$0x2] =	stream.linear.gather [hbm4b:s11+s6], $0x1400, $0x38;
	[tilespmem:$0x1E800] =	vst v63  }
0x3a: {  	_ =	swait.ge [sflag:s25], $0x1400  }
0x3b: {  	[sflag:s25] =	ssyncset.done $0x0  }
0x3c: {  	[sflag:s25] =	ssyncadd.s32 $0xFFFFEC00  }
0x3d: {  	[tilespmem:s26], [sflag:$0x2] =	stream.linear.gather [hbm4b:s12+s6], $0x1400, $0x38;
	[tilespmem:$0x1E800] =	vst v63  }
0x3e: {  	_ =	swait.ge [sflag:s25], $0x1400  }
0x3f: {  	[sflag:s25] =	ssyncset.done $0x0  }
0x40: {  	s7 =	simm.s32 $0x0;
	[sflag:s25] =	ssyncadd.s32 $0xFFFFEC00  }
0x41: {  	[tilespmem:s24], [sflag:$0x1] =	stream.indirect.gather [hbm4b:s1+s28], $0x80, s7, s28, $0xb8;
	[tilespmem:$0x1E800] =	vst v63  }
0x42: {  	s4 =	simm.s32 $0x80  }
0x43: {  	[tilespmem:s29], [sflag:$0x1] =	stream.indirect.gather [hbm4b:s1+s28], $0x80, s4, s28, $0xb8;
	[tilespmem:$0x1E800] =	vst v63  }
0x44: {  	_ =	swait.ge [sflag:s30], $0x4000  }
0x45: {  	[sflag:s30] =	ssyncset.done $0x0  }
0x46: {  	s6 =	simm.s32 $0x1400;
	[sflag:s30] =	ssyncadd.s32 $0xFFFFC000  }
0x47: {  	[spmem:s2] =	stream.indirect.scatter.add.f32 [tilespmem:s24], [sflag:$0x2], $0x80, s6, s28, $0xb8;
	[tilespmem:$0x1E800] =	vst v63  }
0x48: {  	_ =	swait.ge [sflag:s25], $0x4000  }
0x49: {  	[sflag:s25] =	ssyncset.done $0x0  }
0x4a: {  	[sflag:s25] =	ssyncadd.s32 $0xFFFFC000  }
0x4b: {  	_ =	swait.ge [sflag:s30], $0x4000  }
0x4c: {  	[sflag:s30] =	ssyncset.done $0x0  }
0x4d: {  	s7 =	simm.s32 $0x1480;
	[sflag:s30] =	ssyncadd.s32 $0xFFFFC000  }
0x4e: {  	[spmem:s2] =	stream.indirect.scatter.add.f32 [tilespmem:s29], [sflag:$0x2], $0x80, s7, s28, $0xb8;
	[tilespmem:$0x1E800] =	vst v63  }
0x4f: {  	_ =	swait.ge [sflag:s25], $0x4000  }
0x50: {  	s0 =	simm.s32 $0x400;
	s4 =	simm.s32 $0x800;
	[sflag:s25] =	ssyncset.done $0x0  }
.LBB2_4:
0x51: {  	s6 =	sshra.s32 s0, $0x2  }
0x52: {  	[sflag:s25] =	ssyncadd.s32 $0xFFFFC000;
	s0 =	smov.u32 s4;
	s7 =	sadd.s32 $0x400, s4  }
0x53: {  	[tilespmem:s24], [sflag:$0x1] =	stream.indirect.gather [hbm4b:s1+s28], $0x80, s6, s28, $0xb8;
	[tilespmem:$0x1E800] =	vst v63  }
0x54: {  	p0 =	sne.s32 s4, $0x4C00;
	s4 =	sadd.s32 $0x80, s6  }
0x55: {  	[tilespmem:s29], [sflag:$0x1] =	stream.indirect.gather [hbm4b:s1+s28], $0x80, s4, s28, $0xb8;
	[tilespmem:$0x1E800] =	vst v63  }
0x56: {  	_ =	swait.ge [sflag:s30], $0x4000  }
0x57: {  	[sflag:s30] =	ssyncset.done $0x0  }
0x58: {  	s4 =	sadd.s32 $0x1400, s6;
	[sflag:s30] =	ssyncadd.s32 $0xFFFFC000  }
0x59: {  	[spmem:s2] =	stream.indirect.scatter.add.f32 [tilespmem:s24], [sflag:$0x2], $0x80, s4, s28, $0xb8;
	[tilespmem:$0x1E800] =	vst v63  }
0x5a: {  	_ =	swait.ge [sflag:s25], $0x4000  }
0x5b: {  	[sflag:s25] =	ssyncset.done $0x0  }
0x5c: {  	[sflag:s25] =	ssyncadd.s32 $0xFFFFC000  }
0x5d: {  	_ =	swait.ge [sflag:s30], $0x4000  }
.Ltmp1:
0x5e: {  	[sflag:s30] =	ssyncset.done $0x0;
	(pc) =	sbr.rel @p0 .LBB2_4-.Ltmp1, $4  }
0x5f: {  	s4 =	sadd.s32 $0x1480, s6;
	[sflag:s30] =	ssyncadd.s32 $0xFFFFC000  }
0x60: {  	[spmem:s2] =	stream.indirect.scatter.add.f32 [tilespmem:s29], [sflag:$0x2], $0x80, s4, s28, $0xb8;
	[tilespmem:$0x1E800] =	vst v63  }
0x61: {  	_ =	swait.ge [sflag:s25], $0x4000  }
0x62: {  	s4 =	smov.u32 s7;
	[sflag:s25] =	ssyncset.done $0x0  }
0x63: {  	s0 =	sshra.s32 s0, $0x2;
	[sflag:s25] =	ssyncadd.s32 $0xFFFFC000  }
0x64: {  	[tilespmem:s24], [sflag:$0x1] =	stream.indirect.gather [hbm4b:s1+s28], $0x80, s0, s28, $0xb8;
	[tilespmem:$0x1E800] =	vst v63  }
0x65: {  	s4 =	sadd.s32 $0x80, s0  }
0x66: {  	[tilespmem:s29], [sflag:$0x1] =	stream.indirect.gather [hbm4b:s1+s28], $0x80, s4, s28, $0xb8;
	[tilespmem:$0x1E800] =	vst v63  }
0x67: {  	_ =	swait.ge [sflag:s30], $0x4000  }
0x68: {  	[sflag:s30] =	ssyncset.done $0x0  }
0x69: {  	s7 =	sadd.s32 $0x1400, s0;
	[sflag:s30] =	ssyncadd.s32 $0xFFFFC000  }
0x6a: {  	[spmem:s2] =	stream.indirect.scatter.add.f32 [tilespmem:s24], [sflag:$0x2], $0x80, s7, s28, $0xb8;
	[tilespmem:$0x1E800] =	vst v63  }
0x6b: {  	_ =	swait.ge [sflag:s25], $0x4000  }
0x6c: {  	[sflag:s25] =	ssyncset.done $0x0  }
0x6d: {  	[sflag:s25] =	ssyncadd.s32 $0xFFFFC000  }
0x6e: {  	_ =	swait.ge [sflag:s30], $0x4000  }
0x6f: {  	[sflag:s30] =	ssyncset.done $0x0  }
0x70: {  	s0 =	sadd.s32 $0x1480, s0;
	[sflag:s30] =	ssyncadd.s32 $0xFFFFC000  }
0x71: {  	[spmem:s2] =	stream.indirect.scatter.add.f32 [tilespmem:s29], [sflag:$0x2], $0x80, s0, s28, $0xb8;
	[tilespmem:$0x1E800] =	vst v63  }
0x72: {  	_ =	swait.ge [sflag:s25], $0x4000  }
0x73: {  	[sflag:s25] =	ssyncset.done $0x0  }
0x74: {  	s6 =	simm.s32 $0x0;
	[sflag:s25] =	ssyncadd.s32 $0xFFFFC000  }
0x75: {  	[tilespmem:s6], [sflag:$0x2] =	stream.linear.gather [hbm4b:s13+s6], $0x1400, $0x38;
	[tilespmem:$0x1E800] =	vst v63  }
0x76: {  	_ =	swait.ge [sflag:s25], $0x1400  }
0x77: {  	[sflag:s25] =	ssyncset.done $0x0  }
0x78: {  	[sflag:s25] =	ssyncadd.s32 $0xFFFFEC00  }
0x79: {  	[tilespmem:s26], [sflag:$0x2] =	stream.linear.gather [hbm4b:s14+s6], $0x1400, $0x38;
	[tilespmem:$0x1E800] =	vst v63  }
0x7a: {  	_ =	swait.ge [sflag:s25], $0x1400  }
0x7b: {  	[sflag:s25] =	ssyncset.done $0x0  }
0x7c: {  	s7 =	simm.s32 $0x0;
	[sflag:s25] =	ssyncadd.s32 $0xFFFFEC00  }
0x7d: {  	[tilespmem:s24], [sflag:$0x1] =	stream.indirect.gather [hbm4b:s1+s28], $0x80, s7, s28, $0xb8;
	[tilespmem:$0x1E800] =	vst v63  }
0x7e: {  	s4 =	simm.s32 $0x80  }
0x7f: {  	[tilespmem:s29], [sflag:$0x1] =	stream.indirect.gather [hbm4b:s1+s28], $0x80, s4, s28, $0xb8;
	[tilespmem:$0x1E800] =	vst v63  }
0x80: {  	_ =	swait.ge [sflag:s30], $0x4000  }
0x81: {  	[sflag:s30] =	ssyncset.done $0x0  }
0x82: {  	s6 =	simm.s32 $0x1400;
	[sflag:s30] =	ssyncadd.s32 $0xFFFFC000  }
0x83: {  	[spmem:s2] =	stream.indirect.scatter.add.f32 [tilespmem:s24], [sflag:$0x2], $0x80, s6, s28, $0xb8;
	[tilespmem:$0x1E800] =	vst v63  }
0x84: {  	_ =	swait.ge [sflag:s25], $0x4000  }
0x85: {  	[sflag:s25] =	ssyncset.done $0x0  }
0x86: {  	[sflag:s25] =	ssyncadd.s32 $0xFFFFC000  }
0x87: {  	_ =	swait.ge [sflag:s30], $0x4000  }
0x88: {  	[sflag:s30] =	ssyncset.done $0x0  }
0x89: {  	s7 =	simm.s32 $0x1480;
	[sflag:s30] =	ssyncadd.s32 $0xFFFFC000  }
0x8a: {  	[spmem:s2] =	stream.indirect.scatter.add.f32 [tilespmem:s29], [sflag:$0x2], $0x80, s7, s28, $0xb8;
	[tilespmem:$0x1E800] =	vst v63  }
0x8b: {  	_ =	swait.ge [sflag:s25], $0x4000  }
0x8c: {  	s0 =	simm.s32 $0x400;
	s4 =	simm.s32 $0x800;
	[sflag:s25] =	ssyncset.done $0x0  }
.LBB2_6:
0x8d: {  	s6 =	sshra.s32 s0, $0x2  }
0x8e: {  	[sflag:s25] =	ssyncadd.s32 $0xFFFFC000;
	s0 =	smov.u32 s4;
	s7 =	sadd.s32 $0x400, s4  }
0x8f: {  	[tilespmem:s24], [sflag:$0x1] =	stream.indirect.gather [hbm4b:s1+s28], $0x80, s6, s28, $0xb8;
	[tilespmem:$0x1E800] =	vst v63  }
0x90: {  	p0 =	sne.s32 s4, $0x4C00;
	s4 =	sadd.s32 $0x80, s6  }
0x91: {  	[tilespmem:s29], [sflag:$0x1] =	stream.indirect.gather [hbm4b:s1+s28], $0x80, s4, s28, $0xb8;
	[tilespmem:$0x1E800] =	vst v63  }
0x92: {  	_ =	swait.ge [sflag:s30], $0x4000  }
0x93: {  	[sflag:s30] =	ssyncset.done $0x0  }
0x94: {  	s4 =	sadd.s32 $0x1400, s6;
	[sflag:s30] =	ssyncadd.s32 $0xFFFFC000  }
0x95: {  	[spmem:s2] =	stream.indirect.scatter.add.f32 [tilespmem:s24], [sflag:$0x2], $0x80, s4, s28, $0xb8;
	[tilespmem:$0x1E800] =	vst v63  }
0x96: {  	_ =	swait.ge [sflag:s25], $0x4000  }
0x97: {  	[sflag:s25] =	ssyncset.done $0x0  }
0x98: {  	[sflag:s25] =	ssyncadd.s32 $0xFFFFC000  }
0x99: {  	_ =	swait.ge [sflag:s30], $0x4000  }
.Ltmp2:
0x9a: {  	[sflag:s30] =	ssyncset.done $0x0;
	(pc) =	sbr.rel @p0 .LBB2_6-.Ltmp2, $4  }
0x9b: {  	s4 =	sadd.s32 $0x1480, s6;
	[sflag:s30] =	ssyncadd.s32 $0xFFFFC000  }
0x9c: {  	[spmem:s2] =	stream.indirect.scatter.add.f32 [tilespmem:s29], [sflag:$0x2], $0x80, s4, s28, $0xb8;
	[tilespmem:$0x1E800] =	vst v63  }
0x9d: {  	_ =	swait.ge [sflag:s25], $0x4000  }
0x9e: {  	s4 =	smov.u32 s7;
	[sflag:s25] =	ssyncset.done $0x0  }
0x9f: {  	s0 =	sshra.s32 s0, $0x2;
	[sflag:s25] =	ssyncadd.s32 $0xFFFFC000  }
0xa0: {  	[tilespmem:s24], [sflag:$0x1] =	stream.indirect.gather [hbm4b:s1+s28], $0x80, s0, s28, $0xb8;
	[tilespmem:$0x1E800] =	vst v63  }
0xa1: {  	s4 =	sadd.s32 $0x80, s0  }
0xa2: {  	[tilespmem:s29], [sflag:$0x1] =	stream.indirect.gather [hbm4b:s1+s28], $0x80, s4, s28, $0xb8;
	[tilespmem:$0x1E800] =	vst v63  }
0xa3: {  	_ =	swait.ge [sflag:s30], $0x4000  }
0xa4: {  	[sflag:s30] =	ssyncset.done $0x0  }
0xa5: {  	s6 =	sadd.s32 $0x1400, s0;
	[sflag:s30] =	ssyncadd.s32 $0xFFFFC000  }
0xa6: {  	[spmem:s2] =	stream.indirect.scatter.add.f32 [tilespmem:s24], [sflag:$0x2], $0x80, s6, s28, $0xb8;
	[tilespmem:$0x1E800] =	vst v63  }
0xa7: {  	_ =	swait.ge [sflag:s25], $0x4000  }
0xa8: {  	[sflag:s25] =	ssyncset.done $0x0  }
0xa9: {  	[sflag:s25] =	ssyncadd.s32 $0xFFFFC000  }
0xaa: {  	_ =	swait.ge [sflag:s30], $0x4000  }
0xab: {  	[sflag:s30] =	ssyncset.done $0x0  }
0xac: {  	s0 =	sadd.s32 $0x1480, s0;
	[sflag:s30] =	ssyncadd.s32 $0xFFFFC000  }
0xad: {  	[spmem:s2] =	stream.indirect.scatter.add.f32 [tilespmem:s29], [sflag:$0x2], $0x80, s0, s28, $0xb8;
	[tilespmem:$0x1E800] =	vst v63  }
0xae: {  	_ =	swait.ge [sflag:s25], $0x4000  }
0xaf: {  	[sflag:s25] =	ssyncset.done $0x0  }
0xb0: {  	[sflag:s25] =	ssyncadd.s32 $0xFFFFC000  }
0xb1: {  	[bflag:$0x0] =	sbarrier.arrive $0xFFFF  }
0xb2: {  	[tilespmem:s24], [sflag:$0x2] =	stream.linear.gather [spmem:s5], $0x4000, $0x38;
	[tilespmem:$0x1E800] =	vst v63  }
0xb3: {  	_ =	swait.ge [sflag:s25], $0x4000  }
0xb4: {  	[sflag:s25] =	ssyncset.done $0x0  }
0xb5: {  	[sflag:s25] =	ssyncadd.s32 $0xFFFFC000  }
0xb6: {  	[hbm4b:s15+s3] =	stream.linear.scatter [tilespmem:s24], [sflag:$0x2], $0x4000, $0x38;
	[tilespmem:$0x1E800] =	vst v63  }
0xb7: {  	_ =	swait.ge [sflag:s25], $0x4000  }
0xb8: {  	[sflag:s25] =	ssyncset.done $0x0  }
0xb9: {  	[sflag:s25] =	ssyncadd.s32 $0xFFFFC000  }
0xba: {  	[tilespmem:s24], [sflag:$0x2] =	stream.linear.gather [spmem:s16], $0x4000, $0x38;
	[tilespmem:$0x1E800] =	vst v63  }
0xbb: {  	_ =	swait.ge [sflag:s25], $0x4000  }
0xbc: {  	[sflag:s25] =	ssyncset.done $0x0  }
0xbd: {  	[sflag:s25] =	ssyncadd.s32 $0xFFFFC000  }
0xbe: {  	[hbm4b:s17+s3] =	stream.linear.scatter [tilespmem:s24], [sflag:$0x2], $0x4000, $0x38;
	[tilespmem:$0x1E800] =	vst v63  }
0xbf: {  	_ =	swait.ge [sflag:s25], $0x4000  }
0xc0: {  	[sflag:s25] =	ssyncset.done $0x0  }
0xc1: {  	[sflag:s25] =	ssyncadd.s32 $0xFFFFC000  }
0xc2: {  	[tilespmem:s24], [sflag:$0x2] =	stream.linear.gather [spmem:s18], $0x4000, $0x38;
	[tilespmem:$0x1E800] =	vst v63  }
0xc3: {  	_ =	swait.ge [sflag:s25], $0x4000  }
0xc4: {  	[sflag:s25] =	ssyncset.done $0x0  }
0xc5: {  	[sflag:s25] =	ssyncadd.s32 $0xFFFFC000  }
0xc6: {  	[hbm4b:s19+s3] =	stream.linear.scatter [tilespmem:s24], [sflag:$0x2], $0x4000, $0x38;
	[tilespmem:$0x1E800] =	vst v63  }
0xc7: {  	_ =	swait.ge [sflag:s25], $0x4000  }
0xc8: {  	[sflag:s25] =	ssyncset.done $0x0  }
0xc9: {  	[sflag:s25] =	ssyncadd.s32 $0xFFFFC000  }
0xca: {  	[tilespmem:s24], [sflag:$0x2] =	stream.linear.gather [spmem:s20], $0x4000, $0x38;
	[tilespmem:$0x1E800] =	vst v63  }
0xcb: {  	_ =	swait.ge [sflag:s25], $0x4000  }
0xcc: {  	[sflag:s25] =	ssyncset.done $0x0  }
0xcd: {  	[sflag:s25] =	ssyncadd.s32 $0xFFFFC000  }
0xce: {  	[hbm4b:s21+s3] =	stream.linear.scatter [tilespmem:s24], [sflag:$0x2], $0x4000, $0x38;
	[tilespmem:$0x1E800] =	vst v63  }
0xcf: {  	_ =	swait.ge [sflag:s25], $0x4000  }
0xd0: {  	[sflag:s25] =	ssyncset.done $0x0  }
0xd1: {  	[sflag:s25] =	ssyncadd.s32 $0xFFFFC000  }
0xd2: {  	[tilespmem:s24], [sflag:$0x2] =	stream.linear.gather [spmem:s22], $0x4000, $0x38;
	[tilespmem:$0x1E800] =	vst v63  }
0xd3: {  	_ =	swait.ge [sflag:s25], $0x4000  }
0xd4: {  	[sflag:s25] =	ssyncset.done $0x0  }
0xd5: {  	[sflag:s25] =	ssyncadd.s32 $0xFFFFC000  }
0xd6: {  	[hbm4b:s23+s3] =	stream.linear.scatter [tilespmem:s24], [sflag:$0x2], $0x4000, $0x38;
	[tilespmem:$0x1E800] =	vst v63  }
0xd7: {  	_ =	swait.ge [sflag:s25], $0x4000  }
0xd8: {  	s31 =	sadd.s32 $0x1, s31;
	s7 =	rddreg [dreg:$0x4]  }
0xd9: {  	p0 =	sne.s32 s31, s7  }
.Ltmp3:
0xda: {  	_ = 	snop;
	(pc) =	sbr.rel @p0 .LBB2_1-.Ltmp3, $3  }
0xdb: {  	_ =	sdelay $0x1  }
0xdc: {  	[sflag:s25] =	ssyncset.done $0x0  }
0xdd: {  	[sflag:s25] =	ssyncadd.s32 $0xFFFFC000  }
0xde: {  	_ =	sfence.sel $0x180000  }
0xdf: {  	[bflag:$0x0] =	sbarrier.arrive $0xFFFF  }
0xe0: {  	_ =	strace $0x9000004D  }
0xe1: {  	s0 =	stileid.u32;
	[bflag:$0x2] =	sbarrier.arrive $0xFFFF  }
0xe2: {  	p0 =	sne.s32 s0, $0x0;
	s0 =	rddreg [dreg:$0x3]  }
0xe3: {  	s0 =	sadd.s32 @!p0 $0x100000, s0  }
0xe4: {  	[sflag:s0] =	ssyncadd.tile.s32 @!p0 $0x1;
	_ =	shalt  }
.Lfunc_end2:
_tile_overlayer_lowered:
.L_overlay_start_2:
0xe5: {  	(tag) =	ssettag $0x2  }
0xe6: {  	s0 =	rddreg [dreg:$0x0];
	s2 =	stileid.u32  }
0xe7: {  	s1 =	rddreg [dreg:$0x1];
	p0 =	sne.s32 s2, $0x0  }
0xe8: {  	s3 =	rddreg [dreg:$0x2];
	[bflag:$0x3] =	sbarrier.arrive $0xFFFF;
	s2 =	simm.s32 @!p0 $0x1C02  }
0xe9: {  	[timem:s3], [sflag:s2] =	dma.local @!p0 [hbm:s0], s1  }
0xea: {  	s0 =	simm.s32 @!p0 $0x2  }
0xeb: {  	_ =	swait.ge @!p0 [sflag:s0], s1  }
0xec: {  	s1 =	ssub.s32 @!p0 $0x0, s1;
	[sflag:s0] =	ssyncset.done @!p0 $0x0  }
0xed: {  	[sflag:s0] =	ssyncadd.s32 @!p0 s1  }
0xee: {  	[bflag:$0x3] =	sbarrier.arrive $0xFFFF  }
0xef: {  	_ =	shalt  }

// kernel: kernel.18.cloned.1.call-start
scs
__scs_entry_jumppad:
0x0: {  	(pc) =	sbr.rel $0x88, $3  }
0x1: {  	(tag) =	ssettag $0x0;
	lr =	simm.s32 $0x1  }
0x2: {  	[smem:$0x3F96] =	sst lr;
	_ =	strace $0xD0000000  }
0x3: {  	_ = 	snop  }
0x4: {  	_ = 	snop  }
0x5: {  	_ = 	snop  }
0x6: {  	_ = 	snop  }
0x7: {  	_ = 	snop  }
__scs_overlays_trampoline_lowered:
0x8: {  	[smem:$0x3FA5] =	sst s0  }
0x9: {  	[smem:$0x3FA6] =	sst s1  }
0xa: {  	[smem:$0x3FA7] =	sst s2  }
0xb: {  	[smem:$0x3FA8] =	sst s3  }
0xc: {  	[smem:$0x3FA9] =	sst s4  }
0xd: {  	[smem:$0x3FAA] =	sst s5  }
0xe: {  	[smem:$0x3FAB] =	sst s6  }
0xf: {  	[smem:$0x3FAC] =	sst s7  }
0x10: {  	[smem:$0x3FAD] =	sst s8  }
0x11: {  	[smem:$0x3FAE] =	sst s9;
	s0 =	simm.s32 @!p0 $0x0  }
0x12: {  	s1 =	sld [smem:$0x3F94];
	s0 =	simm.s32 @p0 $0x1  }
0x13: {  	[smem:$0x3FAF] =	sst s0;
	s0 =	simm.s32 @!p1 $0x0  }
0x14: {  	s2 =	sld [smem:$0x3F93];
	s0 =	simm.s32 @p1 $0x1  }
0x15: {  	[smem:$0x3FB0] =	sst s0;
	s0 =	simm.s32 @!p2 $0x0  }
0x16: {  	s3 =	sld [smem:$0x3FDB];
	s0 =	simm.s32 @p2 $0x1  }
0x17: {  	s4 =	simm.s32 $0x1BF5;
	[smem:$0x3FB2] =	sst s0  }
0x18: {  	s0 =	sld [smem:$0x3F95];
	_ =	swait.ge [sflag:s4], $0x0  }
0x19: {  	s7 =	sld [smem:$0x3F96]  }
0x1a: {  	s8 =	sadd.s32 $0xFFFFE003, lr  }
0x1b: {  	s9 =	sadd.s32 $0xFFFFFEF7, lr;
	s5 =	simm.s32 $0xFFFFFFFF;
	p2 =	slt.u32 s8, $0xFFFFF086  }
0x1c: {  	p1 =	slt.u32 s9, $0xF7A;
	s5 =	simm.s32 @!p2 $0x0  }
0x1d: {  	s5 =	simm.s32 @p1 $0x1;
	p0 =	seq.s32 s7, s2  }
0x1e: {  	s7 =	smul.u32 @!p0 $0xF7A, s2;
	p2 =	seq.s32 @!p0 s5, $0x0  }
0x1f: {  	s9 =	smul.u32 $0xF7A, s1;
	s8 =	simm.s32 @!p0 $0x1BF5;
	p2 =	por !p2, p0  }
0x20: {  	[sflag:s8] =	ssyncset.s32 @!p0 $0xFFFFF086;
	s6 =	sadd.s32 @!p0 s3, s7;
	s7 =	simm.s32 @!p0 $0x108  }
0x21: {  	s3 =	sadd.s32 s3, s9;
	s6 =	sadd.s32 @!p0 $0x88, s6;
	s7 =	simm.s32 @p2 $0x1082  }
0x22: {  	[simem:s7], [sflag:s8] =	dma.local @!p0 [hbm:s6], $0xF7A  }
0x23: {  	s9 =	sor.u32 $0xD0000000, s2;
	s6 =	simm.s32 $0x108;
	_ =	swait.ge @!p0 [sflag:s8], $0x0  }
0x24: {  	s3 =	sadd.s32 $0x88, s3;
	s6 =	simm.s32 @!p1 $0x1082;
	[sflag:s4] =	ssyncset.s32 $0xFFFFF086  }
0x25: {  	[simem:s6], [sflag:s4] =	dma.local [hbm:s3], $0xF7A  }
0x26: {  	[smem:$0x3F96] =	sst s1;
	(tag) =	ssettag s2;
	_ =	strace s9  }
0x27: {  	s1 =	sld [smem:$0x3FA6]  }
0x28: {  	s2 =	sld [smem:$0x3FA7]  }
0x29: {  	s4 =	sld [smem:$0x3FA9]  }
0x2a: {  	p0 =	seq.s32 s5, $0x0;
	s5 =	sld [smem:$0x3FAA]  }
0x2b: {  	s6 =	sld [smem:$0x3FAB]  }
0x2c: {  	s7 =	sld [smem:$0x3FAC]  }
0x2d: {  	s3 =	simm.s32 $0x108;
	s8 =	sld [smem:$0x3FAD]  }
0x2e: {  	s3 =	simm.s32 @!p0 $0x1082;
	s9 =	sld [smem:$0x3FAE]  }
0x2f: {  	lr =	sadd.s32 s0, s3;
	s0 =	sld [smem:$0x3FA5]  }
0x30: {  	s3 =	sld [smem:$0x3FA8]  }
0x31: {  	[smem:$0x3FB1] =	sst s10  }
0x32: {  	s10 =	sld [smem:$0x3FAF];
	_ =	sdelay $0x3  }
0x33: {  	p0 =	seq.s32 s10, $0x1;
	s10 =	sld [smem:$0x3FB1];
	_ =	sdelay $0x3  }
0x34: {  	[smem:$0x3FB1] =	sst s10  }
0x35: {  	s10 =	sld [smem:$0x3FB0];
	_ =	sdelay $0x3  }
0x36: {  	p1 =	seq.s32 s10, $0x1;
	s10 =	sld [smem:$0x3FB1];
	_ =	sdelay $0x3  }
0x37: {  	[smem:$0x3FB1] =	sst s10  }
0x38: {  	s10 =	sld [smem:$0x3FB2]  }
0x39: {  	_ = 	snop;
	(pc) =	sbr.ind lr, $3  }
0x3a: {  	_ = 	snop  }
0x3b: {  	_ = 	snop  }
0x3c: {  	p2 =	seq.s32 s10, $0x1;
	s10 =	sld [smem:$0x3FB1]  }
0x3d: {  	_ =	shalt  }
0x3e: {  	_ =	shalt  }
0x3f: {  	_ =	shalt  }
0x40: {  	_ =	shalt  }
0x41: {  	_ =	shalt  }
0x42: {  	_ =	shalt  }
0x43: {  	_ =	shalt  }
0x44: {  	_ =	shalt  }
0x45: {  	_ =	shalt  }
0x46: {  	_ =	shalt  }
0x47: {  	_ =	shalt  }
0x48: {  	_ =	shalt  }
0x49: {  	_ =	shalt  }
0x4a: {  	_ =	shalt  }
0x4b: {  	_ =	shalt  }
0x4c: {  	_ =	shalt  }
0x4d: {  	_ =	shalt  }
0x4e: {  	_ =	shalt  }
0x4f: {  	_ =	shalt  }
0x50: {  	_ =	shalt  }
0x51: {  	_ =	shalt  }
0x52: {  	_ =	shalt  }
0x53: {  	_ =	shalt  }
0x54: {  	_ =	shalt  }
0x55: {  	_ =	shalt  }
0x56: {  	_ =	shalt  }
0x57: {  	_ =	shalt  }
0x58: {  	_ =	shalt  }
0x59: {  	_ =	shalt  }
0x5a: {  	_ =	shalt  }
0x5b: {  	_ =	shalt  }
0x5c: {  	_ =	shalt  }
0x5d: {  	_ =	shalt  }
0x5e: {  	_ =	shalt  }
0x5f: {  	_ =	shalt  }
0x60: {  	_ =	shalt  }
0x61: {  	_ =	shalt  }
0x62: {  	_ =	shalt  }
0x63: {  	_ =	shalt  }
0x64: {  	_ =	shalt  }
0x65: {  	_ =	shalt  }
0x66: {  	_ =	shalt  }
0x67: {  	_ =	shalt  }
0x68: {  	_ =	shalt  }
0x69: {  	_ =	shalt  }
0x6a: {  	_ =	shalt  }
0x6b: {  	_ =	shalt  }
0x6c: {  	_ =	shalt  }
0x6d: {  	_ =	shalt  }
0x6e: {  	_ =	shalt  }
0x6f: {  	_ =	shalt  }
0x70: {  	_ =	shalt  }
0x71: {  	_ =	shalt  }
0x72: {  	_ =	shalt  }
0x73: {  	_ =	shalt  }
0x74: {  	_ =	shalt  }
0x75: {  	_ =	shalt  }
0x76: {  	_ =	shalt  }
0x77: {  	_ =	shalt  }
0x78: {  	_ =	shalt  }
0x79: {  	_ =	shalt  }
0x7a: {  	_ =	shalt  }
0x7b: {  	_ =	shalt  }
0x7c: {  	_ =	shalt  }
0x7d: {  	_ =	shalt  }
0x7e: {  	_ =	shalt  }
0x7f: {  	_ =	shalt  }
0x80: {  	_ =	shalt  }
0x81: {  	_ =	shalt  }
0x82: {  	_ =	shalt  }
0x83: {  	_ =	shalt  }
0x84: {  	_ =	shalt  }
0x85: {  	_ =	shalt  }
0x86: {  	_ =	shalt  }
0x87: {  	_ =	shalt  }
.Lfunc_end0:
.L_simem_size_0:
called_computation.3_lowered:
.L_overlay_start_0:
0x88: {  	s2 =	sld [smem:$0x3FD9]  }
0x89: {  	s3 =	sld [smem:$0x3FFE];
	_ =	sdelay $0x1  }
0x8a: {  	s1 =	srdreg.scid  }
0x8b: {  	s0 =	sand.u32 $0x1, s1  }
0x8c: {  	s17 =	sshll.u32 s0, $0xA;
	s2 =	sadd.s32 s3, s2  }
0x8d: {  	s2 =	sadd.s32 s2, s17  }
0x8e: {  	[smem:$0x3FBD] =	sst s2  }
0x8f: {  	_ = 	snop  }
0x90: {  	s2 =	sld [smem:$0x3FD0];
	(tm) =	ssettm $0x1  }
0x91: {  	s18 =	sld [smem:$0x3FFB];
	_ =	sdelay $0x3  }
0x92: {  	_ =	strace s18  }
0x93: {  	s3 =	sld [smem:$0x3FFC];
	_ =	sdelay $0x3  }
0x94: {  	_ =	strace s3  }
0x95: {  	s3 =	sld [smem:$0x3FFD];
	_ =	sdelay $0x3  }
0x96: {  	_ =	strace s3  }
0x97: {  	_ =	strace $0x8FFFFFFF  }
0x98: {  	s19 =	sld [smem:$0x3FDB];
	_ =	sdelay $0x1  }
0x99: {  	s4 =	simm.s32 $_scs_section_size  }
0x9a: {  	s5 =	simm.s32 $_size__tile_overlayer_lowered;
	s6 =	simm.s32 $_tile_overlayer_lowered  }
0x9b: {  	s22 =	simm.s32 $0x1BFF;
	s21 =	sshll.u32 s6, $0x1;
	s3 =	sadd.s32 s4, s19  }
0x9c: {  	s7 =	simm.s32 $0x0;
	s20 =	sshll.u32 s5, $0x1;
	s5 =	sadd.s32 s21, s3  }
0x9d: {  	[timem:s7], [sflag:s22] =	dma.local [hbm:s5], s20  }
0x9e: {  	_ =	swait.ge [sflag:s22], s20  }
0x9f: {  	s4 =	ssub.s32 $0x0, s20;
	[sflag:s22] =	ssyncset.done $0x0  }
0xa0: {  	[sflag:s22] =	ssyncadd.s32 s4;
	_ =	sdelay $0x1  }
0xa1: {  	s23 =	simm.s32 $0x1B8B  }
0xa2: {  	_ =	swait.ge [sflag:s23], $0x1  }
0xa3: {  	[sflag:s23] =	ssyncset.done $0x0  }
0xa4: {  	s25 =	simm.s32 $0x1B8E;
	s24 =	sld [smem:$0x3FFE];
	[sflag:s23] =	ssyncadd.s32 $0xFFFFFFFF  }
0xa5: {  	s26 =	simm.s32 $execute0_lowered;
	[smem:$0x3FD2] =	sst s25  }
0xa6: {  	s5 =	sshll.u32 s26, $0x1;
	_ =	strace $0x8000004F;
	[dreg:$0x1] =	wrdreg $0xFFFFFFFF  }
0xa7: {  	s28 =	simm.s32 $_size_execute0_lowered;
	s3 =	sadd.s32 s3, s5;
	[dreg:$0x0] =	wrdreg $0x0  }
0xa8: {  	s5 =	sshll.u32 s28, $0x1;
	[dreg:$0x2] =	wrdreg s3  }
0xa9: {  	[dreg:$0x3] =	wrdreg s5  }
0xaa: {  	[dreg:$0x4] =	wrdreg $0xC0  }
0xab: {  	_ =	task [dreg:s7], $0x5FFFF  }
0xac: {  	[dreg:$0x1] =	wrdreg $0xFFFFFFFF  }
0xad: {  	[dreg:$0x0] =	wrdreg $0x60  }
0xae: {  	[dreg:$0x2] =	wrdreg s2  }
0xaf: {  	[dreg:$0x3] =	wrdreg s24  }
0xb0: {  	[dreg:$0x4] =	wrdreg $0xA8000  }
0xb1: {  	[dreg:$0x5] =	wrdreg $0x9  }
0xb2: {  	_ =	task.clear_ibuf [dreg:s7], $0x6FFFF;
	_ =	strace $0x9000004F  }
0xb3: {  	s29 =	simm.s32 $0x9;
	_ =	strace $0x80000051  }
0xb4: {  	_ =	swait.ge [sflag:s29], $0x1  }
0xb5: {  	[sflag:s29] =	ssyncadd.s32 $0xFFFFFFFF  }
0xb6: {  	_ =	strace $0x90000051  }
0xb7: {  	_ =	sfence  }
0xb8: {  	s30 =	sld [smem:$0x0];
	_ =	sdelay $0x2  }
0xb9: {  	s31 =	sshll.u32 s1, $0xD;
	s1 =	sshrl.u32 s1, $0x2  }
0xba: {  	s3 =	sand.u32 $0x4000, s31;
	s1 =	sadd.s32 s1, s30  }
0xbb: {  	s0 =	sor.u32 s3, s0;
	s1 =	sshll.u32 s1, $0x11  }
0xbc: {  	s0 =	sor.u32 s1, s0  }
0xbd: {  	s0 =	sadd.s32 $0x8F2B, s0  }
0xbe: {  	[sflag:s0] =	ssyncadd.remote.s32 $0x1  }
0xbf: {  	_ =	sfence.sel $0xFFFF  }
0xc0: {  	[dreg:$0x0] =	wrdreg $0xFFFFFFFF;
	(pc) =	sbr.abs _section_cstart, $3  }
0xc1: {  	[dreg:$0x1] =	wrdreg $0xFFFFFFFF  }
0xc2: {  	_ =	task.clear_ibuf [dreg:s7], $0x2FFFF;
	_ =	strace $0x9FFFFFFF  }
0xc3: {  	(tm) =	ssettm $0x7FFFFFFF  }
tec
execute0_lowered:
.L_overlay_start_1:
0x0: {  	(tag) =	ssettag $0x1  }
0x1: {  	s1 =	rddreg [dreg:$0x0]  }
0x2: {  	s0 =	rddreg [dreg:$0x1]  }
0x3: {  	s2 =	rddreg [dreg:$0x2]  }
0x4: {  	s3 =	simm.s32 $0x0;
	s5 =	srdreg.scid;
	s12 =	stileid.u32  }
0x5: {  	s28 =	simm.s32 $0x80;
	s29 =	simm.s32 $0x6800;
	s30 =	simm.s32 $0x1  }
0x6: {  	s31 =	simm.s32 $0x0;
	[smem:$0x7FF] =	sst s3;
	s4 =	sadd.s32 $0x3800, s0  }
0x7: {  	s6 =	sadd.s32 $0x17400, s0;
	s7 =	sand.u32 $0x1, s5;
	s17 =	sshll.u32 s12, $0x1  }
0x8: {  	s8 =	smul.u32 $0x50000, s12;
	s0 =	sadd.s32 $0x71400, s0;
	s9 =	ssub.s32 $0x2, s7  }
0x9: {  	_ =	strace $0x80000050;
	s5 =	sor.u32 s7, s17;
	s10 =	sshrl.u32 s9, $0x1  }
0xa: {  	s20 =	smul.u32 $0x140000, s7;
	s8 =	sshrl.u32 s8, $0x2;
	s9 =	ssub.s32 s9, s10  }
0xb: {  	s11 =	smul.u32 $0x2800, s5;
	s5 =	sadd.s32 s8, s2;
	s18 =	smax.u32 s9, $0x1  }
0xc: {  	s19 =	sadd.s32 $0x4000, s5;
	s8 =	sadd.s32 $0x8000, s5;
	s9 =	sadd.s32 $0xC000, s5  }
0xd: {  	s13 =	sshrl.u32 s11, $0x3;
	s10 =	sadd.s32 $0x10000, s5;
	[dreg:$0x4] =	wrdreg s18  }
0xe: {  	[dreg:$0x5] =	wrdreg s19;
	s19 =	smul.u32 $0x14000, s12;
	s14 =	sadd.s32 $0x280, s13  }
0xf: {  	s11 =	sadd.s32 s4, s13;
	s12 =	sadd.s32 s6, s13;
	s13 =	sadd.s32 s4, s14  }
0x10: {  	s14 =	sadd.s32 s6, s14;
	s15 =	sadd.s32 s20, s19;
	s16 =	sadd.s32 $0x4000, s19  }
0x11: {  	s23 =	sadd.s32 $0x8000, s19;
	s24 =	sadd.s32 $0xC000, s19;
	s21 =	sshrl.u32 s15, $0x3  }
0x12: {  	s17 =	sadd.s32 s20, s16;
	s16 =	sadd.s32 s16, s2;
	s18 =	sadd.s32 s23, s2  }
0x13: {  	s4 =	sadd.s32 s20, s23;
	s15 =	sadd.s32 s0, s21;
	s22 =	sshrl.u32 s17, $0x3  }
0x14: {  	s4 =	sshrl.u32 s4, $0x3;
	s21 =	sadd.s32 s20, s24;
	s17 =	sadd.s32 s0, s22  }
0x15: {  	s22 =	sadd.s32 $0x10000, s19;
	s19 =	sadd.s32 s0, s4;
	s25 =	sshrl.u32 s21, $0x3  }
0x16: {  	s23 =	sadd.s32 s20, s22;
	s20 =	sadd.s32 s24, s2;
	s21 =	sadd.s32 s0, s25  }
0x17: {  	s22 =	sadd.s32 s22, s2;
	s24 =	simm.s32 $0x2800;
	s26 =	sshrl.u32 s23, $0x3  }
0x18: {  	v0 =	vimm.f32 $0.0e+00;
	s25 =	simm.s32 $0x2;
	s23 =	sadd.s32 s0, s26;
	s26 =	simm.s32 $0x1400  }
.LBB2_1:
0x19: {  	s0 =	sand.u32 $0xFE00, s3  }
0x1a: {  	s4 =	sand.u32 $0x70, s3;
	s6 =	sshrl.u32 s0, $0x2  }
0x1b: {  	s0 =	simm.s32 $0x40;
	s6 =	sor.u32 s4, s6;
	s4 =	simm.s32 $0x0  }
.LBB2_2:
0x1c: {  	p0 =	sne.s32 s0, $0xFFC0  }
0x1d: {  	[tilespmem:s6+$0x2800] =	vst v0;
	s4 =	sadd.s32 $0x10, s4;
	s6 =	smov.u32 s0;
	s0 =	sadd.s32 $0x40, s0  }
.Ltmp0:
0x1e: {  	(pc) =	sbr.rel @p0 .LBB2_2-.Ltmp0, $4  }
0x1f: {  	_ = 	snop  }
0x20: {  	s6 =	sand.u32 $0xFE00, s6  }
0x21: {  	s7 =	sand.u32 $0x70, s4;
	s6 =	sshrl.u32 s6, $0x2  }
0x22: {  	s6 =	sor.u32 s7, s6  }
0x23: {  	[tilespmem:s6+$0x2800] =	vst v0  }
0x24: {  	[spmem:s5] =	stream.linear.scatter [tilespmem:s24], [sflag:$0x2], $0x4000, $0x38;
	[tilespmem:$0x1E800] =	vst v63  }
0x25: {  	_ =	swait.ge [sflag:s25], $0x4000  }
0x26: {  	[sflag:s25] =	ssyncset.done $0x0  }
0x27: {  	s0 =	rddreg [dreg:$0x5];
	[sflag:s25] =	ssyncadd.s32 $0xFFFFC000  }
0x28: {  	[spmem:s0] =	stream.linear.scatter [tilespmem:s24], [sflag:$0x2], $0x4000, $0x38;
	[tilespmem:$0x1E800] =	vst v63  }
0x29: {  	_ =	swait.ge [sflag:s25], $0x4000  }
0x2a: {  	[sflag:s25] =	ssyncset.done $0x0  }
0x2b: {  	[sflag:s25] =	ssyncadd.s32 $0xFFFFC000  }
0x2c: {  	[spmem:s8] =	stream.linear.scatter [tilespmem:s24], [sflag:$0x2], $0x4000, $0x38;
	[tilespmem:$0x1E800] =	vst v63  }
0x2d: {  	_ =	swait.ge [sflag:s25], $0x4000  }
0x2e: {  	[sflag:s25] =	ssyncset.done $0x0  }
0x2f: {  	[sflag:s25] =	ssyncadd.s32 $0xFFFFC000  }
0x30: {  	[spmem:s9] =	stream.linear.scatter [tilespmem:s24], [sflag:$0x2], $0x4000, $0x38;
	[tilespmem:$0x1E800] =	vst v63  }
0x31: {  	_ =	swait.ge [sflag:s25], $0x4000  }
0x32: {  	[sflag:s25] =	ssyncset.done $0x0  }
0x33: {  	[sflag:s25] =	ssyncadd.s32 $0xFFFFC000  }
0x34: {  	[spmem:s10] =	stream.linear.scatter [tilespmem:s24], [sflag:$0x2], $0x4000, $0x38;
	[tilespmem:$0x1E800] =	vst v63  }
0x35: {  	_ =	swait.ge [sflag:s25], $0x4000  }
0x36: {  	[sflag:s25] =	ssyncset.done $0x0  }
0x37: {  	[sflag:s25] =	ssyncadd.s32 $0xFFFFC000  }
0x38: {  	s6 =	simm.s32 $0x0;
	[bflag:$0x0] =	sbarrier.arrive $0xFFFF  }
0x39: {  	[tilespmem:s6], [sflag:$0x2] =	stream.linear.gather [hbm4b:s11+s6], $0x1400, $0x38;
	[tilespmem:$0x1E800] =	vst v63  }
0x3a: {  	_ =	swait.ge [sflag:s25], $0x1400  }
0x3b: {  	[sflag:s25] =	ssyncset.done $0x0  }
0x3c: {  	[sflag:s25] =	ssyncadd.s32 $0xFFFFEC00  }
0x3d: {  	[tilespmem:s26], [sflag:$0x2] =	stream.linear.gather [hbm4b:s12+s6], $0x1400, $0x38;
	[tilespmem:$0x1E800] =	vst v63  }
0x3e: {  	_ =	swait.ge [sflag:s25], $0x1400  }
0x3f: {  	[sflag:s25] =	ssyncset.done $0x0  }
0x40: {  	s7 =	simm.s32 $0x0;
	[sflag:s25] =	ssyncadd.s32 $0xFFFFEC00  }
0x41: {  	[tilespmem:s24], [sflag:$0x1] =	stream.indirect.gather [hbm4b:s1+s28], $0x80, s7, s28, $0xb8;
	[tilespmem:$0x1E800] =	vst v63  }
0x42: {  	s4 =	simm.s32 $0x80  }
0x43: {  	[tilespmem:s29], [sflag:$0x1] =	stream.indirect.gather [hbm4b:s1+s28], $0x80, s4, s28, $0xb8;
	[tilespmem:$0x1E800] =	vst v63  }
0x44: {  	_ =	swait.ge [sflag:s30], $0x4000  }
0x45: {  	[sflag:s30] =	ssyncset.done $0x0  }
0x46: {  	s6 =	simm.s32 $0x1400;
	[sflag:s30] =	ssyncadd.s32 $0xFFFFC000  }
0x47: {  	[spmem:s2] =	stream.indirect.scatter.add.f32 [tilespmem:s24], [sflag:$0x2], $0x80, s6, s28, $0xb8;
	[tilespmem:$0x1E800] =	vst v63  }
0x48: {  	_ =	swait.ge [sflag:s25], $0x4000  }
0x49: {  	[sflag:s25] =	ssyncset.done $0x0  }
0x4a: {  	[sflag:s25] =	ssyncadd.s32 $0xFFFFC000  }
0x4b: {  	_ =	swait.ge [sflag:s30], $0x4000  }
0x4c: {  	[sflag:s30] =	ssyncset.done $0x0  }
0x4d: {  	s7 =	simm.s32 $0x1480;
	[sflag:s30] =	ssyncadd.s32 $0xFFFFC000  }
0x4e: {  	[spmem:s2] =	stream.indirect.scatter.add.f32 [tilespmem:s29], [sflag:$0x2], $0x80, s7, s28, $0xb8;
	[tilespmem:$0x1E800] =	vst v63  }
0x4f: {  	_ =	swait.ge [sflag:s25], $0x4000  }
0x50: {  	s0 =	simm.s32 $0x400;
	s4 =	simm.s32 $0x800;
	[sflag:s25] =	ssyncset.done $0x0  }
.LBB2_4:
0x51: {  	s6 =	sshra.s32 s0, $0x2  }
0x52: {  	[sflag:s25] =	ssyncadd.s32 $0xFFFFC000;
	s0 =	smov.u32 s4;
	s7 =	sadd.s32 $0x400, s4  }
0x53: {  	[tilespmem:s24], [sflag:$0x1] =	stream.indirect.gather [hbm4b:s1+s28], $0x80, s6, s28, $0xb8;
	[tilespmem:$0x1E800] =	vst v63  }
0x54: {  	p0 =	sne.s32 s4, $0x4C00;
	s4 =	sadd.s32 $0x80, s6  }
0x55: {  	[tilespmem:s29], [sflag:$0x1] =	stream.indirect.gather [hbm4b:s1+s28], $0x80, s4, s28, $0xb8;
	[tilespmem:$0x1E800] =	vst v63  }
0x56: {  	_ =	swait.ge [sflag:s30], $0x4000  }
0x57: {  	[sflag:s30] =	ssyncset.done $0x0  }
0x58: {  	s4 =	sadd.s32 $0x1400, s6;
	[sflag:s30] =	ssyncadd.s32 $0xFFFFC000  }
0x59: {  	[spmem:s2] =	stream.indirect.scatter.add.f32 [tilespmem:s24], [sflag:$0x2], $0x80, s4, s28, $0xb8;
	[tilespmem:$0x1E800] =	vst v63  }
0x5a: {  	_ =	swait.ge [sflag:s25], $0x4000  }
0x5b: {  	[sflag:s25] =	ssyncset.done $0x0  }
0x5c: {  	[sflag:s25] =	ssyncadd.s32 $0xFFFFC000  }
0x5d: {  	_ =	swait.ge [sflag:s30], $0x4000  }
.Ltmp1:
0x5e: {  	[sflag:s30] =	ssyncset.done $0x0;
	(pc) =	sbr.rel @p0 .LBB2_4-.Ltmp1, $4  }
0x5f: {  	s4 =	sadd.s32 $0x1480, s6;
	[sflag:s30] =	ssyncadd.s32 $0xFFFFC000  }
0x60: {  	[spmem:s2] =	stream.indirect.scatter.add.f32 [tilespmem:s29], [sflag:$0x2], $0x80, s4, s28, $0xb8;
	[tilespmem:$0x1E800] =	vst v63  }
0x61: {  	_ =	swait.ge [sflag:s25], $0x4000  }
0x62: {  	s4 =	smov.u32 s7;
	[sflag:s25] =	ssyncset.done $0x0  }
0x63: {  	s0 =	sshra.s32 s0, $0x2;
	[sflag:s25] =	ssyncadd.s32 $0xFFFFC000  }
0x64: {  	[tilespmem:s24], [sflag:$0x1] =	stream.indirect.gather [hbm4b:s1+s28], $0x80, s0, s28, $0xb8;
	[tilespmem:$0x1E800] =	vst v63  }
0x65: {  	s4 =	sadd.s32 $0x80, s0  }
0x66: {  	[tilespmem:s29], [sflag:$0x1] =	stream.indirect.gather [hbm4b:s1+s28], $0x80, s4, s28, $0xb8;
	[tilespmem:$0x1E800] =	vst v63  }
0x67: {  	_ =	swait.ge [sflag:s30], $0x4000  }
0x68: {  	[sflag:s30] =	ssyncset.done $0x0  }
0x69: {  	s7 =	sadd.s32 $0x1400, s0;
	[sflag:s30] =	ssyncadd.s32 $0xFFFFC000  }
0x6a: {  	[spmem:s2] =	stream.indirect.scatter.add.f32 [tilespmem:s24], [sflag:$0x2], $0x80, s7, s28, $0xb8;
	[tilespmem:$0x1E800] =	vst v63  }
0x6b: {  	_ =	swait.ge [sflag:s25], $0x4000  }
0x6c: {  	[sflag:s25] =	ssyncset.done $0x0  }
0x6d: {  	[sflag:s25] =	ssyncadd.s32 $0xFFFFC000  }
0x6e: {  	_ =	swait.ge [sflag:s30], $0x4000  }
0x6f: {  	[sflag:s30] =	ssyncset.done $0x0  }
0x70: {  	s0 =	sadd.s32 $0x1480, s0;
	[sflag:s30] =	ssyncadd.s32 $0xFFFFC000  }
0x71: {  	[spmem:s2] =	stream.indirect.scatter.add.f32 [tilespmem:s29], [sflag:$0x2], $0x80, s0, s28, $0xb8;
	[tilespmem:$0x1E800] =	vst v63  }
0x72: {  	_ =	swait.ge [sflag:s25], $0x4000  }
0x73: {  	[sflag:s25] =	ssyncset.done $0x0  }
0x74: {  	s6 =	simm.s32 $0x0;
	[sflag:s25] =	ssyncadd.s32 $0xFFFFC000  }
0x75: {  	[tilespmem:s6], [sflag:$0x2] =	stream.linear.gather [hbm4b:s13+s6], $0x1400, $0x38;
	[tilespmem:$0x1E800] =	vst v63  }
0x76: {  	_ =	swait.ge [sflag:s25], $0x1400  }
0x77: {  	[sflag:s25] =	ssyncset.done $0x0  }
0x78: {  	[sflag:s25] =	ssyncadd.s32 $0xFFFFEC00  }
0x79: {  	[tilespmem:s26], [sflag:$0x2] =	stream.linear.gather [hbm4b:s14+s6], $0x1400, $0x38;
	[tilespmem:$0x1E800] =	vst v63  }
0x7a: {  	_ =	swait.ge [sflag:s25], $0x1400  }
0x7b: {  	[sflag:s25] =	ssyncset.done $0x0  }
0x7c: {  	s7 =	simm.s32 $0x0;
	[sflag:s25] =	ssyncadd.s32 $0xFFFFEC00  }
0x7d: {  	[tilespmem:s24], [sflag:$0x1] =	stream.indirect.gather [hbm4b:s1+s28], $0x80, s7, s28, $0xb8;
	[tilespmem:$0x1E800] =	vst v63  }
0x7e: {  	s4 =	simm.s32 $0x80  }
0x7f: {  	[tilespmem:s29], [sflag:$0x1] =	stream.indirect.gather [hbm4b:s1+s28], $0x80, s4, s28, $0xb8;
	[tilespmem:$0x1E800] =	vst v63  }
0x80: {  	_ =	swait.ge [sflag:s30], $0x4000  }
0x81: {  	[sflag:s30] =	ssyncset.done $0x0  }
0x82: {  	s6 =	simm.s32 $0x1400;
	[sflag:s30] =	ssyncadd.s32 $0xFFFFC000  }
0x83: {  	[spmem:s2] =	stream.indirect.scatter.add.f32 [tilespmem:s24], [sflag:$0x2], $0x80, s6, s28, $0xb8;
	[tilespmem:$0x1E800] =	vst v63  }
0x84: {  	_ =	swait.ge [sflag:s25], $0x4000  }
0x85: {  	[sflag:s25] =	ssyncset.done $0x0  }
0x86: {  	[sflag:s25] =	ssyncadd.s32 $0xFFFFC000  }
0x87: {  	_ =	swait.ge [sflag:s30], $0x4000  }
0x88: {  	[sflag:s30] =	ssyncset.done $0x0  }
0x89: {  	s7 =	simm.s32 $0x1480;
	[sflag:s30] =	ssyncadd.s32 $0xFFFFC000  }
0x8a: {  	[spmem:s2] =	stream.indirect.scatter.add.f32 [tilespmem:s29], [sflag:$0x2], $0x80, s7, s28, $0xb8;
	[tilespmem:$0x1E800] =	vst v63  }
0x8b: {  	_ =	swait.ge [sflag:s25], $0x4000  }
0x8c: {  	s0 =	simm.s32 $0x400;
	s4 =	simm.s32 $0x800;
	[sflag:s25] =	ssyncset.done $0x0  }
.LBB2_6:
0x8d: {  	s6 =	sshra.s32 s0, $0x2  }
0x8e: {  	[sflag:s25] =	ssyncadd.s32 $0xFFFFC000;
	s0 =	smov.u32 s4;
	s7 =	sadd.s32 $0x400, s4  }
0x8f: {  	[tilespmem:s24], [sflag:$0x1] =	stream.indirect.gather [hbm4b:s1+s28], $0x80, s6, s28, $0xb8;
	[tilespmem:$0x1E800] =	vst v63  }
0x90: {  	p0 =	sne.s32 s4, $0x4C00;
	s4 =	sadd.s32 $0x80, s6  }
0x91: {  	[tilespmem:s29], [sflag:$0x1] =	stream.indirect.gather [hbm4b:s1+s28], $0x80, s4, s28, $0xb8;
	[tilespmem:$0x1E800] =	vst v63  }
0x92: {  	_ =	swait.ge [sflag:s30], $0x4000  }
0x93: {  	[sflag:s30] =	ssyncset.done $0x0  }
0x94: {  	s4 =	sadd.s32 $0x1400, s6;
	[sflag:s30] =	ssyncadd.s32 $0xFFFFC000  }
0x95: {  	[spmem:s2] =	stream.indirect.scatter.add.f32 [tilespmem:s24], [sflag:$0x2], $0x80, s4, s28, $0xb8;
	[tilespmem:$0x1E800] =	vst v63  }
0x96: {  	_ =	swait.ge [sflag:s25], $0x4000  }
0x97: {  	[sflag:s25] =	ssyncset.done $0x0  }
0x98: {  	[sflag:s25] =	ssyncadd.s32 $0xFFFFC000  }
0x99: {  	_ =	swait.ge [sflag:s30], $0x4000  }
.Ltmp2:
0x9a: {  	[sflag:s30] =	ssyncset.done $0x0;
	(pc) =	sbr.rel @p0 .LBB2_6-.Ltmp2, $4  }
0x9b: {  	s4 =	sadd.s32 $0x1480, s6;
	[sflag:s30] =	ssyncadd.s32 $0xFFFFC000  }
0x9c: {  	[spmem:s2] =	stream.indirect.scatter.add.f32 [tilespmem:s29], [sflag:$0x2], $0x80, s4, s28, $0xb8;
	[tilespmem:$0x1E800] =	vst v63  }
0x9d: {  	_ =	swait.ge [sflag:s25], $0x4000  }
0x9e: {  	s4 =	smov.u32 s7;
	[sflag:s25] =	ssyncset.done $0x0  }
0x9f: {  	s0 =	sshra.s32 s0, $0x2;
	[sflag:s25] =	ssyncadd.s32 $0xFFFFC000  }
0xa0: {  	[tilespmem:s24], [sflag:$0x1] =	stream.indirect.gather [hbm4b:s1+s28], $0x80, s0, s28, $0xb8;
	[tilespmem:$0x1E800] =	vst v63  }
0xa1: {  	s4 =	sadd.s32 $0x80, s0  }
0xa2: {  	[tilespmem:s29], [sflag:$0x1] =	stream.indirect.gather [hbm4b:s1+s28], $0x80, s4, s28, $0xb8;
	[tilespmem:$0x1E800] =	vst v63  }
0xa3: {  	_ =	swait.ge [sflag:s30], $0x4000  }
0xa4: {  	[sflag:s30] =	ssyncset.done $0x0  }
0xa5: {  	s6 =	sadd.s32 $0x1400, s0;
	[sflag:s30] =	ssyncadd.s32 $0xFFFFC000  }
0xa6: {  	[spmem:s2] =	stream.indirect.scatter.add.f32 [tilespmem:s24], [sflag:$0x2], $0x80, s6, s28, $0xb8;
	[tilespmem:$0x1E800] =	vst v63  }
0xa7: {  	_ =	swait.ge [sflag:s25], $0x4000  }
0xa8: {  	[sflag:s25] =	ssyncset.done $0x0  }
0xa9: {  	[sflag:s25] =	ssyncadd.s32 $0xFFFFC000  }
0xaa: {  	_ =	swait.ge [sflag:s30], $0x4000  }
0xab: {  	[sflag:s30] =	ssyncset.done $0x0  }
0xac: {  	s0 =	sadd.s32 $0x1480, s0;
	[sflag:s30] =	ssyncadd.s32 $0xFFFFC000  }
0xad: {  	[spmem:s2] =	stream.indirect.scatter.add.f32 [tilespmem:s29], [sflag:$0x2], $0x80, s0, s28, $0xb8;
	[tilespmem:$0x1E800] =	vst v63  }
0xae: {  	_ =	swait.ge [sflag:s25], $0x4000  }
0xaf: {  	[sflag:s25] =	ssyncset.done $0x0  }
0xb0: {  	[sflag:s25] =	ssyncadd.s32 $0xFFFFC000  }
0xb1: {  	[bflag:$0x0] =	sbarrier.arrive $0xFFFF  }
0xb2: {  	[tilespmem:s24], [sflag:$0x2] =	stream.linear.gather [spmem:s5], $0x4000, $0x38;
	[tilespmem:$0x1E800] =	vst v63  }
0xb3: {  	_ =	swait.ge [sflag:s25], $0x4000  }
0xb4: {  	[sflag:s25] =	ssyncset.done $0x0  }
0xb5: {  	[sflag:s25] =	ssyncadd.s32 $0xFFFFC000  }
0xb6: {  	[hbm4b:s15+s3] =	stream.linear.scatter [tilespmem:s24], [sflag:$0x2], $0x4000, $0x38;
	[tilespmem:$0x1E800] =	vst v63  }
0xb7: {  	_ =	swait.ge [sflag:s25], $0x4000  }
0xb8: {  	[sflag:s25] =	ssyncset.done $0x0  }
0xb9: {  	[sflag:s25] =	ssyncadd.s32 $0xFFFFC000  }
0xba: {  	[tilespmem:s24], [sflag:$0x2] =	stream.linear.gather [spmem:s16], $0x4000, $0x38;
	[tilespmem:$0x1E800] =	vst v63  }
0xbb: {  	_ =	swait.ge [sflag:s25], $0x4000  }
0xbc: {  	[sflag:s25] =	ssyncset.done $0x0  }
0xbd: {  	[sflag:s25] =	ssyncadd.s32 $0xFFFFC000  }
0xbe: {  	[hbm4b:s17+s3] =	stream.linear.scatter [tilespmem:s24], [sflag:$0x2], $0x4000, $0x38;
	[tilespmem:$0x1E800] =	vst v63  }
0xbf: {  	_ =	swait.ge [sflag:s25], $0x4000  }
0xc0: {  	[sflag:s25] =	ssyncset.done $0x0  }
0xc1: {  	[sflag:s25] =	ssyncadd.s32 $0xFFFFC000  }
0xc2: {  	[tilespmem:s24], [sflag:$0x2] =	stream.linear.gather [spmem:s18], $0x4000, $0x38;
	[tilespmem:$0x1E800] =	vst v63  }
0xc3: {  	_ =	swait.ge [sflag:s25], $0x4000  }
0xc4: {  	[sflag:s25] =	ssyncset.done $0x0  }
0xc5: {  	[sflag:s25] =	ssyncadd.s32 $0xFFFFC000  }
0xc6: {  	[hbm4b:s19+s3] =	stream.linear.scatter [tilespmem:s24], [sflag:$0x2], $0x4000, $0x38;
	[tilespmem:$0x1E800] =	vst v63  }
0xc7: {  	_ =	swait.ge [sflag:s25], $0x4000  }
0xc8: {  	[sflag:s25] =	ssyncset.done $0x0  }
0xc9: {  	[sflag:s25] =	ssyncadd.s32 $0xFFFFC000  }
0xca: {  	[tilespmem:s24], [sflag:$0x2] =	stream.linear.gather [spmem:s20], $0x4000, $0x38;
	[tilespmem:$0x1E800] =	vst v63  }
0xcb: {  	_ =	swait.ge [sflag:s25], $0x4000  }
0xcc: {  	[sflag:s25] =	ssyncset.done $0x0  }
0xcd: {  	[sflag:s25] =	ssyncadd.s32 $0xFFFFC000  }
0xce: {  	[hbm4b:s21+s3] =	stream.linear.scatter [tilespmem:s24], [sflag:$0x2], $0x4000, $0x38;
	[tilespmem:$0x1E800] =	vst v63  }
0xcf: {  	_ =	swait.ge [sflag:s25], $0x4000  }
0xd0: {  	[sflag:s25] =	ssyncset.done $0x0  }
0xd1: {  	[sflag:s25] =	ssyncadd.s32 $0xFFFFC000  }
0xd2: {  	[tilespmem:s24], [sflag:$0x2] =	stream.linear.gather [spmem:s22], $0x4000, $0x38;
	[tilespmem:$0x1E800] =	vst v63  }
0xd3: {  	_ =	swait.ge [sflag:s25], $0x4000  }
0xd4: {  	[sflag:s25] =	ssyncset.done $0x0  }
0xd5: {  	[sflag:s25] =	ssyncadd.s32 $0xFFFFC000  }
0xd6: {  	[hbm4b:s23+s3] =	stream.linear.scatter [tilespmem:s24], [sflag:$0x2], $0x4000, $0x38;
	[tilespmem:$0x1E800] =	vst v63  }
0xd7: {  	_ =	swait.ge [sflag:s25], $0x4000  }
0xd8: {  	s31 =	sadd.s32 $0x1, s31;
	s7 =	rddreg [dreg:$0x4]  }
0xd9: {  	p0 =	sne.s32 s31, s7  }
.Ltmp3:
0xda: {  	_ = 	snop;
	(pc) =	sbr.rel @p0 .LBB2_1-.Ltmp3, $3  }
0xdb: {  	_ =	sdelay $0x1  }
0xdc: {  	[sflag:s25] =	ssyncset.done $0x0  }
0xdd: {  	[sflag:s25] =	ssyncadd.s32 $0xFFFFC000  }
0xde: {  	_ =	sfence.sel $0x180000  }
0xdf: {  	[bflag:$0x0] =	sbarrier.arrive $0xFFFF  }
0xe0: {  	_ =	strace $0x90000050  }
0xe1: {  	s0 =	stileid.u32;
	[bflag:$0x2] =	sbarrier.arrive $0xFFFF  }
0xe2: {  	p0 =	sne.s32 s0, $0x0;
	s0 =	rddreg [dreg:$0x3]  }
0xe3: {  	s0 =	sadd.s32 @!p0 $0x100000, s0  }
0xe4: {  	[sflag:s0] =	ssyncadd.tile.s32 @!p0 $0x1;
	_ =	shalt  }
.Lfunc_end2:
_tile_overlayer_lowered:
.L_overlay_start_2:
0xe5: {  	(tag) =	ssettag $0x2  }
0xe6: {  	s0 =	rddreg [dreg:$0x0];
	s2 =	stileid.u32  }
0xe7: {  	s1 =	rddreg [dreg:$0x1];
	p0 =	sne.s32 s2, $0x0  }
0xe8: {  	s3 =	rddreg [dreg:$0x2];
	[bflag:$0x3] =	sbarrier.arrive $0xFFFF;
	s2 =	simm.s32 @!p0 $0x1C02  }
0xe9: {  	[timem:s3], [sflag:s2] =	dma.local @!p0 [hbm:s0], s1  }
0xea: {  	s0 =	simm.s32 @!p0 $0x2  }
0xeb: {  	_ =	swait.ge @!p0 [sflag:s0], s1  }
0xec: {  	s1 =	ssub.s32 @!p0 $0x0, s1;
	[sflag:s0] =	ssyncset.done @!p0 $0x0  }
0xed: {  	[sflag:s0] =	ssyncadd.s32 @!p0 s1  }
0xee: {  	[bflag:$0x3] =	sbarrier.arrive $0xFFFF  }
0xef: {  	_ =	shalt  }

// kernel: kernel.9.cloned.1.call-start
scs
__scs_entry_jumppad:
0x0: {  	(pc) =	sbr.rel $0x88, $3  }
0x1: {  	(tag) =	ssettag $0x0;
	lr =	simm.s32 $0x1  }
0x2: {  	[smem:$0x3F96] =	sst lr;
	_ =	strace $0xD0000000  }
0x3: {  	_ = 	snop  }
0x4: {  	_ = 	snop  }
0x5: {  	_ = 	snop  }
0x6: {  	_ = 	snop  }
0x7: {  	_ = 	snop  }
__scs_overlays_trampoline_lowered:
0x8: {  	[smem:$0x3FA5] =	sst s0  }
0x9: {  	[smem:$0x3FA6] =	sst s1  }
0xa: {  	[smem:$0x3FA7] =	sst s2  }
0xb: {  	[smem:$0x3FA8] =	sst s3  }
0xc: {  	[smem:$0x3FA9] =	sst s4  }
0xd: {  	[smem:$0x3FAA] =	sst s5  }
0xe: {  	[smem:$0x3FAB] =	sst s6  }
0xf: {  	[smem:$0x3FAC] =	sst s7  }
0x10: {  	[smem:$0x3FAD] =	sst s8  }
0x11: {  	[smem:$0x3FAE] =	sst s9;
	s0 =	simm.s32 @!p0 $0x0  }
0x12: {  	s1 =	sld [smem:$0x3F94];
	s0 =	simm.s32 @p0 $0x1  }
0x13: {  	[smem:$0x3FAF] =	sst s0;
	s0 =	simm.s32 @!p1 $0x0  }
0x14: {  	s2 =	sld [smem:$0x3F93];
	s0 =	simm.s32 @p1 $0x1  }
0x15: {  	[smem:$0x3FB0] =	sst s0;
	s0 =	simm.s32 @!p2 $0x0  }
0x16: {  	s3 =	sld [smem:$0x3FDB];
	s0 =	simm.s32 @p2 $0x1  }
0x17: {  	s4 =	simm.s32 $0x1BF5;
	[smem:$0x3FB2] =	sst s0  }
0x18: {  	s0 =	sld [smem:$0x3F95];
	_ =	swait.ge [sflag:s4], $0x0  }
0x19: {  	s7 =	sld [smem:$0x3F96]  }
0x1a: {  	s8 =	sadd.s32 $0xFFFFE003, lr  }
0x1b: {  	s9 =	sadd.s32 $0xFFFFFEF7, lr;
	s5 =	simm.s32 $0xFFFFFFFF;
	p2 =	slt.u32 s8, $0xFFFFF086  }
0x1c: {  	p1 =	slt.u32 s9, $0xF7A;
	s5 =	simm.s32 @!p2 $0x0  }
0x1d: {  	s5 =	simm.s32 @p1 $0x1;
	p0 =	seq.s32 s7, s2  }
0x1e: {  	s7 =	smul.u32 @!p0 $0xF7A, s2;
	p2 =	seq.s32 @!p0 s5, $0x0  }
0x1f: {  	s9 =	smul.u32 $0xF7A, s1;
	s8 =	simm.s32 @!p0 $0x1BF5;
	p2 =	por !p2, p0  }
0x20: {  	[sflag:s8] =	ssyncset.s32 @!p0 $0xFFFFF086;
	s6 =	sadd.s32 @!p0 s3, s7;
	s7 =	simm.s32 @!p0 $0x108  }
0x21: {  	s3 =	sadd.s32 s3, s9;
	s6 =	sadd.s32 @!p0 $0x88, s6;
	s7 =	simm.s32 @p2 $0x1082  }
0x22: {  	[simem:s7], [sflag:s8] =	dma.local @!p0 [hbm:s6], $0xF7A  }
0x23: {  	s9 =	sor.u32 $0xD0000000, s2;
	s6 =	simm.s32 $0x108;
	_ =	swait.ge @!p0 [sflag:s8], $0x0  }
0x24: {  	s3 =	sadd.s32 $0x88, s3;
	s6 =	simm.s32 @!p1 $0x1082;
	[sflag:s4] =	ssyncset.s32 $0xFFFFF086  }
0x25: {  	[simem:s6], [sflag:s4] =	dma.local [hbm:s3], $0xF7A  }
0x26: {  	[smem:$0x3F96] =	sst s1;
	(tag) =	ssettag s2;
	_ =	strace s9  }
0x27: {  	s1 =	sld [smem:$0x3FA6]  }
0x28: {  	s2 =	sld [smem:$0x3FA7]  }
0x29: {  	s4 =	sld [smem:$0x3FA9]  }
0x2a: {  	p0 =	seq.s32 s5, $0x0;
	s5 =	sld [smem:$0x3FAA]  }
0x2b: {  	s6 =	sld [smem:$0x3FAB]  }
0x2c: {  	s7 =	sld [smem:$0x3FAC]  }
0x2d: {  	s3 =	simm.s32 $0x108;
	s8 =	sld [smem:$0x3FAD]  }
0x2e: {  	s3 =	simm.s32 @!p0 $0x1082;
	s9 =	sld [smem:$0x3FAE]  }
0x2f: {  	lr =	sadd.s32 s0, s3;
	s0 =	sld [smem:$0x3FA5]  }
0x30: {  	s3 =	sld [smem:$0x3FA8]  }
0x31: {  	[smem:$0x3FB1] =	sst s10  }
0x32: {  	s10 =	sld [smem:$0x3FAF];
	_ =	sdelay $0x3  }
0x33: {  	p0 =	seq.s32 s10, $0x1;
	s10 =	sld [smem:$0x3FB1];
	_ =	sdelay $0x3  }
0x34: {  	[smem:$0x3FB1] =	sst s10  }
0x35: {  	s10 =	sld [smem:$0x3FB0];
	_ =	sdelay $0x3  }
0x36: {  	p1 =	seq.s32 s10, $0x1;
	s10 =	sld [smem:$0x3FB1];
	_ =	sdelay $0x3  }
0x37: {  	[smem:$0x3FB1] =	sst s10  }
0x38: {  	s10 =	sld [smem:$0x3FB2]  }
0x39: {  	_ = 	snop;
	(pc) =	sbr.ind lr, $3  }
0x3a: {  	_ = 	snop  }
0x3b: {  	_ = 	snop  }
0x3c: {  	p2 =	seq.s32 s10, $0x1;
	s10 =	sld [smem:$0x3FB1]  }
0x3d: {  	_ =	shalt  }
0x3e: {  	_ =	shalt  }
0x3f: {  	_ =	shalt  }
0x40: {  	_ =	shalt  }
0x41: {  	_ =	shalt  }
0x42: {  	_ =	shalt  }
0x43: {  	_ =	shalt  }
0x44: {  	_ =	shalt  }
0x45: {  	_ =	shalt  }
0x46: {  	_ =	shalt  }
0x47: {  	_ =	shalt  }
0x48: {  	_ =	shalt  }
0x49: {  	_ =	shalt  }
0x4a: {  	_ =	shalt  }
0x4b: {  	_ =	shalt  }
0x4c: {  	_ =	shalt  }
0x4d: {  	_ =	shalt  }
0x4e: {  	_ =	shalt  }
0x4f: {  	_ =	shalt  }
0x50: {  	_ =	shalt  }
0x51: {  	_ =	shalt  }
0x52: {  	_ =	shalt  }
0x53: {  	_ =	shalt  }
0x54: {  	_ =	shalt  }
0x55: {  	_ =	shalt  }
0x56: {  	_ =	shalt  }
0x57: {  	_ =	shalt  }
0x58: {  	_ =	shalt  }
0x59: {  	_ =	shalt  }
0x5a: {  	_ =	shalt  }
0x5b: {  	_ =	shalt  }
0x5c: {  	_ =	shalt  }
0x5d: {  	_ =	shalt  }
0x5e: {  	_ =	shalt  }
0x5f: {  	_ =	shalt  }
0x60: {  	_ =	shalt  }
0x61: {  	_ =	shalt  }
0x62: {  	_ =	shalt  }
0x63: {  	_ =	shalt  }
0x64: {  	_ =	shalt  }
0x65: {  	_ =	shalt  }
0x66: {  	_ =	shalt  }
0x67: {  	_ =	shalt  }
0x68: {  	_ =	shalt  }
0x69: {  	_ =	shalt  }
0x6a: {  	_ =	shalt  }
0x6b: {  	_ =	shalt  }
0x6c: {  	_ =	shalt  }
0x6d: {  	_ =	shalt  }
0x6e: {  	_ =	shalt  }
0x6f: {  	_ =	shalt  }
0x70: {  	_ =	shalt  }
0x71: {  	_ =	shalt  }
0x72: {  	_ =	shalt  }
0x73: {  	_ =	shalt  }
0x74: {  	_ =	shalt  }
0x75: {  	_ =	shalt  }
0x76: {  	_ =	shalt  }
0x77: {  	_ =	shalt  }
0x78: {  	_ =	shalt  }
0x79: {  	_ =	shalt  }
0x7a: {  	_ =	shalt  }
0x7b: {  	_ =	shalt  }
0x7c: {  	_ =	shalt  }
0x7d: {  	_ =	shalt  }
0x7e: {  	_ =	shalt  }
0x7f: {  	_ =	shalt  }
0x80: {  	_ =	shalt  }
0x81: {  	_ =	shalt  }
0x82: {  	_ =	shalt  }
0x83: {  	_ =	shalt  }
0x84: {  	_ =	shalt  }
0x85: {  	_ =	shalt  }
0x86: {  	_ =	shalt  }
0x87: {  	_ =	shalt  }
.Lfunc_end0:
.L_simem_size_0:
called_computation_lowered:
.L_overlay_start_0:
0x88: {  	s2 =	sld [smem:$0x3FD9]  }
0x89: {  	s3 =	sld [smem:$0x3FFE];
	_ =	sdelay $0x1  }
0x8a: {  	s1 =	srdreg.scid  }
0x8b: {  	s0 =	sand.u32 $0x1, s1  }
0x8c: {  	s17 =	sshll.u32 s0, $0xA;
	s2 =	sadd.s32 s3, s2  }
0x8d: {  	s2 =	sadd.s32 s2, s17  }
0x8e: {  	[smem:$0x3FBD] =	sst s2  }
0x8f: {  	_ = 	snop  }
0x90: {  	s2 =	sld [smem:$0x3FD0];
	(tm) =	ssettm $0x1  }
0x91: {  	s18 =	sld [smem:$0x3FFB];
	_ =	sdelay $0x3  }
0x92: {  	_ =	strace s18  }
0x93: {  	s3 =	sld [smem:$0x3FFC];
	_ =	sdelay $0x3  }
0x94: {  	_ =	strace s3  }
0x95: {  	s3 =	sld [smem:$0x3FFD];
	_ =	sdelay $0x3  }
0x96: {  	_ =	strace s3  }
0x97: {  	_ =	strace $0x8FFFFFFF  }
0x98: {  	s19 =	sld [smem:$0x3FDB];
	_ =	sdelay $0x1  }
0x99: {  	s4 =	simm.s32 $_scs_section_size  }
0x9a: {  	s5 =	simm.s32 $_size__tile_overlayer_lowered;
	s6 =	simm.s32 $_tile_overlayer_lowered  }
0x9b: {  	s22 =	simm.s32 $0x1BFF;
	s21 =	sshll.u32 s6, $0x1;
	s3 =	sadd.s32 s4, s19  }
0x9c: {  	s7 =	simm.s32 $0x0;
	s20 =	sshll.u32 s5, $0x1;
	s5 =	sadd.s32 s21, s3  }
0x9d: {  	[timem:s7], [sflag:s22] =	dma.local [hbm:s5], s20  }
0x9e: {  	_ =	swait.ge [sflag:s22], s20  }
0x9f: {  	s4 =	ssub.s32 $0x0, s20;
	[sflag:s22] =	ssyncset.done $0x0  }
0xa0: {  	[sflag:s22] =	ssyncadd.s32 s4;
	_ =	sdelay $0x1  }
0xa1: {  	s23 =	simm.s32 $0x1B8B  }
0xa2: {  	_ =	swait.ge [sflag:s23], $0x1  }
0xa3: {  	[sflag:s23] =	ssyncset.done $0x0  }
0xa4: {  	s25 =	simm.s32 $0x1B8E;
	s24 =	sld [smem:$0x3FFE];
	[sflag:s23] =	ssyncadd.s32 $0xFFFFFFFF  }
0xa5: {  	s26 =	simm.s32 $execute0_lowered;
	[smem:$0x3FD2] =	sst s25  }
0xa6: {  	s5 =	sshll.u32 s26, $0x1;
	_ =	strace $0x80000046;
	[dreg:$0x1] =	wrdreg $0xFFFFFFFF  }
0xa7: {  	s28 =	simm.s32 $_size_execute0_lowered;
	s3 =	sadd.s32 s3, s5;
	[dreg:$0x0] =	wrdreg $0x0  }
0xa8: {  	s5 =	sshll.u32 s28, $0x1;
	[dreg:$0x2] =	wrdreg s3  }
0xa9: {  	[dreg:$0x3] =	wrdreg s5  }
0xaa: {  	[dreg:$0x4] =	wrdreg $0xC0  }
0xab: {  	_ =	task [dreg:s7], $0x5FFFF  }
0xac: {  	[dreg:$0x1] =	wrdreg $0xFFFFFFFF  }
0xad: {  	[dreg:$0x0] =	wrdreg $0x60  }
0xae: {  	[dreg:$0x2] =	wrdreg s24  }
0xaf: {  	[dreg:$0x3] =	wrdreg s2  }
0xb0: {  	[dreg:$0x4] =	wrdreg $0xA8000  }
0xb1: {  	[dreg:$0x5] =	wrdreg $0x9  }
0xb2: {  	_ =	task.clear_ibuf [dreg:s7], $0x6FFFF;
	_ =	strace $0x90000046  }
0xb3: {  	s29 =	simm.s32 $0x9;
	_ =	strace $0x80000048  }
0xb4: {  	_ =	swait.ge [sflag:s29], $0x1  }
0xb5: {  	[sflag:s29] =	ssyncadd.s32 $0xFFFFFFFF  }
0xb6: {  	_ =	strace $0x90000048  }
0xb7: {  	_ =	sfence  }
0xb8: {  	s30 =	sld [smem:$0x0];
	_ =	sdelay $0x2  }
0xb9: {  	s31 =	sshll.u32 s1, $0xD;
	s1 =	sshrl.u32 s1, $0x2  }
0xba: {  	s3 =	sand.u32 $0x4000, s31;
	s1 =	sadd.s32 s1, s30  }
0xbb: {  	s0 =	sor.u32 s3, s0;
	s1 =	sshll.u32 s1, $0x11  }
0xbc: {  	s0 =	sor.u32 s1, s0  }
0xbd: {  	s0 =	sadd.s32 $0x8F2B, s0  }
0xbe: {  	[sflag:s0] =	ssyncadd.remote.s32 $0x1  }
0xbf: {  	_ =	sfence.sel $0xFFFF  }
0xc0: {  	[dreg:$0x0] =	wrdreg $0xFFFFFFFF;
	(pc) =	sbr.abs _section_cstart, $3  }
0xc1: {  	[dreg:$0x1] =	wrdreg $0xFFFFFFFF  }
0xc2: {  	_ =	task.clear_ibuf [dreg:s7], $0x2FFFF;
	_ =	strace $0x9FFFFFFF  }
0xc3: {  	(tm) =	ssettm $0x7FFFFFFF  }
tec
execute0_lowered:
.L_overlay_start_1:
0x0: {  	(tag) =	ssettag $0x1  }
0x1: {  	s0 =	rddreg [dreg:$0x0]  }
0x2: {  	s3 =	rddreg [dreg:$0x1]  }
0x3: {  	s1 =	rddreg [dreg:$0x2]  }
0x4: {  	s2 =	simm.s32 $0x0;
	s5 =	srdreg.scid;
	s12 =	stileid.u32  }
0x5: {  	s28 =	simm.s32 $0x80;
	s29 =	simm.s32 $0x6800;
	s30 =	simm.s32 $0x1  }
0x6: {  	s31 =	simm.s32 $0x0;
	[smem:$0x7FF] =	sst s2;
	s4 =	sadd.s32 $0x9DB600, s0  }
0x7: {  	s6 =	sadd.s32 $0x17400, s0;
	s7 =	sand.u32 $0x1, s5;
	s17 =	sshll.u32 s12, $0x1  }
0x8: {  	s8 =	smul.u32 $0x50000, s12;
	s0 =	sadd.s32 $0x21400, s0;
	s9 =	ssub.s32 $0x2, s7  }
0x9: {  	_ =	strace $0x80000047;
	s5 =	sor.u32 s7, s17;
	s10 =	sshrl.u32 s9, $0x1  }
0xa: {  	s20 =	smul.u32 $0x140000, s7;
	s8 =	sshrl.u32 s8, $0x2;
	s9 =	ssub.s32 s9, s10  }
0xb: {  	s11 =	smul.u32 $0x2800, s5;
	s5 =	sadd.s32 s8, s1;
	s18 =	smax.u32 s9, $0x1  }
0xc: {  	s19 =	sadd.s32 $0x4000, s5;
	s8 =	sadd.s32 $0x8000, s5;
	s9 =	sadd.s32 $0xC000, s5  }
0xd: {  	s13 =	sshrl.u32 s11, $0x3;
	s10 =	sadd.s32 $0x10000, s5;
	[dreg:$0x4] =	wrdreg s18  }
0xe: {  	[dreg:$0x5] =	wrdreg s19;
	s19 =	smul.u32 $0x14000, s12;
	s14 =	sadd.s32 $0x280, s13  }
0xf: {  	s11 =	sadd.s32 s3, s13;
	s12 =	sadd.s32 s6, s13;
	s13 =	sadd.s32 s3, s14  }
0x10: {  	s14 =	sadd.s32 s6, s14;
	s15 =	sadd.s32 s20, s19;
	s16 =	sadd.s32 $0x4000, s19  }
0x11: {  	s23 =	sadd.s32 $0x8000, s19;
	s24 =	sadd.s32 $0xC000, s19;
	s21 =	sshrl.u32 s15, $0x3  }
0x12: {  	s17 =	sadd.s32 s20, s16;
	s16 =	sadd.s32 s16, s1;
	s18 =	sadd.s32 s23, s1  }
0x13: {  	s3 =	sadd.s32 s20, s23;
	s15 =	sadd.s32 s0, s21;
	s22 =	sshrl.u32 s17, $0x3  }
0x14: {  	s3 =	sshrl.u32 s3, $0x3;
	s21 =	sadd.s32 s20, s24;
	s17 =	sadd.s32 s0, s22  }
0x15: {  	s22 =	sadd.s32 $0x10000, s19;
	s19 =	sadd.s32 s0, s3;
	s25 =	sshrl.u32 s21, $0x3  }
0x16: {  	s23 =	sadd.s32 s20, s22;
	s20 =	sadd.s32 s24, s1;
	s21 =	sadd.s32 s0, s25  }
0x17: {  	s22 =	sadd.s32 s22, s1;
	s24 =	simm.s32 $0x2800;
	s26 =	sshrl.u32 s23, $0x3  }
0x18: {  	v0 =	vimm.f32 $0.0e+00;
	s25 =	simm.s32 $0x2;
	s23 =	sadd.s32 s0, s26;
	s26 =	simm.s32 $0x1400  }
.LBB2_1:
0x19: {  	s0 =	sand.u32 $0xFE00, s2  }
0x1a: {  	s3 =	sand.u32 $0x70, s2;
	s6 =	sshrl.u32 s0, $0x2  }
0x1b: {  	s0 =	simm.s32 $0x40;
	s6 =	sor.u32 s3, s6;
	s3 =	simm.s32 $0x0  }
.LBB2_2:
0x1c: {  	p0 =	sne.s32 s0, $0xFFC0  }
0x1d: {  	[tilespmem:s6+$0x2800] =	vst v0;
	s3 =	sadd.s32 $0x10, s3;
	s6 =	smov.u32 s0;
	s0 =	sadd.s32 $0x40, s0  }
.Ltmp0:
0x1e: {  	(pc) =	sbr.rel @p0 .LBB2_2-.Ltmp0, $4  }
0x1f: {  	_ = 	snop  }
0x20: {  	s6 =	sand.u32 $0xFE00, s6  }
0x21: {  	s7 =	sand.u32 $0x70, s3;
	s6 =	sshrl.u32 s6, $0x2  }
0x22: {  	s6 =	sor.u32 s7, s6  }
0x23: {  	[tilespmem:s6+$0x2800] =	vst v0  }
0x24: {  	[spmem:s5] =	stream.linear.scatter [tilespmem:s24], [sflag:$0x2], $0x4000, $0x38;
	[tilespmem:$0x1E800] =	vst v63  }
0x25: {  	_ =	swait.ge [sflag:s25], $0x4000  }
0x26: {  	[sflag:s25] =	ssyncset.done $0x0  }
0x27: {  	s0 =	rddreg [dreg:$0x5];
	[sflag:s25] =	ssyncadd.s32 $0xFFFFC000  }
0x28: {  	[spmem:s0] =	stream.linear.scatter [tilespmem:s24], [sflag:$0x2], $0x4000, $0x38;
	[tilespmem:$0x1E800] =	vst v63  }
0x29: {  	_ =	swait.ge [sflag:s25], $0x4000  }
0x2a: {  	[sflag:s25] =	ssyncset.done $0x0  }
0x2b: {  	[sflag:s25] =	ssyncadd.s32 $0xFFFFC000  }
0x2c: {  	[spmem:s8] =	stream.linear.scatter [tilespmem:s24], [sflag:$0x2], $0x4000, $0x38;
	[tilespmem:$0x1E800] =	vst v63  }
0x2d: {  	_ =	swait.ge [sflag:s25], $0x4000  }
0x2e: {  	[sflag:s25] =	ssyncset.done $0x0  }
0x2f: {  	[sflag:s25] =	ssyncadd.s32 $0xFFFFC000  }
0x30: {  	[spmem:s9] =	stream.linear.scatter [tilespmem:s24], [sflag:$0x2], $0x4000, $0x38;
	[tilespmem:$0x1E800] =	vst v63  }
0x31: {  	_ =	swait.ge [sflag:s25], $0x4000  }
0x32: {  	[sflag:s25] =	ssyncset.done $0x0  }
0x33: {  	[sflag:s25] =	ssyncadd.s32 $0xFFFFC000  }
0x34: {  	[spmem:s10] =	stream.linear.scatter [tilespmem:s24], [sflag:$0x2], $0x4000, $0x38;
	[tilespmem:$0x1E800] =	vst v63  }
0x35: {  	_ =	swait.ge [sflag:s25], $0x4000  }
0x36: {  	[sflag:s25] =	ssyncset.done $0x0  }
0x37: {  	[sflag:s25] =	ssyncadd.s32 $0xFFFFC000  }
0x38: {  	s6 =	simm.s32 $0x0;
	[bflag:$0x0] =	sbarrier.arrive $0xFFFF  }
0x39: {  	[tilespmem:s6], [sflag:$0x2] =	stream.linear.gather [hbm4b:s11+s6], $0x1400, $0x38;
	[tilespmem:$0x1E800] =	vst v63  }
0x3a: {  	_ =	swait.ge [sflag:s25], $0x1400  }
0x3b: {  	[sflag:s25] =	ssyncset.done $0x0  }
0x3c: {  	[sflag:s25] =	ssyncadd.s32 $0xFFFFEC00  }
0x3d: {  	[tilespmem:s26], [sflag:$0x2] =	stream.linear.gather [hbm4b:s12+s6], $0x1400, $0x38;
	[tilespmem:$0x1E800] =	vst v63  }
0x3e: {  	_ =	swait.ge [sflag:s25], $0x1400  }
0x3f: {  	[sflag:s25] =	ssyncset.done $0x0  }
0x40: {  	s7 =	simm.s32 $0x0;
	[sflag:s25] =	ssyncadd.s32 $0xFFFFEC00  }
0x41: {  	[tilespmem:s24], [sflag:$0x1] =	stream.indirect.gather [hbm4b:s4+s28], $0x80, s7, s28, $0xb8;
	[tilespmem:$0x1E800] =	vst v63  }
0x42: {  	s3 =	simm.s32 $0x80  }
0x43: {  	[tilespmem:s29], [sflag:$0x1] =	stream.indirect.gather [hbm4b:s4+s28], $0x80, s3, s28, $0xb8;
	[tilespmem:$0x1E800] =	vst v63  }
0x44: {  	_ =	swait.ge [sflag:s30], $0x4000  }
0x45: {  	[sflag:s30] =	ssyncset.done $0x0  }
0x46: {  	s6 =	simm.s32 $0x1400;
	[sflag:s30] =	ssyncadd.s32 $0xFFFFC000  }
0x47: {  	[spmem:s1] =	stream.indirect.scatter.add.f32 [tilespmem:s24], [sflag:$0x2], $0x80, s6, s28, $0xb8;
	[tilespmem:$0x1E800] =	vst v63  }
0x48: {  	_ =	swait.ge [sflag:s25], $0x4000  }
0x49: {  	[sflag:s25] =	ssyncset.done $0x0  }
0x4a: {  	[sflag:s25] =	ssyncadd.s32 $0xFFFFC000  }
0x4b: {  	_ =	swait.ge [sflag:s30], $0x4000  }
0x4c: {  	[sflag:s30] =	ssyncset.done $0x0  }
0x4d: {  	s7 =	simm.s32 $0x1480;
	[sflag:s30] =	ssyncadd.s32 $0xFFFFC000  }
0x4e: {  	[spmem:s1] =	stream.indirect.scatter.add.f32 [tilespmem:s29], [sflag:$0x2], $0x80, s7, s28, $0xb8;
	[tilespmem:$0x1E800] =	vst v63  }
0x4f: {  	_ =	swait.ge [sflag:s25], $0x4000  }
0x50: {  	s0 =	simm.s32 $0x400;
	s3 =	simm.s32 $0x800;
	[sflag:s25] =	ssyncset.done $0x0  }
.LBB2_4:
0x51: {  	s6 =	sshra.s32 s0, $0x2  }
0x52: {  	[sflag:s25] =	ssyncadd.s32 $0xFFFFC000;
	s0 =	smov.u32 s3;
	s7 =	sadd.s32 $0x400, s3  }
0x53: {  	[tilespmem:s24], [sflag:$0x1] =	stream.indirect.gather [hbm4b:s4+s28], $0x80, s6, s28, $0xb8;
	[tilespmem:$0x1E800] =	vst v63  }
0x54: {  	p0 =	sne.s32 s3, $0x4C00;
	s3 =	sadd.s32 $0x80, s6  }
0x55: {  	[tilespmem:s29], [sflag:$0x1] =	stream.indirect.gather [hbm4b:s4+s28], $0x80, s3, s28, $0xb8;
	[tilespmem:$0x1E800] =	vst v63  }
0x56: {  	_ =	swait.ge [sflag:s30], $0x4000  }
0x57: {  	[sflag:s30] =	ssyncset.done $0x0  }
0x58: {  	s3 =	sadd.s32 $0x1400, s6;
	[sflag:s30] =	ssyncadd.s32 $0xFFFFC000  }
0x59: {  	[spmem:s1] =	stream.indirect.scatter.add.f32 [tilespmem:s24], [sflag:$0x2], $0x80, s3, s28, $0xb8;
	[tilespmem:$0x1E800] =	vst v63  }
0x5a: {  	_ =	swait.ge [sflag:s25], $0x4000  }
0x5b: {  	[sflag:s25] =	ssyncset.done $0x0  }
0x5c: {  	[sflag:s25] =	ssyncadd.s32 $0xFFFFC000  }
0x5d: {  	_ =	swait.ge [sflag:s30], $0x4000  }
.Ltmp1:
0x5e: {  	[sflag:s30] =	ssyncset.done $0x0;
	(pc) =	sbr.rel @p0 .LBB2_4-.Ltmp1, $4  }
0x5f: {  	s3 =	sadd.s32 $0x1480, s6;
	[sflag:s30] =	ssyncadd.s32 $0xFFFFC000  }
0x60: {  	[spmem:s1] =	stream.indirect.scatter.add.f32 [tilespmem:s29], [sflag:$0x2], $0x80, s3, s28, $0xb8;
	[tilespmem:$0x1E800] =	vst v63  }
0x61: {  	_ =	swait.ge [sflag:s25], $0x4000  }
0x62: {  	s3 =	smov.u32 s7;
	[sflag:s25] =	ssyncset.done $0x0  }
0x63: {  	s0 =	sshra.s32 s0, $0x2;
	[sflag:s25] =	ssyncadd.s32 $0xFFFFC000  }
0x64: {  	[tilespmem:s24], [sflag:$0x1] =	stream.indirect.gather [hbm4b:s4+s28], $0x80, s0, s28, $0xb8;
	[tilespmem:$0x1E800] =	vst v63  }
0x65: {  	s3 =	sadd.s32 $0x80, s0  }
0x66: {  	[tilespmem:s29], [sflag:$0x1] =	stream.indirect.gather [hbm4b:s4+s28], $0x80, s3, s28, $0xb8;
	[tilespmem:$0x1E800] =	vst v63  }
0x67: {  	_ =	swait.ge [sflag:s30], $0x4000  }
0x68: {  	[sflag:s30] =	ssyncset.done $0x0  }
0x69: {  	s7 =	sadd.s32 $0x1400, s0;
	[sflag:s30] =	ssyncadd.s32 $0xFFFFC000  }
0x6a: {  	[spmem:s1] =	stream.indirect.scatter.add.f32 [tilespmem:s24], [sflag:$0x2], $0x80, s7, s28, $0xb8;
	[tilespmem:$0x1E800] =	vst v63  }
0x6b: {  	_ =	swait.ge [sflag:s25], $0x4000  }
0x6c: {  	[sflag:s25] =	ssyncset.done $0x0  }
0x6d: {  	[sflag:s25] =	ssyncadd.s32 $0xFFFFC000  }
0x6e: {  	_ =	swait.ge [sflag:s30], $0x4000  }
0x6f: {  	[sflag:s30] =	ssyncset.done $0x0  }
0x70: {  	s0 =	sadd.s32 $0x1480, s0;
	[sflag:s30] =	ssyncadd.s32 $0xFFFFC000  }
0x71: {  	[spmem:s1] =	stream.indirect.scatter.add.f32 [tilespmem:s29], [sflag:$0x2], $0x80, s0, s28, $0xb8;
	[tilespmem:$0x1E800] =	vst v63  }
0x72: {  	_ =	swait.ge [sflag:s25], $0x4000  }
0x73: {  	[sflag:s25] =	ssyncset.done $0x0  }
0x74: {  	s6 =	simm.s32 $0x0;
	[sflag:s25] =	ssyncadd.s32 $0xFFFFC000  }
0x75: {  	[tilespmem:s6], [sflag:$0x2] =	stream.linear.gather [hbm4b:s13+s6], $0x1400, $0x38;
	[tilespmem:$0x1E800] =	vst v63  }
0x76: {  	_ =	swait.ge [sflag:s25], $0x1400  }
0x77: {  	[sflag:s25] =	ssyncset.done $0x0  }
0x78: {  	[sflag:s25] =	ssyncadd.s32 $0xFFFFEC00  }
0x79: {  	[tilespmem:s26], [sflag:$0x2] =	stream.linear.gather [hbm4b:s14+s6], $0x1400, $0x38;
	[tilespmem:$0x1E800] =	vst v63  }
0x7a: {  	_ =	swait.ge [sflag:s25], $0x1400  }
0x7b: {  	[sflag:s25] =	ssyncset.done $0x0  }
0x7c: {  	s7 =	simm.s32 $0x0;
	[sflag:s25] =	ssyncadd.s32 $0xFFFFEC00  }
0x7d: {  	[tilespmem:s24], [sflag:$0x1] =	stream.indirect.gather [hbm4b:s4+s28], $0x80, s7, s28, $0xb8;
	[tilespmem:$0x1E800] =	vst v63  }
0x7e: {  	s3 =	simm.s32 $0x80  }
0x7f: {  	[tilespmem:s29], [sflag:$0x1] =	stream.indirect.gather [hbm4b:s4+s28], $0x80, s3, s28, $0xb8;
	[tilespmem:$0x1E800] =	vst v63  }
0x80: {  	_ =	swait.ge [sflag:s30], $0x4000  }
0x81: {  	[sflag:s30] =	ssyncset.done $0x0  }
0x82: {  	s6 =	simm.s32 $0x1400;
	[sflag:s30] =	ssyncadd.s32 $0xFFFFC000  }
0x83: {  	[spmem:s1] =	stream.indirect.scatter.add.f32 [tilespmem:s24], [sflag:$0x2], $0x80, s6, s28, $0xb8;
	[tilespmem:$0x1E800] =	vst v63  }
0x84: {  	_ =	swait.ge [sflag:s25], $0x4000  }
0x85: {  	[sflag:s25] =	ssyncset.done $0x0  }
0x86: {  	[sflag:s25] =	ssyncadd.s32 $0xFFFFC000  }
0x87: {  	_ =	swait.ge [sflag:s30], $0x4000  }
0x88: {  	[sflag:s30] =	ssyncset.done $0x0  }
0x89: {  	s7 =	simm.s32 $0x1480;
	[sflag:s30] =	ssyncadd.s32 $0xFFFFC000  }
0x8a: {  	[spmem:s1] =	stream.indirect.scatter.add.f32 [tilespmem:s29], [sflag:$0x2], $0x80, s7, s28, $0xb8;
	[tilespmem:$0x1E800] =	vst v63  }
0x8b: {  	_ =	swait.ge [sflag:s25], $0x4000  }
0x8c: {  	s0 =	simm.s32 $0x400;
	s3 =	simm.s32 $0x800;
	[sflag:s25] =	ssyncset.done $0x0  }
.LBB2_6:
0x8d: {  	s6 =	sshra.s32 s0, $0x2  }
0x8e: {  	[sflag:s25] =	ssyncadd.s32 $0xFFFFC000;
	s0 =	smov.u32 s3;
	s7 =	sadd.s32 $0x400, s3  }
0x8f: {  	[tilespmem:s24], [sflag:$0x1] =	stream.indirect.gather [hbm4b:s4+s28], $0x80, s6, s28, $0xb8;
	[tilespmem:$0x1E800] =	vst v63  }
0x90: {  	p0 =	sne.s32 s3, $0x4C00;
	s3 =	sadd.s32 $0x80, s6  }
0x91: {  	[tilespmem:s29], [sflag:$0x1] =	stream.indirect.gather [hbm4b:s4+s28], $0x80, s3, s28, $0xb8;
	[tilespmem:$0x1E800] =	vst v63  }
0x92: {  	_ =	swait.ge [sflag:s30], $0x4000  }
0x93: {  	[sflag:s30] =	ssyncset.done $0x0  }
0x94: {  	s3 =	sadd.s32 $0x1400, s6;
	[sflag:s30] =	ssyncadd.s32 $0xFFFFC000  }
0x95: {  	[spmem:s1] =	stream.indirect.scatter.add.f32 [tilespmem:s24], [sflag:$0x2], $0x80, s3, s28, $0xb8;
	[tilespmem:$0x1E800] =	vst v63  }
0x96: {  	_ =	swait.ge [sflag:s25], $0x4000  }
0x97: {  	[sflag:s25] =	ssyncset.done $0x0  }
0x98: {  	[sflag:s25] =	ssyncadd.s32 $0xFFFFC000  }
0x99: {  	_ =	swait.ge [sflag:s30], $0x4000  }
.Ltmp2:
0x9a: {  	[sflag:s30] =	ssyncset.done $0x0;
	(pc) =	sbr.rel @p0 .LBB2_6-.Ltmp2, $4  }
0x9b: {  	s3 =	sadd.s32 $0x1480, s6;
	[sflag:s30] =	ssyncadd.s32 $0xFFFFC000  }
0x9c: {  	[spmem:s1] =	stream.indirect.scatter.add.f32 [tilespmem:s29], [sflag:$0x2], $0x80, s3, s28, $0xb8;
	[tilespmem:$0x1E800] =	vst v63  }
0x9d: {  	_ =	swait.ge [sflag:s25], $0x4000  }
0x9e: {  	s3 =	smov.u32 s7;
	[sflag:s25] =	ssyncset.done $0x0  }
0x9f: {  	s0 =	sshra.s32 s0, $0x2;
	[sflag:s25] =	ssyncadd.s32 $0xFFFFC000  }
0xa0: {  	[tilespmem:s24], [sflag:$0x1] =	stream.indirect.gather [hbm4b:s4+s28], $0x80, s0, s28, $0xb8;
	[tilespmem:$0x1E800] =	vst v63  }
0xa1: {  	s3 =	sadd.s32 $0x80, s0  }
0xa2: {  	[tilespmem:s29], [sflag:$0x1] =	stream.indirect.gather [hbm4b:s4+s28], $0x80, s3, s28, $0xb8;
	[tilespmem:$0x1E800] =	vst v63  }
0xa3: {  	_ =	swait.ge [sflag:s30], $0x4000  }
0xa4: {  	[sflag:s30] =	ssyncset.done $0x0  }
0xa5: {  	s6 =	sadd.s32 $0x1400, s0;
	[sflag:s30] =	ssyncadd.s32 $0xFFFFC000  }
0xa6: {  	[spmem:s1] =	stream.indirect.scatter.add.f32 [tilespmem:s24], [sflag:$0x2], $0x80, s6, s28, $0xb8;
	[tilespmem:$0x1E800] =	vst v63  }
0xa7: {  	_ =	swait.ge [sflag:s25], $0x4000  }
0xa8: {  	[sflag:s25] =	ssyncset.done $0x0  }
0xa9: {  	[sflag:s25] =	ssyncadd.s32 $0xFFFFC000  }
0xaa: {  	_ =	swait.ge [sflag:s30], $0x4000  }
0xab: {  	[sflag:s30] =	ssyncset.done $0x0  }
0xac: {  	s0 =	sadd.s32 $0x1480, s0;
	[sflag:s30] =	ssyncadd.s32 $0xFFFFC000  }
0xad: {  	[spmem:s1] =	stream.indirect.scatter.add.f32 [tilespmem:s29], [sflag:$0x2], $0x80, s0, s28, $0xb8;
	[tilespmem:$0x1E800] =	vst v63  }
0xae: {  	_ =	swait.ge [sflag:s25], $0x4000  }
0xaf: {  	[sflag:s25] =	ssyncset.done $0x0  }
0xb0: {  	[sflag:s25] =	ssyncadd.s32 $0xFFFFC000  }
0xb1: {  	[bflag:$0x0] =	sbarrier.arrive $0xFFFF  }
0xb2: {  	[tilespmem:s24], [sflag:$0x2] =	stream.linear.gather [spmem:s5], $0x4000, $0x38;
	[tilespmem:$0x1E800] =	vst v63  }
0xb3: {  	_ =	swait.ge [sflag:s25], $0x4000  }
0xb4: {  	[sflag:s25] =	ssyncset.done $0x0  }
0xb5: {  	[sflag:s25] =	ssyncadd.s32 $0xFFFFC000  }
0xb6: {  	[hbm4b:s15+s2] =	stream.linear.scatter [tilespmem:s24], [sflag:$0x2], $0x4000, $0x38;
	[tilespmem:$0x1E800] =	vst v63  }
0xb7: {  	_ =	swait.ge [sflag:s25], $0x4000  }
0xb8: {  	[sflag:s25] =	ssyncset.done $0x0  }
0xb9: {  	[sflag:s25] =	ssyncadd.s32 $0xFFFFC000  }
0xba: {  	[tilespmem:s24], [sflag:$0x2] =	stream.linear.gather [spmem:s16], $0x4000, $0x38;
	[tilespmem:$0x1E800] =	vst v63  }
0xbb: {  	_ =	swait.ge [sflag:s25], $0x4000  }
0xbc: {  	[sflag:s25] =	ssyncset.done $0x0  }
0xbd: {  	[sflag:s25] =	ssyncadd.s32 $0xFFFFC000  }
0xbe: {  	[hbm4b:s17+s2] =	stream.linear.scatter [tilespmem:s24], [sflag:$0x2], $0x4000, $0x38;
	[tilespmem:$0x1E800] =	vst v63  }
0xbf: {  	_ =	swait.ge [sflag:s25], $0x4000  }
0xc0: {  	[sflag:s25] =	ssyncset.done $0x0  }
0xc1: {  	[sflag:s25] =	ssyncadd.s32 $0xFFFFC000  }
0xc2: {  	[tilespmem:s24], [sflag:$0x2] =	stream.linear.gather [spmem:s18], $0x4000, $0x38;
	[tilespmem:$0x1E800] =	vst v63  }
0xc3: {  	_ =	swait.ge [sflag:s25], $0x4000  }
0xc4: {  	[sflag:s25] =	ssyncset.done $0x0  }
0xc5: {  	[sflag:s25] =	ssyncadd.s32 $0xFFFFC000  }
0xc6: {  	[hbm4b:s19+s2] =	stream.linear.scatter [tilespmem:s24], [sflag:$0x2], $0x4000, $0x38;
	[tilespmem:$0x1E800] =	vst v63  }
0xc7: {  	_ =	swait.ge [sflag:s25], $0x4000  }
0xc8: {  	[sflag:s25] =	ssyncset.done $0x0  }
0xc9: {  	[sflag:s25] =	ssyncadd.s32 $0xFFFFC000  }
0xca: {  	[tilespmem:s24], [sflag:$0x2] =	stream.linear.gather [spmem:s20], $0x4000, $0x38;
	[tilespmem:$0x1E800] =	vst v63  }
0xcb: {  	_ =	swait.ge [sflag:s25], $0x4000  }
0xcc: {  	[sflag:s25] =	ssyncset.done $0x0  }
0xcd: {  	[sflag:s25] =	ssyncadd.s32 $0xFFFFC000  }
0xce: {  	[hbm4b:s21+s2] =	stream.linear.scatter [tilespmem:s24], [sflag:$0x2], $0x4000, $0x38;
	[tilespmem:$0x1E800] =	vst v63  }
0xcf: {  	_ =	swait.ge [sflag:s25], $0x4000  }
0xd0: {  	[sflag:s25] =	ssyncset.done $0x0  }
0xd1: {  	[sflag:s25] =	ssyncadd.s32 $0xFFFFC000  }
0xd2: {  	[tilespmem:s24], [sflag:$0x2] =	stream.linear.gather [spmem:s22], $0x4000, $0x38;
	[tilespmem:$0x1E800] =	vst v63  }
0xd3: {  	_ =	swait.ge [sflag:s25], $0x4000  }
0xd4: {  	[sflag:s25] =	ssyncset.done $0x0  }
0xd5: {  	[sflag:s25] =	ssyncadd.s32 $0xFFFFC000  }
0xd6: {  	[hbm4b:s23+s2] =	stream.linear.scatter [tilespmem:s24], [sflag:$0x2], $0x4000, $0x38;
	[tilespmem:$0x1E800] =	vst v63  }
0xd7: {  	_ =	swait.ge [sflag:s25], $0x4000  }
0xd8: {  	s31 =	sadd.s32 $0x1, s31;
	s7 =	rddreg [dreg:$0x4]  }
0xd9: {  	p0 =	sne.s32 s31, s7  }
.Ltmp3:
0xda: {  	_ = 	snop;
	(pc) =	sbr.rel @p0 .LBB2_1-.Ltmp3, $3  }
0xdb: {  	_ =	sdelay $0x1  }
0xdc: {  	[sflag:s25] =	ssyncset.done $0x0  }
0xdd: {  	[sflag:s25] =	ssyncadd.s32 $0xFFFFC000  }
0xde: {  	_ =	sfence.sel $0x180000  }
0xdf: {  	[bflag:$0x0] =	sbarrier.arrive $0xFFFF  }
0xe0: {  	_ =	strace $0x90000047  }
0xe1: {  	s0 =	stileid.u32;
	[bflag:$0x2] =	sbarrier.arrive $0xFFFF  }
0xe2: {  	p0 =	sne.s32 s0, $0x0;
	s0 =	rddreg [dreg:$0x3]  }
0xe3: {  	s0 =	sadd.s32 @!p0 $0x100000, s0  }
0xe4: {  	[sflag:s0] =	ssyncadd.tile.s32 @!p0 $0x1;
	_ =	shalt  }
.Lfunc_end2:
_tile_overlayer_lowered:
.L_overlay_start_2:
0xe5: {  	(tag) =	ssettag $0x2  }
0xe6: {  	s0 =	rddreg [dreg:$0x0];
	s2 =	stileid.u32  }
0xe7: {  	s1 =	rddreg [dreg:$0x1];
	p0 =	sne.s32 s2, $0x0  }
0xe8: {  	s3 =	rddreg [dreg:$0x2];
	[bflag:$0x3] =	sbarrier.arrive $0xFFFF;
	s2 =	simm.s32 @!p0 $0x1C02  }
0xe9: {  	[timem:s3], [sflag:s2] =	dma.local @!p0 [hbm:s0], s1  }
0xea: {  	s0 =	simm.s32 @!p0 $0x2  }
0xeb: {  	_ =	swait.ge @!p0 [sflag:s0], s1  }
0xec: {  	s1 =	ssub.s32 @!p0 $0x0, s1;
	[sflag:s0] =	ssyncset.done @!p0 $0x0  }
0xed: {  	[sflag:s0] =	ssyncadd.s32 @!p0 s1  }
0xee: {  	[bflag:$0x3] =	sbarrier.arrive $0xFFFF  }
0xef: {  	_ =	shalt  }

</sc_bundles>
